<compile_context>
chip_gen: v7x
topology: tpu7x:2x2x1
jax: 0.10.2.dev20260603
libtpu: 0.0.44.dev20260713+nightly
codegen_flags: <defaults>
</compile_context>

<pallas_src>
import functools

import jax
import jax.numpy as jnp
from jax import lax
from jax.experimental import pallas as pl
from jax.experimental.pallas import tpu as pltpu
from jax.experimental.pallas import tpu_sc as plsc

_NC, _NS, _L = 2, 16, 16
_NW = _NC * _NS
_B = 128
_LODBITS = (4, 5, 6, 7)
_PAIRS = [(dx, dy) for dx in (0, 1) for dy in (0, 1)]


@functools.lru_cache(maxsize=None)
def _make_kernel(n: int):
    tb = -(-n // _B)
    kmax = (-(-tb // _NW) + 1) // 2

    mesh = plsc.VectorSubcoreMesh(core_axis_name="c", subcore_axis_name="s",
                                  num_cores=_NC, num_subcores=_NS)

    def body(pts, t0, t1, t2, t3, out,
             ptsb0, ptsb1, fx0, fy0, fz0, fx1, fy1, fz1, idx0, idx1,
             rows0, rows1, outv0, outv1,
             g00, g01, g02, g03, g10, g11, g12, g13,
             xs0, xs1, os0, os1):
        tabs = [t0, t1, t2, t3]
        ptsb = [ptsb0, ptsb1]
        fxs = [fx0, fx1]
        fys = [fy0, fy1]
        fzs = [fz0, fz1]
        idxs = [idx0, idx1]
        rows = [rows0, rows1]
        outv = [outv0, outv1]
        gsem = [[g00, g01, g02, g03], [g10, g11, g12, g13]]
        xsem = [xs0, xs1]
        osem = [os0, os1]

        wid = lax.axis_index("s") * _NC + lax.axis_index("c")
        lo = wid * tb // _NW
        hi = (wid + 1) * tb // _NW
        nw = hi - lo

        iota = lax.iota(jnp.int32, _L)
        feat8 = iota & 7
        feat8h = feat8 + 8
        rep8 = iota >> 3
        def r0_of(m):
            return jnp.minimum((lo + m) * _B, n - _B)

        def fire_xyz(m, h):
            pltpu.async_copy(pts.at[pl.ds(r0_of(m) * 3, _B * 3)],
                             ptsb[h], xsem[h])

        def wait_xyz(h):
            pltpu.make_async_copy(
                pts.at[pl.ds(0, _B * 3)], ptsb[h], xsem[h]).wait()

        def stage(m, h):
            for l in range(4):
                lb = _LODBITS[l]
                lod = 1 << lb
                scale = (lod - 1) * 0.5

                def idx_body(i, c, l=l, lb=lb, lod=lod, scale=scale):
                    row3 = (i * _L + iota) * 3
                    x = plsc.load_gather(ptsb[h], [row3])
                    y = plsc.load_gather(ptsb[h], [row3 + 1])
                    z = plsc.load_gather(ptsb[h], [row3 + 2])
                    x = x * scale + scale
                    y = y * scale + scale
                    z = z * scale + scale
                    xi = jnp.minimum(x.astype(jnp.int32), lod - 2)
                    yi = jnp.minimum(y.astype(jnp.int32), lod - 2)
                    zi = jnp.minimum(z.astype(jnp.int32), lod - 2)
                    fsl = pl.ds(l * _B + i * _L, _L)
                    fxs[h][fsl] = x - xi.astype(jnp.float32)
                    fys[h][fsl] = y - yi.astype(jnp.float32)
                    fzs[h][fsl] = z - zi.astype(jnp.float32)
                    bidx = (xi << (2 * lb)) + (yi << lb) + zi
                    for c2, (dx, dy) in enumerate(_PAIRS):
                        off = dx * lod * lod + dy * lod
                        isl = pl.ds((l * 4 + c2) * _B + i * _L, _L)
                        idxs[h][isl] = bidx + off
                    return c

                lax.fori_loop(0, _B // _L, idx_body, 0)
                for c2 in range(4):
                    s = pl.ds((l * 4 + c2) * _B, _B)
                    pltpu.async_copy(tabs[l].at[idxs[h].at[s]],
                                     rows[h].at[s], gsem[h][l])

        def drain_gathers(h, l):
            for _ in range(4):
                pltpu.make_async_copy(
                    tabs[l].at[pl.ds(0, _B)],
                    rows[h].at[pl.ds(0, _B)], gsem[h][l]).wait()

        def drain_out(h):
            pltpu.make_async_copy(
                outv[h], out.at[pl.ds(0, _B * 32)], osem[h]).wait()

        def accum(m, h):
            for l in range(4):
                drain_gathers(h, l)
                opatt = feat8 + (rep8 << 5) + l * 8

                def acc_body(q, c, l=l, opatt=opatt):
                    pvec = q * 2 + rep8
                    fvec = l * _B + pvec
                    fxe = plsc.load_gather(fxs[h], [fvec])
                    fye = plsc.load_gather(fys[h], [fvec])
                    fze = plsc.load_gather(fzs[h], [fvec])
                    gxe = 1.0 - fxe
                    gye = 1.0 - fye
                    gze = 1.0 - fze
                    wxy = ((gxe * gye, gxe * fye), (fxe * gye, fxe * fye))
                    acc = None
                    for c2, (dx, dy) in enumerate(_PAIRS):
                        prow = (l * 4 + c2) * _B + pvec
                        rz0 = plsc.load_gather(rows[h], [prow, feat8])
                        rz1 = plsc.load_gather(rows[h], [prow, feat8h])
                        t = gze * rz0 + fze * rz1
                        w = wxy[dx][dy]
                        acc = w * t if acc is None else acc + w * t
                    plsc.store_scatter(outv[h], [q * 64 + opatt], acc)
                    return c

                lax.fori_loop(0, _B // 2, acc_body, 0)
            pltpu.async_copy(outv[h], out.at[pl.ds(r0_of(m) * 32, _B * 32)],
                             osem[h])

        def loop(k, carry):
            @pl.when(k < nw)
            def _():
                fire_xyz(k, 0)
                wait_xyz(0)
                stage(k, 0)
                accum(k, 0)
                drain_out(0)
            return carry

        lax.fori_loop(0, 2 * kmax, loop, 0)

    return pl.kernel(
        body,
        out_type=jax.ShapeDtypeStruct((n * 32,), jnp.float32),
        mesh=mesh,
        compiler_params=pltpu.CompilerParams(
            needs_layout_passes=False, use_tc_tiling_on_sc=False),
        scratch_types=(
            [pltpu.VMEM((_B * 3,), jnp.float32)] * 2
            + [pltpu.VMEM((4 * _B,), jnp.float32)] * 6
            + [pltpu.VMEM((4 * 4 * _B,), jnp.int32)] * 2
            + [pltpu.VMEM((4 * 4 * _B, 2 * 8), jnp.float32)] * 2
            + [pltpu.VMEM((_B * 32,), jnp.float32)] * 2
            + [pltpu.SemaphoreType.DMA] * 12
        ),
    )


def _zpair(g):
    return jnp.concatenate([g, jnp.roll(g, -1, axis=0)], axis=1)


def kernel(pts, grid_0, grid_1, grid_2, grid_3):
    n = pts.shape[0]
    tabs = [_zpair(g) for g in (grid_0, grid_1, grid_2, grid_3)]
    out = _make_kernel(n)(pts.reshape(n * 3), *tabs)
    return out.reshape(n, 32)

# --- scband reference (transcript-rebuilt; emitter-appended) ---
"""Pipeline reference for scband-dense-grid-52029233823908 (READ-ONLY COPY).

The authoritative reference and input builder live on the scoring server;
editing this copy changes nothing except your own understanding.
"""

import jax, jax.numpy as jnp
import numpy as np

BASE_LOD = 4
NUM_LODS = 4
FEAT_DIM = 8
N_PTS = 500000
LODS = [2 ** l for l in range(BASE_LOD, BASE_LOD + NUM_LODS)]


def setup_inputs(seed: int = 0) -> dict:
    key = jax.random.key(seed)
    key, kp = jax.random.split(key)
    pts = jax.random.uniform(kp, (N_PTS, 3), dtype=jnp.float32, minval=0.0, maxval=1.0)
    inp = {"pts": pts}
    for i, lod in enumerate(LODS):
        key, kk = jax.random.split(key)
        inp[f"grid_{i}"] = jax.random.normal(kk, (lod ** 3, FEAT_DIM), dtype=jnp.float32) * 0.01
    return inp


def trilinear_interp(feature_grid, pts, lod):
    # pts assumed in [-1, 1]; map to continuous voxel coords [0, lod-1]
    x = (pts * 0.5 + 0.5) * (lod - 1)
    x0f = jnp.clip(jnp.floor(x), 0.0, lod - 2)
    x0 = x0f.astype(jnp.int32)
    frac = x - x0f
    fx, fy, fz = frac[:, 0], frac[:, 1], frac[:, 2]
    ix0, iy0, iz0 = x0[:, 0], x0[:, 1], x0[:, 2]
    out = jnp.zeros((pts.shape[0], feature_grid.shape[1]), dtype=feature_grid.dtype)
    for dx in (0, 1):
        wx = fx if dx == 1 else (1.0 - fx)
        for dy in (0, 1):
            wy = fy if dy == 1 else (1.0 - fy)
            for dz in (0, 1):
                wz = fz if dz == 1 else (1.0 - fz)
                idx = (ix0 + dx) * (lod * lod) + (iy0 + dy) * lod + (iz0 + dz)
                corner = jnp.take(feature_grid, idx, axis=0)
                out = out + (wx * wy * wz)[:, None] * corner
    return out


def reference(pts, grid_0, grid_1, grid_2, grid_3):
    grids = [grid_0, grid_1, grid_2, grid_3]
    feats = []
    for lod, grid in zip(LODS, grids):
        feats.append(trilinear_interp(grid, pts, lod))
    return jnp.concatenate(feats, axis=-1)

if __name__ == "__main__":
    import jax
    _d = setup_inputs()
    print(jax.jit(kernel)(*tuple(_d.values())))

</pallas_src>

<mosaic_0001>
#map = affine_map<(d0, d1) -> (0)>
#map1 = affine_map<(d0, d1) -> (0, 0)>
module attributes {stable_mosaic.version = 14 : i64} {
  func.func @body(%arg0: i32, %arg1: i32, %arg2: memref<1500000xf32, #tpu.memory_space<hbm>>, %arg3: memref<4096x16xf32, #tpu.memory_space<hbm>>, %arg4: memref<32768x16xf32, #tpu.memory_space<hbm>>, %arg5: memref<262144x16xf32, #tpu.memory_space<hbm>>, %arg6: memref<2097152x16xf32, #tpu.memory_space<hbm>>, %arg7: memref<16000000xf32, #tpu.memory_space<hbm>>, %arg8: memref<384xf32, #tpu.memory_space<vmem>>, %arg9: memref<384xf32, #tpu.memory_space<vmem>>, %arg10: memref<512xf32, #tpu.memory_space<vmem>>, %arg11: memref<512xf32, #tpu.memory_space<vmem>>, %arg12: memref<512xf32, #tpu.memory_space<vmem>>, %arg13: memref<512xf32, #tpu.memory_space<vmem>>, %arg14: memref<512xf32, #tpu.memory_space<vmem>>, %arg15: memref<512xf32, #tpu.memory_space<vmem>>, %arg16: memref<2048xi32, #tpu.memory_space<vmem>>, %arg17: memref<2048xi32, #tpu.memory_space<vmem>>, %arg18: memref<2048x16xf32, #tpu.memory_space<vmem>>, %arg19: memref<2048x16xf32, #tpu.memory_space<vmem>>, %arg20: memref<4096xf32, #tpu.memory_space<vmem>>, %arg21: memref<4096xf32, #tpu.memory_space<vmem>>, %arg22: memref<!tpu.dma_semaphore, #tpu.memory_space<semaphore_mem>>, %arg23: memref<!tpu.dma_semaphore, #tpu.memory_space<semaphore_mem>>, %arg24: memref<!tpu.dma_semaphore, #tpu.memory_space<semaphore_mem>>, %arg25: memref<!tpu.dma_semaphore, #tpu.memory_space<semaphore_mem>>, %arg26: memref<!tpu.dma_semaphore, #tpu.memory_space<semaphore_mem>>, %arg27: memref<!tpu.dma_semaphore, #tpu.memory_space<semaphore_mem>>, %arg28: memref<!tpu.dma_semaphore, #tpu.memory_space<semaphore_mem>>, %arg29: memref<!tpu.dma_semaphore, #tpu.memory_space<semaphore_mem>>, %arg30: memref<!tpu.dma_semaphore, #tpu.memory_space<semaphore_mem>>, %arg31: memref<!tpu.dma_semaphore, #tpu.memory_space<semaphore_mem>>, %arg32: memref<!tpu.dma_semaphore, #tpu.memory_space<semaphore_mem>>, %arg33: memref<!tpu.dma_semaphore, #tpu.memory_space<semaphore_mem>>) attributes {dimension_semantics = [#tpu.dimension_semantics<core_parallel>, #tpu.dimension_semantics<subcore_parallel>], iteration_bounds = array<i64: 2, 16>, scalar_prefetch = 0 : i64, scratch_operands = 26 : i64, tpu.core_type = #tpu.core_type<sc_vector_subcore>, window_params = [{transform_indices = #map}, {transform_indices = #map1}, {transform_indices = #map1}, {transform_indices = #map1}, {transform_indices = #map1}, {transform_indices = #map}]} {
    %mul3A = arith.constant 2 : i32
    %mul3A_0 = arith.muli %arg1, %mul3A : i32
    %add3A = arith.addi %mul3A_0, %arg0 : i32
    %mul3A_1 = arith.constant 3907 : i32
    %mul3A_2 = arith.muli %add3A, %mul3A_1 : i32
    %jit3A = arith.constant 32 : i32
    %div3A = arith.divsi %mul3A_2, %jit3A : i32
    %sign3A = arith.constant 0 : i32
    %sign3A_3 = arith.cmpi sgt, %mul3A_2, %sign3A : i32
    %sign3A_4 = arith.extui %sign3A_3 : i1 to i32
    %sign3A_5 = arith.constant 0 : i32
    %sign3A_6 = arith.cmpi slt, %mul3A_2, %sign3A_5 : i32
    %sign3A_7 = arith.extui %sign3A_6 : i1 to i32
    %sign3A_8 = arith.subi %sign3A_4, %sign3A_7 : i32
    %sign3A_9 = arith.constant 0 : i32
    %sign3A_10 = arith.cmpi sgt, %jit3A, %sign3A_9 : i32
    %sign3A_11 = arith.extui %sign3A_10 : i1 to i32
    %sign3A_12 = arith.constant 0 : i32
    %sign3A_13 = arith.cmpi slt, %jit3A, %sign3A_12 : i32
    %sign3A_14 = arith.extui %sign3A_13 : i1 to i32
    %sign3A_15 = arith.subi %sign3A_11, %sign3A_14 : i32
    %ne3A = arith.cmpi ne, %sign3A_8, %sign3A_15 : i32
    %rem3A = arith.remsi %mul3A_2, %jit3A : i32
    %ne3A_16 = arith.constant 0 : i32
    %ne3A_17 = arith.cmpi ne, %rem3A, %ne3A_16 : i32
    %and3A = arith.andi %ne3A, %ne3A_17 : i1
    %sub3A = arith.constant 1 : i32
    %sub3A_18 = arith.subi %div3A, %sub3A : i32
    %select_n3A = arith.select %and3A, %sub3A_18, %div3A : i32
    %add3A_19 = arith.constant 1 : i32
    %add3A_20 = arith.addi %add3A, %add3A_19 : i32
    %mul3A_21 = arith.constant 3907 : i32
    %mul3A_22 = arith.muli %add3A_20, %mul3A_21 : i32
    %jit3A_23 = arith.constant 32 : i32
    %div3A_24 = arith.divsi %mul3A_22, %jit3A_23 : i32
    %sign3A_25 = arith.constant 0 : i32
    %sign3A_26 = arith.cmpi sgt, %mul3A_22, %sign3A_25 : i32
    %sign3A_27 = arith.extui %sign3A_26 : i1 to i32
    %sign3A_28 = arith.constant 0 : i32
    %sign3A_29 = arith.cmpi slt, %mul3A_22, %sign3A_28 : i32
    %sign3A_30 = arith.extui %sign3A_29 : i1 to i32
    %sign3A_31 = arith.subi %sign3A_27, %sign3A_30 : i32
    %sign3A_32 = arith.constant 0 : i32
    %sign3A_33 = arith.cmpi sgt, %jit3A_23, %sign3A_32 : i32
    %sign3A_34 = arith.extui %sign3A_33 : i1 to i32
    %sign3A_35 = arith.constant 0 : i32
    %sign3A_36 = arith.cmpi slt, %jit3A_23, %sign3A_35 : i32
    %sign3A_37 = arith.extui %sign3A_36 : i1 to i32
    %sign3A_38 = arith.subi %sign3A_34, %sign3A_37 : i32
    %ne3A_39 = arith.cmpi ne, %sign3A_31, %sign3A_38 : i32
    %rem3A_40 = arith.remsi %mul3A_22, %jit3A_23 : i32
    %ne3A_41 = arith.constant 0 : i32
    %ne3A_42 = arith.cmpi ne, %rem3A_40, %ne3A_41 : i32
    %and3A_43 = arith.andi %ne3A_39, %ne3A_42 : i1
    %sub3A_44 = arith.constant 1 : i32
    %sub3A_45 = arith.subi %div3A_24, %sub3A_44 : i32
    %select_n3A_46 = arith.select %and3A_43, %sub3A_45, %div3A_24 : i32
    %sub3A_47 = arith.subi %select_n3A_46, %select_n3A : i32
    %iota3A = tpu.iota {dimensions = array<i32: 0>} : vector<16xi32>
    %and3A_48 = arith.constant 7 : i32
    %and3A_49 = vector.broadcast %and3A_48 : i32 to vector<16xi32>
    %and3A_50 = arith.andi %iota3A, %and3A_49 : vector<16xi32>
    %add3A_51 = arith.constant 8 : i32
    %add3A_52 = vector.broadcast %add3A_51 : i32 to vector<16xi32>
    %add3A_53 = arith.addi %and3A_50, %add3A_52 : vector<16xi32>
    %shift_right_arithmetic3A = arith.constant 3 : i32
    %shift_right_arithmetic3A_54 = vector.broadcast %shift_right_arithmetic3A : i32 to vector<16xi32>
    %shift_right_arithmetic3A_55 = arith.shrsi %iota3A, %shift_right_arithmetic3A_54 : vector<16xi32>
    %scan3A = arith.constant 0 : i32
    %scan3A_56 = arith.constant 0 : i32
    %scan3A_57 = arith.constant 124 : i32
    %scan3A_58 = arith.addi %scan3A_56, %scan3A_57 : i32
    %scan3A_59 = arith.constant 1 : i32
    scf.for %scan3A_61 = %scan3A_56 to %scan3A_58 step %scan3A_59  : i32 {
      %lt3A = arith.cmpi slt, %scan3A_61, %sub3A_47 : i32
      %convert_element_type3A = arith.extui %lt3A : i1 to i32
      %cond3A = arith.constant 0 : i32
      %cond3A_62 = arith.cmpi ne, %convert_element_type3A, %cond3A : i32
      scf.if %cond3A_62 {
        %add3A_63 = arith.addi %select_n3A, %scan3A_61 : i32
        %mul3A_64 = arith.constant 128 : i32
        %mul3A_65 = arith.muli %add3A_63, %mul3A_64 : i32
        %min3A = arith.constant 499872 : i32
        %min3A_66 = arith.minsi %mul3A_65, %min3A : i32
        %mul3A_67 = arith.constant 3 : i32
        %mul3A_68 = arith.muli %min3A_66, %mul3A_67 : i32
        %dma_start3A = tpu.memref_slice %arg2[%mul3A_68] : memref<1500000xf32, #tpu.memory_space<hbm>> -> memref<384xf32, #tpu.memory_space<hbm>>
        %dma_start3A_69 = tpu.memref_slice %arg2[%mul3A_68] : memref<1500000xf32, #tpu.memory_space<hbm>> -> memref<384xf32, #tpu.memory_space<hbm>>
        tpu.enqueue_dma source(%dma_start3A_69 : memref<384xf32, #tpu.memory_space<hbm>>) target(%arg8 : memref<384xf32, #tpu.memory_space<vmem>>) target_semaphore(%arg30 : memref<!tpu.dma_semaphore, #tpu.memory_space<semaphore_mem>>)
        %dma_wait3A = arith.constant 0 : i32
        %dma_wait3A_70 = tpu.memref_slice %arg2[%dma_wait3A] : memref<1500000xf32, #tpu.memory_space<hbm>> -> memref<384xf32, #tpu.memory_space<hbm>>
        %dma_wait3A_71 = arith.constant 0 : i32
        %dma_wait3A_72 = tpu.memref_slice %arg2[%dma_wait3A_71] : memref<1500000xf32, #tpu.memory_space<hbm>> -> memref<384xf32, #tpu.memory_space<hbm>>
        tpu.wait_dma2 semaphore(%arg30 : memref<!tpu.dma_semaphore, #tpu.memory_space<semaphore_mem>>) src(%dma_wait3A_72 : memref<384xf32, #tpu.memory_space<hbm>>) dst(%arg8 : memref<384xf32, #tpu.memory_space<vmem>>)
        %scan3A_73 = arith.constant 0 : i32
        %scan3A_74 = arith.constant 0 : i32
        %scan3A_75 = arith.constant 8 : i32
        %scan3A_76 = arith.addi %scan3A_74, %scan3A_75 : i32
        %scan3A_77 = arith.constant 1 : i32
        scf.for %scan3A_481 = %scan3A_74 to %scan3A_76 step %scan3A_77  : i32 {
          %mul3A_482 = arith.constant 16 : i32
          %mul3A_483 = arith.muli %scan3A_481, %mul3A_482 : i32
          %add3A_484 = vector.broadcast %mul3A_483 : i32 to vector<16xi32>
          %add3A_485 = arith.addi %add3A_484, %iota3A : vector<16xi32>
          %mul3A_486 = arith.constant 3 : i32
          %mul3A_487 = vector.broadcast %mul3A_486 : i32 to vector<16xi32>
          %mul3A_488 = arith.muli %add3A_485, %mul3A_487 : vector<16xi32>
          %gather3A = tpu.vector_load_idx %arg8[%mul3A_488] : memref<384xf32, #tpu.memory_space<vmem>>[vector<16xi32>], vector<16xf32>,
          %add3A_489 = arith.constant 1 : i32
          %add3A_490 = vector.broadcast %add3A_489 : i32 to vector<16xi32>
          %add3A_491 = arith.addi %mul3A_488, %add3A_490 : vector<16xi32>
          %gather3A_492 = tpu.vector_load_idx %arg8[%add3A_491] : memref<384xf32, #tpu.memory_space<vmem>>[vector<16xi32>], vector<16xf32>,
          %add3A_493 = arith.constant 2 : i32
          %add3A_494 = vector.broadcast %add3A_493 : i32 to vector<16xi32>
          %add3A_495 = arith.addi %mul3A_488, %add3A_494 : vector<16xi32>
          %gather3A_496 = tpu.vector_load_idx %arg8[%add3A_495] : memref<384xf32, #tpu.memory_space<vmem>>[vector<16xi32>], vector<16xf32>,
          %mul3A_497 = arith.constant 7.500000e+00 : f32
          %mul3A_498 = vector.broadcast %mul3A_497 : f32 to vector<16xf32>
          %mul3A_499 = arith.mulf %gather3A, %mul3A_498 : vector<16xf32>
          %add3A_500 = arith.constant 7.500000e+00 : f32
          %add3A_501 = vector.broadcast %add3A_500 : f32 to vector<16xf32>
          %add3A_502 = arith.addf %mul3A_499, %add3A_501 : vector<16xf32>
          %mul3A_503 = arith.constant 7.500000e+00 : f32
          %mul3A_504 = vector.broadcast %mul3A_503 : f32 to vector<16xf32>
          %mul3A_505 = arith.mulf %gather3A_492, %mul3A_504 : vector<16xf32>
          %add3A_506 = arith.constant 7.500000e+00 : f32
          %add3A_507 = vector.broadcast %add3A_506 : f32 to vector<16xf32>
          %add3A_508 = arith.addf %mul3A_505, %add3A_507 : vector<16xf32>
          %mul3A_509 = arith.constant 7.500000e+00 : f32
          %mul3A_510 = vector.broadcast %mul3A_509 : f32 to vector<16xf32>
          %mul3A_511 = arith.mulf %gather3A_496, %mul3A_510 : vector<16xf32>
          %add3A_512 = arith.constant 7.500000e+00 : f32
          %add3A_513 = vector.broadcast %add3A_512 : f32 to vector<16xf32>
          %add3A_514 = arith.addf %mul3A_511, %add3A_513 : vector<16xf32>
          %convert_element_type3A_515 = arith.fptosi %add3A_502 : vector<16xf32> to vector<16xi32>
          %min3A_516 = arith.constant 14 : i32
          %min3A_517 = vector.broadcast %min3A_516 : i32 to vector<16xi32>
          %min3A_518 = arith.minsi %convert_element_type3A_515, %min3A_517 : vector<16xi32>
          %convert_element_type3A_519 = arith.fptosi %add3A_508 : vector<16xf32> to vector<16xi32>
          %min3A_520 = arith.constant 14 : i32
          %min3A_521 = vector.broadcast %min3A_520 : i32 to vector<16xi32>
          %min3A_522 = arith.minsi %convert_element_type3A_519, %min3A_521 : vector<16xi32>
          %convert_element_type3A_523 = arith.fptosi %add3A_514 : vector<16xf32> to vector<16xi32>
          %min3A_524 = arith.constant 14 : i32
          %min3A_525 = vector.broadcast %min3A_524 : i32 to vector<16xi32>
          %min3A_526 = arith.minsi %convert_element_type3A_523, %min3A_525 : vector<16xi32>
          %mul3A_527 = arith.constant 16 : i32
          %mul3A_528 = arith.muli %scan3A_481, %mul3A_527 : i32
          %add3A_529 = arith.constant 0 : i32
          %add3A_530 = arith.addi %add3A_529, %mul3A_528 : i32
          %convert_element_type3A_531 = arith.sitofp %min3A_518 : vector<16xi32> to vector<16xf32>
          %sub3A_532 = arith.subf %add3A_502, %convert_element_type3A_531 : vector<16xf32>
          %swap3A = arith.index_cast %add3A_530 : i32 to index
          %swap3A_533 = tpu.vector_load %arg10[%swap3A] {strides = array<i32>} : memref<512xf32, #tpu.memory_space<vmem>>, vector<16xf32>,
          tpu.vector_store %arg10[%swap3A], %sub3A_532 {strides = array<i32>} : memref<512xf32, #tpu.memory_space<vmem>>, vector<16xf32>,
          %convert_element_type3A_534 = arith.sitofp %min3A_522 : vector<16xi32> to vector<16xf32>
          %sub3A_535 = arith.subf %add3A_508, %convert_element_type3A_534 : vector<16xf32>
          %swap3A_536 = arith.index_cast %add3A_530 : i32 to index
          %swap3A_537 = tpu.vector_load %arg11[%swap3A_536] {strides = array<i32>} : memref<512xf32, #tpu.memory_space<vmem>>, vector<16xf32>,
          tpu.vector_store %arg11[%swap3A_536], %sub3A_535 {strides = array<i32>} : memref<512xf32, #tpu.memory_space<vmem>>, vector<16xf32>,
          %convert_element_type3A_538 = arith.sitofp %min3A_526 : vector<16xi32> to vector<16xf32>
          %sub3A_539 = arith.subf %add3A_514, %convert_element_type3A_538 : vector<16xf32>
          %swap3A_540 = arith.index_cast %add3A_530 : i32 to index
          %swap3A_541 = tpu.vector_load %arg12[%swap3A_540] {strides = array<i32>} : memref<512xf32, #tpu.memory_space<vmem>>, vector<16xf32>,
          tpu.vector_store %arg12[%swap3A_540], %sub3A_539 {strides = array<i32>} : memref<512xf32, #tpu.memory_space<vmem>>, vector<16xf32>,
          %shift_left3A_542 = arith.constant 8 : i32
          %shift_left3A_543 = vector.broadcast %shift_left3A_542 : i32 to vector<16xi32>
          %shift_left3A_544 = arith.shli %min3A_518, %shift_left3A_543 : vector<16xi32>
          %shift_left3A_545 = arith.constant 4 : i32
          %shift_left3A_546 = vector.broadcast %shift_left3A_545 : i32 to vector<16xi32>
          %shift_left3A_547 = arith.shli %min3A_522, %shift_left3A_546 : vector<16xi32>
          %add3A_548 = arith.addi %shift_left3A_544, %shift_left3A_547 : vector<16xi32>
          %add3A_549 = arith.addi %add3A_548, %min3A_526 : vector<16xi32>
          %mul3A_550 = arith.constant 16 : i32
          %mul3A_551 = arith.muli %scan3A_481, %mul3A_550 : i32
          %add3A_552 = arith.constant 0 : i32
          %add3A_553 = arith.addi %add3A_552, %mul3A_551 : i32
          %add3A_554 = arith.constant 0 : i32
          %add3A_555 = vector.broadcast %add3A_554 : i32 to vector<16xi32>
          %add3A_556 = arith.addi %add3A_549, %add3A_555 : vector<16xi32>
          %swap3A_557 = arith.index_cast %add3A_553 : i32 to index
          %swap3A_558 = tpu.vector_load %arg16[%swap3A_557] {strides = array<i32>} : memref<2048xi32, #tpu.memory_space<vmem>>, vector<16xi32>,
          tpu.vector_store %arg16[%swap3A_557], %add3A_556 {strides = array<i32>} : memref<2048xi32, #tpu.memory_space<vmem>>, vector<16xi32>,
          %mul3A_559 = arith.constant 16 : i32
          %mul3A_560 = arith.muli %scan3A_481, %mul3A_559 : i32
          %add3A_561 = arith.constant 128 : i32
          %add3A_562 = arith.addi %add3A_561, %mul3A_560 : i32
          %add3A_563 = arith.constant 16 : i32
          %add3A_564 = vector.broadcast %add3A_563 : i32 to vector<16xi32>
          %add3A_565 = arith.addi %add3A_549, %add3A_564 : vector<16xi32>
          %swap3A_566 = arith.index_cast %add3A_562 : i32 to index
          %swap3A_567 = tpu.vector_load %arg16[%swap3A_566] {strides = array<i32>} : memref<2048xi32, #tpu.memory_space<vmem>>, vector<16xi32>,
          tpu.vector_store %arg16[%swap3A_566], %add3A_565 {strides = array<i32>} : memref<2048xi32, #tpu.memory_space<vmem>>, vector<16xi32>,
          %mul3A_568 = arith.constant 16 : i32
          %mul3A_569 = arith.muli %scan3A_481, %mul3A_568 : i32
          %add3A_570 = arith.constant 256 : i32
          %add3A_571 = arith.addi %add3A_570, %mul3A_569 : i32
          %add3A_572 = arith.constant 256 : i32
          %add3A_573 = vector.broadcast %add3A_572 : i32 to vector<16xi32>
          %add3A_574 = arith.addi %add3A_549, %add3A_573 : vector<16xi32>
          %swap3A_575 = arith.index_cast %add3A_571 : i32 to index
          %swap3A_576 = tpu.vector_load %arg16[%swap3A_575] {strides = array<i32>} : memref<2048xi32, #tpu.memory_space<vmem>>, vector<16xi32>,
          tpu.vector_store %arg16[%swap3A_575], %add3A_574 {strides = array<i32>} : memref<2048xi32, #tpu.memory_space<vmem>>, vector<16xi32>,
          %mul3A_577 = arith.constant 16 : i32
          %mul3A_578 = arith.muli %scan3A_481, %mul3A_577 : i32
          %add3A_579 = arith.constant 384 : i32
          %add3A_580 = arith.addi %add3A_579, %mul3A_578 : i32
          %add3A_581 = arith.constant 272 : i32
          %add3A_582 = vector.broadcast %add3A_581 : i32 to vector<16xi32>
          %add3A_583 = arith.addi %add3A_549, %add3A_582 : vector<16xi32>
          %swap3A_584 = arith.index_cast %add3A_580 : i32 to index
          %swap3A_585 = tpu.vector_load %arg16[%swap3A_584] {strides = array<i32>} : memref<2048xi32, #tpu.memory_space<vmem>>, vector<16xi32>,
          tpu.vector_store %arg16[%swap3A_584], %add3A_583 {strides = array<i32>} : memref<2048xi32, #tpu.memory_space<vmem>>, vector<16xi32>,
        }
        %scan3A_78 = arith.constant 8 : i32
        %dma_start3A_79 = arith.constant 0 : i32
        %dma_start3A_80 = arith.constant 0 : i32
        %dma_start3A_81 = tpu.memref_slice %arg18[%dma_start3A_79, %dma_start3A_80] : memref<2048x16xf32, #tpu.memory_space<vmem>> -> memref<128x16xf32, #tpu.memory_space<vmem>>
        %dma_start3A_82 = arith.constant 0 : i32
        %dma_start3A_83 = tpu.memref_slice %arg16[%dma_start3A_82] : memref<2048xi32, #tpu.memory_space<vmem>> -> memref<128xi32, #tpu.memory_space<vmem>>
        %dma_start3A_84 = arith.constant 0 : i32
        %dma_start3A_85 = arith.constant 0 : i32
        %dma_start3A_86 = tpu.memref_slice %arg3[%dma_start3A_84, %dma_start3A_85] : memref<4096x16xf32, #tpu.memory_space<hbm>> -> memref<4096x16xf32, #tpu.memory_space<hbm>>
        tpu.enqueue_indirect_dma source(%dma_start3A_86 : memref<4096x16xf32, #tpu.memory_space<hbm>>) target(%dma_start3A_81 : memref<128x16xf32, #tpu.memory_space<vmem>>) offsets(%dma_start3A_83 : memref<128xi32, #tpu.memory_space<vmem>>) semaphore(%arg22 : memref<!tpu.dma_semaphore, #tpu.memory_space<semaphore_mem>>)
        %dma_start3A_87 = arith.constant 128 : i32
        %dma_start3A_88 = arith.constant 0 : i32
        %dma_start3A_89 = tpu.memref_slice %arg18[%dma_start3A_87, %dma_start3A_88] : memref<2048x16xf32, #tpu.memory_space<vmem>> -> memref<128x16xf32, #tpu.memory_space<vmem>>
        %dma_start3A_90 = arith.constant 128 : i32
        %dma_start3A_91 = tpu.memref_slice %arg16[%dma_start3A_90] : memref<2048xi32, #tpu.memory_space<vmem>> -> memref<128xi32, #tpu.memory_space<vmem>>
        %dma_start3A_92 = arith.constant 0 : i32
        %dma_start3A_93 = arith.constant 0 : i32
        %dma_start3A_94 = tpu.memref_slice %arg3[%dma_start3A_92, %dma_start3A_93] : memref<4096x16xf32, #tpu.memory_space<hbm>> -> memref<4096x16xf32, #tpu.memory_space<hbm>>
        tpu.enqueue_indirect_dma source(%dma_start3A_94 : memref<4096x16xf32, #tpu.memory_space<hbm>>) target(%dma_start3A_89 : memref<128x16xf32, #tpu.memory_space<vmem>>) offsets(%dma_start3A_91 : memref<128xi32, #tpu.memory_space<vmem>>) semaphore(%arg22 : memref<!tpu.dma_semaphore, #tpu.memory_space<semaphore_mem>>)
        %dma_start3A_95 = arith.constant 256 : i32
        %dma_start3A_96 = arith.constant 0 : i32
        %dma_start3A_97 = tpu.memref_slice %arg18[%dma_start3A_95, %dma_start3A_96] : memref<2048x16xf32, #tpu.memory_space<vmem>> -> memref<128x16xf32, #tpu.memory_space<vmem>>
        %dma_start3A_98 = arith.constant 256 : i32
        %dma_start3A_99 = tpu.memref_slice %arg16[%dma_start3A_98] : memref<2048xi32, #tpu.memory_space<vmem>> -> memref<128xi32, #tpu.memory_space<vmem>>
        %dma_start3A_100 = arith.constant 0 : i32
        %dma_start3A_101 = arith.constant 0 : i32
        %dma_start3A_102 = tpu.memref_slice %arg3[%dma_start3A_100, %dma_start3A_101] : memref<4096x16xf32, #tpu.memory_space<hbm>> -> memref<4096x16xf32, #tpu.memory_space<hbm>>
        tpu.enqueue_indirect_dma source(%dma_start3A_102 : memref<4096x16xf32, #tpu.memory_space<hbm>>) target(%dma_start3A_97 : memref<128x16xf32, #tpu.memory_space<vmem>>) offsets(%dma_start3A_99 : memref<128xi32, #tpu.memory_space<vmem>>) semaphore(%arg22 : memref<!tpu.dma_semaphore, #tpu.memory_space<semaphore_mem>>)
        %dma_start3A_103 = arith.constant 384 : i32
        %dma_start3A_104 = arith.constant 0 : i32
        %dma_start3A_105 = tpu.memref_slice %arg18[%dma_start3A_103, %dma_start3A_104] : memref<2048x16xf32, #tpu.memory_space<vmem>> -> memref<128x16xf32, #tpu.memory_space<vmem>>
        %dma_start3A_106 = arith.constant 384 : i32
        %dma_start3A_107 = tpu.memref_slice %arg16[%dma_start3A_106] : memref<2048xi32, #tpu.memory_space<vmem>> -> memref<128xi32, #tpu.memory_space<vmem>>
        %dma_start3A_108 = arith.constant 0 : i32
        %dma_start3A_109 = arith.constant 0 : i32
        %dma_start3A_110 = tpu.memref_slice %arg3[%dma_start3A_108, %dma_start3A_109] : memref<4096x16xf32, #tpu.memory_space<hbm>> -> memref<4096x16xf32, #tpu.memory_space<hbm>>
        tpu.enqueue_indirect_dma source(%dma_start3A_110 : memref<4096x16xf32, #tpu.memory_space<hbm>>) target(%dma_start3A_105 : memref<128x16xf32, #tpu.memory_space<vmem>>) offsets(%dma_start3A_107 : memref<128xi32, #tpu.memory_space<vmem>>) semaphore(%arg22 : memref<!tpu.dma_semaphore, #tpu.memory_space<semaphore_mem>>)
        %scan3A_111 = arith.constant 0 : i32
        %scan3A_112 = arith.constant 0 : i32
        %scan3A_113 = arith.constant 8 : i32
        %scan3A_114 = arith.addi %scan3A_112, %scan3A_113 : i32
        %scan3A_115 = arith.constant 1 : i32
        scf.for %scan3A_481 = %scan3A_112 to %scan3A_114 step %scan3A_115  : i32 {
          %mul3A_482 = arith.constant 16 : i32
          %mul3A_483 = arith.muli %scan3A_481, %mul3A_482 : i32
          %add3A_484 = vector.broadcast %mul3A_483 : i32 to vector<16xi32>
          %add3A_485 = arith.addi %add3A_484, %iota3A : vector<16xi32>
          %mul3A_486 = arith.constant 3 : i32
          %mul3A_487 = vector.broadcast %mul3A_486 : i32 to vector<16xi32>
          %mul3A_488 = arith.muli %add3A_485, %mul3A_487 : vector<16xi32>
          %gather3A = tpu.vector_load_idx %arg8[%mul3A_488] : memref<384xf32, #tpu.memory_space<vmem>>[vector<16xi32>], vector<16xf32>,
          %add3A_489 = arith.constant 1 : i32
          %add3A_490 = vector.broadcast %add3A_489 : i32 to vector<16xi32>
          %add3A_491 = arith.addi %mul3A_488, %add3A_490 : vector<16xi32>
          %gather3A_492 = tpu.vector_load_idx %arg8[%add3A_491] : memref<384xf32, #tpu.memory_space<vmem>>[vector<16xi32>], vector<16xf32>,
          %add3A_493 = arith.constant 2 : i32
          %add3A_494 = vector.broadcast %add3A_493 : i32 to vector<16xi32>
          %add3A_495 = arith.addi %mul3A_488, %add3A_494 : vector<16xi32>
          %gather3A_496 = tpu.vector_load_idx %arg8[%add3A_495] : memref<384xf32, #tpu.memory_space<vmem>>[vector<16xi32>], vector<16xf32>,
          %mul3A_497 = arith.constant 1.550000e+01 : f32
          %mul3A_498 = vector.broadcast %mul3A_497 : f32 to vector<16xf32>
          %mul3A_499 = arith.mulf %gather3A, %mul3A_498 : vector<16xf32>
          %add3A_500 = arith.constant 1.550000e+01 : f32
          %add3A_501 = vector.broadcast %add3A_500 : f32 to vector<16xf32>
          %add3A_502 = arith.addf %mul3A_499, %add3A_501 : vector<16xf32>
          %mul3A_503 = arith.constant 1.550000e+01 : f32
          %mul3A_504 = vector.broadcast %mul3A_503 : f32 to vector<16xf32>
          %mul3A_505 = arith.mulf %gather3A_492, %mul3A_504 : vector<16xf32>
          %add3A_506 = arith.constant 1.550000e+01 : f32
          %add3A_507 = vector.broadcast %add3A_506 : f32 to vector<16xf32>
          %add3A_508 = arith.addf %mul3A_505, %add3A_507 : vector<16xf32>
          %mul3A_509 = arith.constant 1.550000e+01 : f32
          %mul3A_510 = vector.broadcast %mul3A_509 : f32 to vector<16xf32>
          %mul3A_511 = arith.mulf %gather3A_496, %mul3A_510 : vector<16xf32>
          %add3A_512 = arith.constant 1.550000e+01 : f32
          %add3A_513 = vector.broadcast %add3A_512 : f32 to vector<16xf32>
          %add3A_514 = arith.addf %mul3A_511, %add3A_513 : vector<16xf32>
          %convert_element_type3A_515 = arith.fptosi %add3A_502 : vector<16xf32> to vector<16xi32>
          %min3A_516 = arith.constant 30 : i32
          %min3A_517 = vector.broadcast %min3A_516 : i32 to vector<16xi32>
          %min3A_518 = arith.minsi %convert_element_type3A_515, %min3A_517 : vector<16xi32>
          %convert_element_type3A_519 = arith.fptosi %add3A_508 : vector<16xf32> to vector<16xi32>
          %min3A_520 = arith.constant 30 : i32
          %min3A_521 = vector.broadcast %min3A_520 : i32 to vector<16xi32>
          %min3A_522 = arith.minsi %convert_element_type3A_519, %min3A_521 : vector<16xi32>
          %convert_element_type3A_523 = arith.fptosi %add3A_514 : vector<16xf32> to vector<16xi32>
          %min3A_524 = arith.constant 30 : i32
          %min3A_525 = vector.broadcast %min3A_524 : i32 to vector<16xi32>
          %min3A_526 = arith.minsi %convert_element_type3A_523, %min3A_525 : vector<16xi32>
          %mul3A_527 = arith.constant 16 : i32
          %mul3A_528 = arith.muli %scan3A_481, %mul3A_527 : i32
          %add3A_529 = arith.constant 128 : i32
          %add3A_530 = arith.addi %add3A_529, %mul3A_528 : i32
          %convert_element_type3A_531 = arith.sitofp %min3A_518 : vector<16xi32> to vector<16xf32>
          %sub3A_532 = arith.subf %add3A_502, %convert_element_type3A_531 : vector<16xf32>
          %swap3A = arith.index_cast %add3A_530 : i32 to index
          %swap3A_533 = tpu.vector_load %arg10[%swap3A] {strides = array<i32>} : memref<512xf32, #tpu.memory_space<vmem>>, vector<16xf32>,
          tpu.vector_store %arg10[%swap3A], %sub3A_532 {strides = array<i32>} : memref<512xf32, #tpu.memory_space<vmem>>, vector<16xf32>,
          %convert_element_type3A_534 = arith.sitofp %min3A_522 : vector<16xi32> to vector<16xf32>
          %sub3A_535 = arith.subf %add3A_508, %convert_element_type3A_534 : vector<16xf32>
          %swap3A_536 = arith.index_cast %add3A_530 : i32 to index
          %swap3A_537 = tpu.vector_load %arg11[%swap3A_536] {strides = array<i32>} : memref<512xf32, #tpu.memory_space<vmem>>, vector<16xf32>,
          tpu.vector_store %arg11[%swap3A_536], %sub3A_535 {strides = array<i32>} : memref<512xf32, #tpu.memory_space<vmem>>, vector<16xf32>,
          %convert_element_type3A_538 = arith.sitofp %min3A_526 : vector<16xi32> to vector<16xf32>
          %sub3A_539 = arith.subf %add3A_514, %convert_element_type3A_538 : vector<16xf32>
          %swap3A_540 = arith.index_cast %add3A_530 : i32 to index
          %swap3A_541 = tpu.vector_load %arg12[%swap3A_540] {strides = array<i32>} : memref<512xf32, #tpu.memory_space<vmem>>, vector<16xf32>,
          tpu.vector_store %arg12[%swap3A_540], %sub3A_539 {strides = array<i32>} : memref<512xf32, #tpu.memory_space<vmem>>, vector<16xf32>,
          %shift_left3A_542 = arith.constant 10 : i32
          %shift_left3A_543 = vector.broadcast %shift_left3A_542 : i32 to vector<16xi32>
          %shift_left3A_544 = arith.shli %min3A_518, %shift_left3A_543 : vector<16xi32>
          %shift_left3A_545 = arith.constant 5 : i32
          %shift_left3A_546 = vector.broadcast %shift_left3A_545 : i32 to vector<16xi32>
          %shift_left3A_547 = arith.shli %min3A_522, %shift_left3A_546 : vector<16xi32>
          %add3A_548 = arith.addi %shift_left3A_544, %shift_left3A_547 : vector<16xi32>
          %add3A_549 = arith.addi %add3A_548, %min3A_526 : vector<16xi32>
          %mul3A_550 = arith.constant 16 : i32
          %mul3A_551 = arith.muli %scan3A_481, %mul3A_550 : i32
          %add3A_552 = arith.constant 512 : i32
          %add3A_553 = arith.addi %add3A_552, %mul3A_551 : i32
          %add3A_554 = arith.constant 0 : i32
          %add3A_555 = vector.broadcast %add3A_554 : i32 to vector<16xi32>
          %add3A_556 = arith.addi %add3A_549, %add3A_555 : vector<16xi32>
          %swap3A_557 = arith.index_cast %add3A_553 : i32 to index
          %swap3A_558 = tpu.vector_load %arg16[%swap3A_557] {strides = array<i32>} : memref<2048xi32, #tpu.memory_space<vmem>>, vector<16xi32>,
          tpu.vector_store %arg16[%swap3A_557], %add3A_556 {strides = array<i32>} : memref<2048xi32, #tpu.memory_space<vmem>>, vector<16xi32>,
          %mul3A_559 = arith.constant 16 : i32
          %mul3A_560 = arith.muli %scan3A_481, %mul3A_559 : i32
          %add3A_561 = arith.constant 640 : i32
          %add3A_562 = arith.addi %add3A_561, %mul3A_560 : i32
          %add3A_563 = arith.constant 32 : i32
          %add3A_564 = vector.broadcast %add3A_563 : i32 to vector<16xi32>
          %add3A_565 = arith.addi %add3A_549, %add3A_564 : vector<16xi32>
          %swap3A_566 = arith.index_cast %add3A_562 : i32 to index
          %swap3A_567 = tpu.vector_load %arg16[%swap3A_566] {strides = array<i32>} : memref<2048xi32, #tpu.memory_space<vmem>>, vector<16xi32>,
          tpu.vector_store %arg16[%swap3A_566], %add3A_565 {strides = array<i32>} : memref<2048xi32, #tpu.memory_space<vmem>>, vector<16xi32>,
          %mul3A_568 = arith.constant 16 : i32
          %mul3A_569 = arith.muli %scan3A_481, %mul3A_568 : i32
          %add3A_570 = arith.constant 768 : i32
          %add3A_571 = arith.addi %add3A_570, %mul3A_569 : i32
          %add3A_572 = arith.constant 1024 : i32
          %add3A_573 = vector.broadcast %add3A_572 : i32 to vector<16xi32>
          %add3A_574 = arith.addi %add3A_549, %add3A_573 : vector<16xi32>
          %swap3A_575 = arith.index_cast %add3A_571 : i32 to index
          %swap3A_576 = tpu.vector_load %arg16[%swap3A_575] {strides = array<i32>} : memref<2048xi32, #tpu.memory_space<vmem>>, vector<16xi32>,
          tpu.vector_store %arg16[%swap3A_575], %add3A_574 {strides = array<i32>} : memref<2048xi32, #tpu.memory_space<vmem>>, vector<16xi32>,
          %mul3A_577 = arith.constant 16 : i32
          %mul3A_578 = arith.muli %scan3A_481, %mul3A_577 : i32
          %add3A_579 = arith.constant 896 : i32
          %add3A_580 = arith.addi %add3A_579, %mul3A_578 : i32
          %add3A_581 = arith.constant 1056 : i32
          %add3A_582 = vector.broadcast %add3A_581 : i32 to vector<16xi32>
          %add3A_583 = arith.addi %add3A_549, %add3A_582 : vector<16xi32>
          %swap3A_584 = arith.index_cast %add3A_580 : i32 to index
          %swap3A_585 = tpu.vector_load %arg16[%swap3A_584] {strides = array<i32>} : memref<2048xi32, #tpu.memory_space<vmem>>, vector<16xi32>,
          tpu.vector_store %arg16[%swap3A_584], %add3A_583 {strides = array<i32>} : memref<2048xi32, #tpu.memory_space<vmem>>, vector<16xi32>,
        }
        %scan3A_116 = arith.constant 8 : i32
        %dma_start3A_117 = arith.constant 512 : i32
        %dma_start3A_118 = arith.constant 0 : i32
        %dma_start3A_119 = tpu.memref_slice %arg18[%dma_start3A_117, %dma_start3A_118] : memref<2048x16xf32, #tpu.memory_space<vmem>> -> memref<128x16xf32, #tpu.memory_space<vmem>>
        %dma_start3A_120 = arith.constant 512 : i32
        %dma_start3A_121 = tpu.memref_slice %arg16[%dma_start3A_120] : memref<2048xi32, #tpu.memory_space<vmem>> -> memref<128xi32, #tpu.memory_space<vmem>>
        %dma_start3A_122 = arith.constant 0 : i32
        %dma_start3A_123 = arith.constant 0 : i32
        %dma_start3A_124 = tpu.memref_slice %arg4[%dma_start3A_122, %dma_start3A_123] : memref<32768x16xf32, #tpu.memory_space<hbm>> -> memref<32768x16xf32, #tpu.memory_space<hbm>>
        tpu.enqueue_indirect_dma source(%dma_start3A_124 : memref<32768x16xf32, #tpu.memory_space<hbm>>) target(%dma_start3A_119 : memref<128x16xf32, #tpu.memory_space<vmem>>) offsets(%dma_start3A_121 : memref<128xi32, #tpu.memory_space<vmem>>) semaphore(%arg23 : memref<!tpu.dma_semaphore, #tpu.memory_space<semaphore_mem>>)
        %dma_start3A_125 = arith.constant 640 : i32
        %dma_start3A_126 = arith.constant 0 : i32
        %dma_start3A_127 = tpu.memref_slice %arg18[%dma_start3A_125, %dma_start3A_126] : memref<2048x16xf32, #tpu.memory_space<vmem>> -> memref<128x16xf32, #tpu.memory_space<vmem>>
        %dma_start3A_128 = arith.constant 640 : i32
        %dma_start3A_129 = tpu.memref_slice %arg16[%dma_start3A_128] : memref<2048xi32, #tpu.memory_space<vmem>> -> memref<128xi32, #tpu.memory_space<vmem>>
        %dma_start3A_130 = arith.constant 0 : i32
        %dma_start3A_131 = arith.constant 0 : i32
        %dma_start3A_132 = tpu.memref_slice %arg4[%dma_start3A_130, %dma_start3A_131] : memref<32768x16xf32, #tpu.memory_space<hbm>> -> memref<32768x16xf32, #tpu.memory_space<hbm>>
        tpu.enqueue_indirect_dma source(%dma_start3A_132 : memref<32768x16xf32, #tpu.memory_space<hbm>>) target(%dma_start3A_127 : memref<128x16xf32, #tpu.memory_space<vmem>>) offsets(%dma_start3A_129 : memref<128xi32, #tpu.memory_space<vmem>>) semaphore(%arg23 : memref<!tpu.dma_semaphore, #tpu.memory_space<semaphore_mem>>)
        %dma_start3A_133 = arith.constant 768 : i32
        %dma_start3A_134 = arith.constant 0 : i32
        %dma_start3A_135 = tpu.memref_slice %arg18[%dma_start3A_133, %dma_start3A_134] : memref<2048x16xf32, #tpu.memory_space<vmem>> -> memref<128x16xf32, #tpu.memory_space<vmem>>
        %dma_start3A_136 = arith.constant 768 : i32
        %dma_start3A_137 = tpu.memref_slice %arg16[%dma_start3A_136] : memref<2048xi32, #tpu.memory_space<vmem>> -> memref<128xi32, #tpu.memory_space<vmem>>
        %dma_start3A_138 = arith.constant 0 : i32
        %dma_start3A_139 = arith.constant 0 : i32
        %dma_start3A_140 = tpu.memref_slice %arg4[%dma_start3A_138, %dma_start3A_139] : memref<32768x16xf32, #tpu.memory_space<hbm>> -> memref<32768x16xf32, #tpu.memory_space<hbm>>
        tpu.enqueue_indirect_dma source(%dma_start3A_140 : memref<32768x16xf32, #tpu.memory_space<hbm>>) target(%dma_start3A_135 : memref<128x16xf32, #tpu.memory_space<vmem>>) offsets(%dma_start3A_137 : memref<128xi32, #tpu.memory_space<vmem>>) semaphore(%arg23 : memref<!tpu.dma_semaphore, #tpu.memory_space<semaphore_mem>>)
        %dma_start3A_141 = arith.constant 896 : i32
        %dma_start3A_142 = arith.constant 0 : i32
        %dma_start3A_143 = tpu.memref_slice %arg18[%dma_start3A_141, %dma_start3A_142] : memref<2048x16xf32, #tpu.memory_space<vmem>> -> memref<128x16xf32, #tpu.memory_space<vmem>>
        %dma_start3A_144 = arith.constant 896 : i32
        %dma_start3A_145 = tpu.memref_slice %arg16[%dma_start3A_144] : memref<2048xi32, #tpu.memory_space<vmem>> -> memref<128xi32, #tpu.memory_space<vmem>>
        %dma_start3A_146 = arith.constant 0 : i32
        %dma_start3A_147 = arith.constant 0 : i32
        %dma_start3A_148 = tpu.memref_slice %arg4[%dma_start3A_146, %dma_start3A_147] : memref<32768x16xf32, #tpu.memory_space<hbm>> -> memref<32768x16xf32, #tpu.memory_space<hbm>>
        tpu.enqueue_indirect_dma source(%dma_start3A_148 : memref<32768x16xf32, #tpu.memory_space<hbm>>) target(%dma_start3A_143 : memref<128x16xf32, #tpu.memory_space<vmem>>) offsets(%dma_start3A_145 : memref<128xi32, #tpu.memory_space<vmem>>) semaphore(%arg23 : memref<!tpu.dma_semaphore, #tpu.memory_space<semaphore_mem>>)
        %scan3A_149 = arith.constant 0 : i32
        %scan3A_150 = arith.constant 0 : i32
        %scan3A_151 = arith.constant 8 : i32
        %scan3A_152 = arith.addi %scan3A_150, %scan3A_151 : i32
        %scan3A_153 = arith.constant 1 : i32
        scf.for %scan3A_481 = %scan3A_150 to %scan3A_152 step %scan3A_153  : i32 {
          %mul3A_482 = arith.constant 16 : i32
          %mul3A_483 = arith.muli %scan3A_481, %mul3A_482 : i32
          %add3A_484 = vector.broadcast %mul3A_483 : i32 to vector<16xi32>
          %add3A_485 = arith.addi %add3A_484, %iota3A : vector<16xi32>
          %mul3A_486 = arith.constant 3 : i32
          %mul3A_487 = vector.broadcast %mul3A_486 : i32 to vector<16xi32>
          %mul3A_488 = arith.muli %add3A_485, %mul3A_487 : vector<16xi32>
          %gather3A = tpu.vector_load_idx %arg8[%mul3A_488] : memref<384xf32, #tpu.memory_space<vmem>>[vector<16xi32>], vector<16xf32>,
          %add3A_489 = arith.constant 1 : i32
          %add3A_490 = vector.broadcast %add3A_489 : i32 to vector<16xi32>
          %add3A_491 = arith.addi %mul3A_488, %add3A_490 : vector<16xi32>
          %gather3A_492 = tpu.vector_load_idx %arg8[%add3A_491] : memref<384xf32, #tpu.memory_space<vmem>>[vector<16xi32>], vector<16xf32>,
          %add3A_493 = arith.constant 2 : i32
          %add3A_494 = vector.broadcast %add3A_493 : i32 to vector<16xi32>
          %add3A_495 = arith.addi %mul3A_488, %add3A_494 : vector<16xi32>
          %gather3A_496 = tpu.vector_load_idx %arg8[%add3A_495] : memref<384xf32, #tpu.memory_space<vmem>>[vector<16xi32>], vector<16xf32>,
          %mul3A_497 = arith.constant 3.150000e+01 : f32
          %mul3A_498 = vector.broadcast %mul3A_497 : f32 to vector<16xf32>
          %mul3A_499 = arith.mulf %gather3A, %mul3A_498 : vector<16xf32>
          %add3A_500 = arith.constant 3.150000e+01 : f32
          %add3A_501 = vector.broadcast %add3A_500 : f32 to vector<16xf32>
          %add3A_502 = arith.addf %mul3A_499, %add3A_501 : vector<16xf32>
          %mul3A_503 = arith.constant 3.150000e+01 : f32
          %mul3A_504 = vector.broadcast %mul3A_503 : f32 to vector<16xf32>
          %mul3A_505 = arith.mulf %gather3A_492, %mul3A_504 : vector<16xf32>
          %add3A_506 = arith.constant 3.150000e+01 : f32
          %add3A_507 = vector.broadcast %add3A_506 : f32 to vector<16xf32>
          %add3A_508 = arith.addf %mul3A_505, %add3A_507 : vector<16xf32>
          %mul3A_509 = arith.constant 3.150000e+01 : f32
          %mul3A_510 = vector.broadcast %mul3A_509 : f32 to vector<16xf32>
          %mul3A_511 = arith.mulf %gather3A_496, %mul3A_510 : vector<16xf32>
          %add3A_512 = arith.constant 3.150000e+01 : f32
          %add3A_513 = vector.broadcast %add3A_512 : f32 to vector<16xf32>
          %add3A_514 = arith.addf %mul3A_511, %add3A_513 : vector<16xf32>
          %convert_element_type3A_515 = arith.fptosi %add3A_502 : vector<16xf32> to vector<16xi32>
          %min3A_516 = arith.constant 62 : i32
          %min3A_517 = vector.broadcast %min3A_516 : i32 to vector<16xi32>
          %min3A_518 = arith.minsi %convert_element_type3A_515, %min3A_517 : vector<16xi32>
          %convert_element_type3A_519 = arith.fptosi %add3A_508 : vector<16xf32> to vector<16xi32>
          %min3A_520 = arith.constant 62 : i32
          %min3A_521 = vector.broadcast %min3A_520 : i32 to vector<16xi32>
          %min3A_522 = arith.minsi %convert_element_type3A_519, %min3A_521 : vector<16xi32>
          %convert_element_type3A_523 = arith.fptosi %add3A_514 : vector<16xf32> to vector<16xi32>
          %min3A_524 = arith.constant 62 : i32
          %min3A_525 = vector.broadcast %min3A_524 : i32 to vector<16xi32>
          %min3A_526 = arith.minsi %convert_element_type3A_523, %min3A_525 : vector<16xi32>
          %mul3A_527 = arith.constant 16 : i32
          %mul3A_528 = arith.muli %scan3A_481, %mul3A_527 : i32
          %add3A_529 = arith.constant 256 : i32
          %add3A_530 = arith.addi %add3A_529, %mul3A_528 : i32
          %convert_element_type3A_531 = arith.sitofp %min3A_518 : vector<16xi32> to vector<16xf32>
          %sub3A_532 = arith.subf %add3A_502, %convert_element_type3A_531 : vector<16xf32>
          %swap3A = arith.index_cast %add3A_530 : i32 to index
          %swap3A_533 = tpu.vector_load %arg10[%swap3A] {strides = array<i32>} : memref<512xf32, #tpu.memory_space<vmem>>, vector<16xf32>,
          tpu.vector_store %arg10[%swap3A], %sub3A_532 {strides = array<i32>} : memref<512xf32, #tpu.memory_space<vmem>>, vector<16xf32>,
          %convert_element_type3A_534 = arith.sitofp %min3A_522 : vector<16xi32> to vector<16xf32>
          %sub3A_535 = arith.subf %add3A_508, %convert_element_type3A_534 : vector<16xf32>
          %swap3A_536 = arith.index_cast %add3A_530 : i32 to index
          %swap3A_537 = tpu.vector_load %arg11[%swap3A_536] {strides = array<i32>} : memref<512xf32, #tpu.memory_space<vmem>>, vector<16xf32>,
          tpu.vector_store %arg11[%swap3A_536], %sub3A_535 {strides = array<i32>} : memref<512xf32, #tpu.memory_space<vmem>>, vector<16xf32>,
          %convert_element_type3A_538 = arith.sitofp %min3A_526 : vector<16xi32> to vector<16xf32>
          %sub3A_539 = arith.subf %add3A_514, %convert_element_type3A_538 : vector<16xf32>
          %swap3A_540 = arith.index_cast %add3A_530 : i32 to index
          %swap3A_541 = tpu.vector_load %arg12[%swap3A_540] {strides = array<i32>} : memref<512xf32, #tpu.memory_space<vmem>>, vector<16xf32>,
          tpu.vector_store %arg12[%swap3A_540], %sub3A_539 {strides = array<i32>} : memref<512xf32, #tpu.memory_space<vmem>>, vector<16xf32>,
          %shift_left3A_542 = arith.constant 12 : i32
          %shift_left3A_543 = vector.broadcast %shift_left3A_542 : i32 to vector<16xi32>
          %shift_left3A_544 = arith.shli %min3A_518, %shift_left3A_543 : vector<16xi32>
          %shift_left3A_545 = arith.constant 6 : i32
          %shift_left3A_546 = vector.broadcast %shift_left3A_545 : i32 to vector<16xi32>
          %shift_left3A_547 = arith.shli %min3A_522, %shift_left3A_546 : vector<16xi32>
          %add3A_548 = arith.addi %shift_left3A_544, %shift_left3A_547 : vector<16xi32>
          %add3A_549 = arith.addi %add3A_548, %min3A_526 : vector<16xi32>
          %mul3A_550 = arith.constant 16 : i32
          %mul3A_551 = arith.muli %scan3A_481, %mul3A_550 : i32
          %add3A_552 = arith.constant 1024 : i32
          %add3A_553 = arith.addi %add3A_552, %mul3A_551 : i32
          %add3A_554 = arith.constant 0 : i32
          %add3A_555 = vector.broadcast %add3A_554 : i32 to vector<16xi32>
          %add3A_556 = arith.addi %add3A_549, %add3A_555 : vector<16xi32>
          %swap3A_557 = arith.index_cast %add3A_553 : i32 to index
          %swap3A_558 = tpu.vector_load %arg16[%swap3A_557] {strides = array<i32>} : memref<2048xi32, #tpu.memory_space<vmem>>, vector<16xi32>,
          tpu.vector_store %arg16[%swap3A_557], %add3A_556 {strides = array<i32>} : memref<2048xi32, #tpu.memory_space<vmem>>, vector<16xi32>,
          %mul3A_559 = arith.constant 16 : i32
          %mul3A_560 = arith.muli %scan3A_481, %mul3A_559 : i32
          %add3A_561 = arith.constant 1152 : i32
          %add3A_562 = arith.addi %add3A_561, %mul3A_560 : i32
          %add3A_563 = arith.constant 64 : i32
          %add3A_564 = vector.broadcast %add3A_563 : i32 to vector<16xi32>
          %add3A_565 = arith.addi %add3A_549, %add3A_564 : vector<16xi32>
          %swap3A_566 = arith.index_cast %add3A_562 : i32 to index
          %swap3A_567 = tpu.vector_load %arg16[%swap3A_566] {strides = array<i32>} : memref<2048xi32, #tpu.memory_space<vmem>>, vector<16xi32>,
          tpu.vector_store %arg16[%swap3A_566], %add3A_565 {strides = array<i32>} : memref<2048xi32, #tpu.memory_space<vmem>>, vector<16xi32>,
          %mul3A_568 = arith.constant 16 : i32
          %mul3A_569 = arith.muli %scan3A_481, %mul3A_568 : i32
          %add3A_570 = arith.constant 1280 : i32
          %add3A_571 = arith.addi %add3A_570, %mul3A_569 : i32
          %add3A_572 = arith.constant 4096 : i32
          %add3A_573 = vector.broadcast %add3A_572 : i32 to vector<16xi32>
          %add3A_574 = arith.addi %add3A_549, %add3A_573 : vector<16xi32>
          %swap3A_575 = arith.index_cast %add3A_571 : i32 to index
          %swap3A_576 = tpu.vector_load %arg16[%swap3A_575] {strides = array<i32>} : memref<2048xi32, #tpu.memory_space<vmem>>, vector<16xi32>,
          tpu.vector_store %arg16[%swap3A_575], %add3A_574 {strides = array<i32>} : memref<2048xi32, #tpu.memory_space<vmem>>, vector<16xi32>,
          %mul3A_577 = arith.constant 16 : i32
          %mul3A_578 = arith.muli %scan3A_481, %mul3A_577 : i32
          %add3A_579 = arith.constant 1408 : i32
          %add3A_580 = arith.addi %add3A_579, %mul3A_578 : i32
          %add3A_581 = arith.constant 4160 : i32
          %add3A_582 = vector.broadcast %add3A_581 : i32 to vector<16xi32>
          %add3A_583 = arith.addi %add3A_549, %add3A_582 : vector<16xi32>
          %swap3A_584 = arith.index_cast %add3A_580 : i32 to index
          %swap3A_585 = tpu.vector_load %arg16[%swap3A_584] {strides = array<i32>} : memref<2048xi32, #tpu.memory_space<vmem>>, vector<16xi32>,
          tpu.vector_store %arg16[%swap3A_584], %add3A_583 {strides = array<i32>} : memref<2048xi32, #tpu.memory_space<vmem>>, vector<16xi32>,
        }
        %scan3A_154 = arith.constant 8 : i32
        %dma_start3A_155 = arith.constant 1024 : i32
        %dma_start3A_156 = arith.constant 0 : i32
        %dma_start3A_157 = tpu.memref_slice %arg18[%dma_start3A_155, %dma_start3A_156] : memref<2048x16xf32, #tpu.memory_space<vmem>> -> memref<128x16xf32, #tpu.memory_space<vmem>>
        %dma_start3A_158 = arith.constant 1024 : i32
        %dma_start3A_159 = tpu.memref_slice %arg16[%dma_start3A_158] : memref<2048xi32, #tpu.memory_space<vmem>> -> memref<128xi32, #tpu.memory_space<vmem>>
        %dma_start3A_160 = arith.constant 0 : i32
        %dma_start3A_161 = arith.constant 0 : i32
        %dma_start3A_162 = tpu.memref_slice %arg5[%dma_start3A_160, %dma_start3A_161] : memref<262144x16xf32, #tpu.memory_space<hbm>> -> memref<262144x16xf32, #tpu.memory_space<hbm>>
        tpu.enqueue_indirect_dma source(%dma_start3A_162 : memref<262144x16xf32, #tpu.memory_space<hbm>>) target(%dma_start3A_157 : memref<128x16xf32, #tpu.memory_space<vmem>>) offsets(%dma_start3A_159 : memref<128xi32, #tpu.memory_space<vmem>>) semaphore(%arg24 : memref<!tpu.dma_semaphore, #tpu.memory_space<semaphore_mem>>)
        %dma_start3A_163 = arith.constant 1152 : i32
        %dma_start3A_164 = arith.constant 0 : i32
        %dma_start3A_165 = tpu.memref_slice %arg18[%dma_start3A_163, %dma_start3A_164] : memref<2048x16xf32, #tpu.memory_space<vmem>> -> memref<128x16xf32, #tpu.memory_space<vmem>>
        %dma_start3A_166 = arith.constant 1152 : i32
        %dma_start3A_167 = tpu.memref_slice %arg16[%dma_start3A_166] : memref<2048xi32, #tpu.memory_space<vmem>> -> memref<128xi32, #tpu.memory_space<vmem>>
        %dma_start3A_168 = arith.constant 0 : i32
        %dma_start3A_169 = arith.constant 0 : i32
        %dma_start3A_170 = tpu.memref_slice %arg5[%dma_start3A_168, %dma_start3A_169] : memref<262144x16xf32, #tpu.memory_space<hbm>> -> memref<262144x16xf32, #tpu.memory_space<hbm>>
        tpu.enqueue_indirect_dma source(%dma_start3A_170 : memref<262144x16xf32, #tpu.memory_space<hbm>>) target(%dma_start3A_165 : memref<128x16xf32, #tpu.memory_space<vmem>>) offsets(%dma_start3A_167 : memref<128xi32, #tpu.memory_space<vmem>>) semaphore(%arg24 : memref<!tpu.dma_semaphore, #tpu.memory_space<semaphore_mem>>)
        %dma_start3A_171 = arith.constant 1280 : i32
        %dma_start3A_172 = arith.constant 0 : i32
        %dma_start3A_173 = tpu.memref_slice %arg18[%dma_start3A_171, %dma_start3A_172] : memref<2048x16xf32, #tpu.memory_space<vmem>> -> memref<128x16xf32, #tpu.memory_space<vmem>>
        %dma_start3A_174 = arith.constant 1280 : i32
        %dma_start3A_175 = tpu.memref_slice %arg16[%dma_start3A_174] : memref<2048xi32, #tpu.memory_space<vmem>> -> memref<128xi32, #tpu.memory_space<vmem>>
        %dma_start3A_176 = arith.constant 0 : i32
        %dma_start3A_177 = arith.constant 0 : i32
        %dma_start3A_178 = tpu.memref_slice %arg5[%dma_start3A_176, %dma_start3A_177] : memref<262144x16xf32, #tpu.memory_space<hbm>> -> memref<262144x16xf32, #tpu.memory_space<hbm>>
        tpu.enqueue_indirect_dma source(%dma_start3A_178 : memref<262144x16xf32, #tpu.memory_space<hbm>>) target(%dma_start3A_173 : memref<128x16xf32, #tpu.memory_space<vmem>>) offsets(%dma_start3A_175 : memref<128xi32, #tpu.memory_space<vmem>>) semaphore(%arg24 : memref<!tpu.dma_semaphore, #tpu.memory_space<semaphore_mem>>)
        %dma_start3A_179 = arith.constant 1408 : i32
        %dma_start3A_180 = arith.constant 0 : i32
        %dma_start3A_181 = tpu.memref_slice %arg18[%dma_start3A_179, %dma_start3A_180] : memref<2048x16xf32, #tpu.memory_space<vmem>> -> memref<128x16xf32, #tpu.memory_space<vmem>>
        %dma_start3A_182 = arith.constant 1408 : i32
        %dma_start3A_183 = tpu.memref_slice %arg16[%dma_start3A_182] : memref<2048xi32, #tpu.memory_space<vmem>> -> memref<128xi32, #tpu.memory_space<vmem>>
        %dma_start3A_184 = arith.constant 0 : i32
        %dma_start3A_185 = arith.constant 0 : i32
        %dma_start3A_186 = tpu.memref_slice %arg5[%dma_start3A_184, %dma_start3A_185] : memref<262144x16xf32, #tpu.memory_space<hbm>> -> memref<262144x16xf32, #tpu.memory_space<hbm>>
        tpu.enqueue_indirect_dma source(%dma_start3A_186 : memref<262144x16xf32, #tpu.memory_space<hbm>>) target(%dma_start3A_181 : memref<128x16xf32, #tpu.memory_space<vmem>>) offsets(%dma_start3A_183 : memref<128xi32, #tpu.memory_space<vmem>>) semaphore(%arg24 : memref<!tpu.dma_semaphore, #tpu.memory_space<semaphore_mem>>)
        %scan3A_187 = arith.constant 0 : i32
        %scan3A_188 = arith.constant 0 : i32
        %scan3A_189 = arith.constant 8 : i32
        %scan3A_190 = arith.addi %scan3A_188, %scan3A_189 : i32
        %scan3A_191 = arith.constant 1 : i32
        scf.for %scan3A_481 = %scan3A_188 to %scan3A_190 step %scan3A_191  : i32 {
          %mul3A_482 = arith.constant 16 : i32
          %mul3A_483 = arith.muli %scan3A_481, %mul3A_482 : i32
          %add3A_484 = vector.broadcast %mul3A_483 : i32 to vector<16xi32>
          %add3A_485 = arith.addi %add3A_484, %iota3A : vector<16xi32>
          %mul3A_486 = arith.constant 3 : i32
          %mul3A_487 = vector.broadcast %mul3A_486 : i32 to vector<16xi32>
          %mul3A_488 = arith.muli %add3A_485, %mul3A_487 : vector<16xi32>
          %gather3A = tpu.vector_load_idx %arg8[%mul3A_488] : memref<384xf32, #tpu.memory_space<vmem>>[vector<16xi32>], vector<16xf32>,
          %add3A_489 = arith.constant 1 : i32
          %add3A_490 = vector.broadcast %add3A_489 : i32 to vector<16xi32>
          %add3A_491 = arith.addi %mul3A_488, %add3A_490 : vector<16xi32>
          %gather3A_492 = tpu.vector_load_idx %arg8[%add3A_491] : memref<384xf32, #tpu.memory_space<vmem>>[vector<16xi32>], vector<16xf32>,
          %add3A_493 = arith.constant 2 : i32
          %add3A_494 = vector.broadcast %add3A_493 : i32 to vector<16xi32>
          %add3A_495 = arith.addi %mul3A_488, %add3A_494 : vector<16xi32>
          %gather3A_496 = tpu.vector_load_idx %arg8[%add3A_495] : memref<384xf32, #tpu.memory_space<vmem>>[vector<16xi32>], vector<16xf32>,
          %mul3A_497 = arith.constant 6.350000e+01 : f32
          %mul3A_498 = vector.broadcast %mul3A_497 : f32 to vector<16xf32>
          %mul3A_499 = arith.mulf %gather3A, %mul3A_498 : vector<16xf32>
          %add3A_500 = arith.constant 6.350000e+01 : f32
          %add3A_501 = vector.broadcast %add3A_500 : f32 to vector<16xf32>
          %add3A_502 = arith.addf %mul3A_499, %add3A_501 : vector<16xf32>
          %mul3A_503 = arith.constant 6.350000e+01 : f32
          %mul3A_504 = vector.broadcast %mul3A_503 : f32 to vector<16xf32>
          %mul3A_505 = arith.mulf %gather3A_492, %mul3A_504 : vector<16xf32>
          %add3A_506 = arith.constant 6.350000e+01 : f32
          %add3A_507 = vector.broadcast %add3A_506 : f32 to vector<16xf32>
          %add3A_508 = arith.addf %mul3A_505, %add3A_507 : vector<16xf32>
          %mul3A_509 = arith.constant 6.350000e+01 : f32
          %mul3A_510 = vector.broadcast %mul3A_509 : f32 to vector<16xf32>
          %mul3A_511 = arith.mulf %gather3A_496, %mul3A_510 : vector<16xf32>
          %add3A_512 = arith.constant 6.350000e+01 : f32
          %add3A_513 = vector.broadcast %add3A_512 : f32 to vector<16xf32>
          %add3A_514 = arith.addf %mul3A_511, %add3A_513 : vector<16xf32>
          %convert_element_type3A_515 = arith.fptosi %add3A_502 : vector<16xf32> to vector<16xi32>
          %min3A_516 = arith.constant 126 : i32
          %min3A_517 = vector.broadcast %min3A_516 : i32 to vector<16xi32>
          %min3A_518 = arith.minsi %convert_element_type3A_515, %min3A_517 : vector<16xi32>
          %convert_element_type3A_519 = arith.fptosi %add3A_508 : vector<16xf32> to vector<16xi32>
          %min3A_520 = arith.constant 126 : i32
          %min3A_521 = vector.broadcast %min3A_520 : i32 to vector<16xi32>
          %min3A_522 = arith.minsi %convert_element_type3A_519, %min3A_521 : vector<16xi32>
          %convert_element_type3A_523 = arith.fptosi %add3A_514 : vector<16xf32> to vector<16xi32>
          %min3A_524 = arith.constant 126 : i32
          %min3A_525 = vector.broadcast %min3A_524 : i32 to vector<16xi32>
          %min3A_526 = arith.minsi %convert_element_type3A_523, %min3A_525 : vector<16xi32>
          %mul3A_527 = arith.constant 16 : i32
          %mul3A_528 = arith.muli %scan3A_481, %mul3A_527 : i32
          %add3A_529 = arith.constant 384 : i32
          %add3A_530 = arith.addi %add3A_529, %mul3A_528 : i32
          %convert_element_type3A_531 = arith.sitofp %min3A_518 : vector<16xi32> to vector<16xf32>
          %sub3A_532 = arith.subf %add3A_502, %convert_element_type3A_531 : vector<16xf32>
          %swap3A = arith.index_cast %add3A_530 : i32 to index
          %swap3A_533 = tpu.vector_load %arg10[%swap3A] {strides = array<i32>} : memref<512xf32, #tpu.memory_space<vmem>>, vector<16xf32>,
          tpu.vector_store %arg10[%swap3A], %sub3A_532 {strides = array<i32>} : memref<512xf32, #tpu.memory_space<vmem>>, vector<16xf32>,
          %convert_element_type3A_534 = arith.sitofp %min3A_522 : vector<16xi32> to vector<16xf32>
          %sub3A_535 = arith.subf %add3A_508, %convert_element_type3A_534 : vector<16xf32>
          %swap3A_536 = arith.index_cast %add3A_530 : i32 to index
          %swap3A_537 = tpu.vector_load %arg11[%swap3A_536] {strides = array<i32>} : memref<512xf32, #tpu.memory_space<vmem>>, vector<16xf32>,
          tpu.vector_store %arg11[%swap3A_536], %sub3A_535 {strides = array<i32>} : memref<512xf32, #tpu.memory_space<vmem>>, vector<16xf32>,
          %convert_element_type3A_538 = arith.sitofp %min3A_526 : vector<16xi32> to vector<16xf32>
          %sub3A_539 = arith.subf %add3A_514, %convert_element_type3A_538 : vector<16xf32>
          %swap3A_540 = arith.index_cast %add3A_530 : i32 to index
          %swap3A_541 = tpu.vector_load %arg12[%swap3A_540] {strides = array<i32>} : memref<512xf32, #tpu.memory_space<vmem>>, vector<16xf32>,
          tpu.vector_store %arg12[%swap3A_540], %sub3A_539 {strides = array<i32>} : memref<512xf32, #tpu.memory_space<vmem>>, vector<16xf32>,
          %shift_left3A_542 = arith.constant 14 : i32
          %shift_left3A_543 = vector.broadcast %shift_left3A_542 : i32 to vector<16xi32>
          %shift_left3A_544 = arith.shli %min3A_518, %shift_left3A_543 : vector<16xi32>
          %shift_left3A_545 = arith.constant 7 : i32
          %shift_left3A_546 = vector.broadcast %shift_left3A_545 : i32 to vector<16xi32>
          %shift_left3A_547 = arith.shli %min3A_522, %shift_left3A_546 : vector<16xi32>
          %add3A_548 = arith.addi %shift_left3A_544, %shift_left3A_547 : vector<16xi32>
          %add3A_549 = arith.addi %add3A_548, %min3A_526 : vector<16xi32>
          %mul3A_550 = arith.constant 16 : i32
          %mul3A_551 = arith.muli %scan3A_481, %mul3A_550 : i32
          %add3A_552 = arith.constant 1536 : i32
          %add3A_553 = arith.addi %add3A_552, %mul3A_551 : i32
          %add3A_554 = arith.constant 0 : i32
          %add3A_555 = vector.broadcast %add3A_554 : i32 to vector<16xi32>
          %add3A_556 = arith.addi %add3A_549, %add3A_555 : vector<16xi32>
          %swap3A_557 = arith.index_cast %add3A_553 : i32 to index
          %swap3A_558 = tpu.vector_load %arg16[%swap3A_557] {strides = array<i32>} : memref<2048xi32, #tpu.memory_space<vmem>>, vector<16xi32>,
          tpu.vector_store %arg16[%swap3A_557], %add3A_556 {strides = array<i32>} : memref<2048xi32, #tpu.memory_space<vmem>>, vector<16xi32>,
          %mul3A_559 = arith.constant 16 : i32
          %mul3A_560 = arith.muli %scan3A_481, %mul3A_559 : i32
          %add3A_561 = arith.constant 1664 : i32
          %add3A_562 = arith.addi %add3A_561, %mul3A_560 : i32
          %add3A_563 = arith.constant 128 : i32
          %add3A_564 = vector.broadcast %add3A_563 : i32 to vector<16xi32>
          %add3A_565 = arith.addi %add3A_549, %add3A_564 : vector<16xi32>
          %swap3A_566 = arith.index_cast %add3A_562 : i32 to index
          %swap3A_567 = tpu.vector_load %arg16[%swap3A_566] {strides = array<i32>} : memref<2048xi32, #tpu.memory_space<vmem>>, vector<16xi32>,
          tpu.vector_store %arg16[%swap3A_566], %add3A_565 {strides = array<i32>} : memref<2048xi32, #tpu.memory_space<vmem>>, vector<16xi32>,
          %mul3A_568 = arith.constant 16 : i32
          %mul3A_569 = arith.muli %scan3A_481, %mul3A_568 : i32
          %add3A_570 = arith.constant 1792 : i32
          %add3A_571 = arith.addi %add3A_570, %mul3A_569 : i32
          %add3A_572 = arith.constant 16384 : i32
          %add3A_573 = vector.broadcast %add3A_572 : i32 to vector<16xi32>
          %add3A_574 = arith.addi %add3A_549, %add3A_573 : vector<16xi32>
          %swap3A_575 = arith.index_cast %add3A_571 : i32 to index
          %swap3A_576 = tpu.vector_load %arg16[%swap3A_575] {strides = array<i32>} : memref<2048xi32, #tpu.memory_space<vmem>>, vector<16xi32>,
          tpu.vector_store %arg16[%swap3A_575], %add3A_574 {strides = array<i32>} : memref<2048xi32, #tpu.memory_space<vmem>>, vector<16xi32>,
          %mul3A_577 = arith.constant 16 : i32
          %mul3A_578 = arith.muli %scan3A_481, %mul3A_577 : i32
          %add3A_579 = arith.constant 1920 : i32
          %add3A_580 = arith.addi %add3A_579, %mul3A_578 : i32
          %add3A_581 = arith.constant 16512 : i32
          %add3A_582 = vector.broadcast %add3A_581 : i32 to vector<16xi32>
          %add3A_583 = arith.addi %add3A_549, %add3A_582 : vector<16xi32>
          %swap3A_584 = arith.index_cast %add3A_580 : i32 to index
          %swap3A_585 = tpu.vector_load %arg16[%swap3A_584] {strides = array<i32>} : memref<2048xi32, #tpu.memory_space<vmem>>, vector<16xi32>,
          tpu.vector_store %arg16[%swap3A_584], %add3A_583 {strides = array<i32>} : memref<2048xi32, #tpu.memory_space<vmem>>, vector<16xi32>,
        }
        %scan3A_192 = arith.constant 8 : i32
        %dma_start3A_193 = arith.constant 1536 : i32
        %dma_start3A_194 = arith.constant 0 : i32
        %dma_start3A_195 = tpu.memref_slice %arg18[%dma_start3A_193, %dma_start3A_194] : memref<2048x16xf32, #tpu.memory_space<vmem>> -> memref<128x16xf32, #tpu.memory_space<vmem>>
        %dma_start3A_196 = arith.constant 1536 : i32
        %dma_start3A_197 = tpu.memref_slice %arg16[%dma_start3A_196] : memref<2048xi32, #tpu.memory_space<vmem>> -> memref<128xi32, #tpu.memory_space<vmem>>
        %dma_start3A_198 = arith.constant 0 : i32
        %dma_start3A_199 = arith.constant 0 : i32
        %dma_start3A_200 = tpu.memref_slice %arg6[%dma_start3A_198, %dma_start3A_199] : memref<2097152x16xf32, #tpu.memory_space<hbm>> -> memref<2097152x16xf32, #tpu.memory_space<hbm>>
        tpu.enqueue_indirect_dma source(%dma_start3A_200 : memref<2097152x16xf32, #tpu.memory_space<hbm>>) target(%dma_start3A_195 : memref<128x16xf32, #tpu.memory_space<vmem>>) offsets(%dma_start3A_197 : memref<128xi32, #tpu.memory_space<vmem>>) semaphore(%arg25 : memref<!tpu.dma_semaphore, #tpu.memory_space<semaphore_mem>>)
        %dma_start3A_201 = arith.constant 1664 : i32
        %dma_start3A_202 = arith.constant 0 : i32
        %dma_start3A_203 = tpu.memref_slice %arg18[%dma_start3A_201, %dma_start3A_202] : memref<2048x16xf32, #tpu.memory_space<vmem>> -> memref<128x16xf32, #tpu.memory_space<vmem>>
        %dma_start3A_204 = arith.constant 1664 : i32
        %dma_start3A_205 = tpu.memref_slice %arg16[%dma_start3A_204] : memref<2048xi32, #tpu.memory_space<vmem>> -> memref<128xi32, #tpu.memory_space<vmem>>
        %dma_start3A_206 = arith.constant 0 : i32
        %dma_start3A_207 = arith.constant 0 : i32
        %dma_start3A_208 = tpu.memref_slice %arg6[%dma_start3A_206, %dma_start3A_207] : memref<2097152x16xf32, #tpu.memory_space<hbm>> -> memref<2097152x16xf32, #tpu.memory_space<hbm>>
        tpu.enqueue_indirect_dma source(%dma_start3A_208 : memref<2097152x16xf32, #tpu.memory_space<hbm>>) target(%dma_start3A_203 : memref<128x16xf32, #tpu.memory_space<vmem>>) offsets(%dma_start3A_205 : memref<128xi32, #tpu.memory_space<vmem>>) semaphore(%arg25 : memref<!tpu.dma_semaphore, #tpu.memory_space<semaphore_mem>>)
        %dma_start3A_209 = arith.constant 1792 : i32
        %dma_start3A_210 = arith.constant 0 : i32
        %dma_start3A_211 = tpu.memref_slice %arg18[%dma_start3A_209, %dma_start3A_210] : memref<2048x16xf32, #tpu.memory_space<vmem>> -> memref<128x16xf32, #tpu.memory_space<vmem>>
        %dma_start3A_212 = arith.constant 1792 : i32
        %dma_start3A_213 = tpu.memref_slice %arg16[%dma_start3A_212] : memref<2048xi32, #tpu.memory_space<vmem>> -> memref<128xi32, #tpu.memory_space<vmem>>
        %dma_start3A_214 = arith.constant 0 : i32
        %dma_start3A_215 = arith.constant 0 : i32
        %dma_start3A_216 = tpu.memref_slice %arg6[%dma_start3A_214, %dma_start3A_215] : memref<2097152x16xf32, #tpu.memory_space<hbm>> -> memref<2097152x16xf32, #tpu.memory_space<hbm>>
        tpu.enqueue_indirect_dma source(%dma_start3A_216 : memref<2097152x16xf32, #tpu.memory_space<hbm>>) target(%dma_start3A_211 : memref<128x16xf32, #tpu.memory_space<vmem>>) offsets(%dma_start3A_213 : memref<128xi32, #tpu.memory_space<vmem>>) semaphore(%arg25 : memref<!tpu.dma_semaphore, #tpu.memory_space<semaphore_mem>>)
        %dma_start3A_217 = arith.constant 1920 : i32
        %dma_start3A_218 = arith.constant 0 : i32
        %dma_start3A_219 = tpu.memref_slice %arg18[%dma_start3A_217, %dma_start3A_218] : memref<2048x16xf32, #tpu.memory_space<vmem>> -> memref<128x16xf32, #tpu.memory_space<vmem>>
        %dma_start3A_220 = arith.constant 1920 : i32
        %dma_start3A_221 = tpu.memref_slice %arg16[%dma_start3A_220] : memref<2048xi32, #tpu.memory_space<vmem>> -> memref<128xi32, #tpu.memory_space<vmem>>
        %dma_start3A_222 = arith.constant 0 : i32
        %dma_start3A_223 = arith.constant 0 : i32
        %dma_start3A_224 = tpu.memref_slice %arg6[%dma_start3A_222, %dma_start3A_223] : memref<2097152x16xf32, #tpu.memory_space<hbm>> -> memref<2097152x16xf32, #tpu.memory_space<hbm>>
        tpu.enqueue_indirect_dma source(%dma_start3A_224 : memref<2097152x16xf32, #tpu.memory_space<hbm>>) target(%dma_start3A_219 : memref<128x16xf32, #tpu.memory_space<vmem>>) offsets(%dma_start3A_221 : memref<128xi32, #tpu.memory_space<vmem>>) semaphore(%arg25 : memref<!tpu.dma_semaphore, #tpu.memory_space<semaphore_mem>>)
        %dma_wait3A_225 = arith.constant 0 : i32
        %dma_wait3A_226 = arith.constant 0 : i32
        %dma_wait3A_227 = tpu.memref_slice %arg18[%dma_wait3A_225, %dma_wait3A_226] : memref<2048x16xf32, #tpu.memory_space<vmem>> -> memref<128x16xf32, #tpu.memory_space<vmem>>
        %dma_wait3A_228 = arith.constant 0 : i32
        %dma_wait3A_229 = arith.constant 0 : i32
        %dma_wait3A_230 = tpu.memref_slice %arg3[%dma_wait3A_228, %dma_wait3A_229] : memref<4096x16xf32, #tpu.memory_space<hbm>> -> memref<128x16xf32, #tpu.memory_space<hbm>>
        %dma_wait3A_231 = arith.constant 0 : i32
        %dma_wait3A_232 = arith.constant 0 : i32
        %dma_wait3A_233 = tpu.memref_slice %arg18[%dma_wait3A_231, %dma_wait3A_232] : memref<2048x16xf32, #tpu.memory_space<vmem>> -> memref<128x16xf32, #tpu.memory_space<vmem>>
        %dma_wait3A_234 = arith.constant 0 : i32
        %dma_wait3A_235 = arith.constant 0 : i32
        %dma_wait3A_236 = tpu.memref_slice %arg3[%dma_wait3A_234, %dma_wait3A_235] : memref<4096x16xf32, #tpu.memory_space<hbm>> -> memref<128x16xf32, #tpu.memory_space<hbm>>
        tpu.wait_dma2 semaphore(%arg22 : memref<!tpu.dma_semaphore, #tpu.memory_space<semaphore_mem>>) src(%dma_wait3A_236 : memref<128x16xf32, #tpu.memory_space<hbm>>) dst(%dma_wait3A_233 : memref<128x16xf32, #tpu.memory_space<vmem>>)
        %dma_wait3A_237 = arith.constant 0 : i32
        %dma_wait3A_238 = arith.constant 0 : i32
        %dma_wait3A_239 = tpu.memref_slice %arg18[%dma_wait3A_237, %dma_wait3A_238] : memref<2048x16xf32, #tpu.memory_space<vmem>> -> memref<128x16xf32, #tpu.memory_space<vmem>>
        %dma_wait3A_240 = arith.constant 0 : i32
        %dma_wait3A_241 = arith.constant 0 : i32
        %dma_wait3A_242 = tpu.memref_slice %arg3[%dma_wait3A_240, %dma_wait3A_241] : memref<4096x16xf32, #tpu.memory_space<hbm>> -> memref<128x16xf32, #tpu.memory_space<hbm>>
        %dma_wait3A_243 = arith.constant 0 : i32
        %dma_wait3A_244 = arith.constant 0 : i32
        %dma_wait3A_245 = tpu.memref_slice %arg18[%dma_wait3A_243, %dma_wait3A_244] : memref<2048x16xf32, #tpu.memory_space<vmem>> -> memref<128x16xf32, #tpu.memory_space<vmem>>
        %dma_wait3A_246 = arith.constant 0 : i32
        %dma_wait3A_247 = arith.constant 0 : i32
        %dma_wait3A_248 = tpu.memref_slice %arg3[%dma_wait3A_246, %dma_wait3A_247] : memref<4096x16xf32, #tpu.memory_space<hbm>> -> memref<128x16xf32, #tpu.memory_space<hbm>>
        tpu.wait_dma2 semaphore(%arg22 : memref<!tpu.dma_semaphore, #tpu.memory_space<semaphore_mem>>) src(%dma_wait3A_248 : memref<128x16xf32, #tpu.memory_space<hbm>>) dst(%dma_wait3A_245 : memref<128x16xf32, #tpu.memory_space<vmem>>)
        %dma_wait3A_249 = arith.constant 0 : i32
        %dma_wait3A_250 = arith.constant 0 : i32
        %dma_wait3A_251 = tpu.memref_slice %arg18[%dma_wait3A_249, %dma_wait3A_250] : memref<2048x16xf32, #tpu.memory_space<vmem>> -> memref<128x16xf32, #tpu.memory_space<vmem>>
        %dma_wait3A_252 = arith.constant 0 : i32
        %dma_wait3A_253 = arith.constant 0 : i32
        %dma_wait3A_254 = tpu.memref_slice %arg3[%dma_wait3A_252, %dma_wait3A_253] : memref<4096x16xf32, #tpu.memory_space<hbm>> -> memref<128x16xf32, #tpu.memory_space<hbm>>
        %dma_wait3A_255 = arith.constant 0 : i32
        %dma_wait3A_256 = arith.constant 0 : i32
        %dma_wait3A_257 = tpu.memref_slice %arg18[%dma_wait3A_255, %dma_wait3A_256] : memref<2048x16xf32, #tpu.memory_space<vmem>> -> memref<128x16xf32, #tpu.memory_space<vmem>>
        %dma_wait3A_258 = arith.constant 0 : i32
        %dma_wait3A_259 = arith.constant 0 : i32
        %dma_wait3A_260 = tpu.memref_slice %arg3[%dma_wait3A_258, %dma_wait3A_259] : memref<4096x16xf32, #tpu.memory_space<hbm>> -> memref<128x16xf32, #tpu.memory_space<hbm>>
        tpu.wait_dma2 semaphore(%arg22 : memref<!tpu.dma_semaphore, #tpu.memory_space<semaphore_mem>>) src(%dma_wait3A_260 : memref<128x16xf32, #tpu.memory_space<hbm>>) dst(%dma_wait3A_257 : memref<128x16xf32, #tpu.memory_space<vmem>>)
        %dma_wait3A_261 = arith.constant 0 : i32
        %dma_wait3A_262 = arith.constant 0 : i32
        %dma_wait3A_263 = tpu.memref_slice %arg18[%dma_wait3A_261, %dma_wait3A_262] : memref<2048x16xf32, #tpu.memory_space<vmem>> -> memref<128x16xf32, #tpu.memory_space<vmem>>
        %dma_wait3A_264 = arith.constant 0 : i32
        %dma_wait3A_265 = arith.constant 0 : i32
        %dma_wait3A_266 = tpu.memref_slice %arg3[%dma_wait3A_264, %dma_wait3A_265] : memref<4096x16xf32, #tpu.memory_space<hbm>> -> memref<128x16xf32, #tpu.memory_space<hbm>>
        %dma_wait3A_267 = arith.constant 0 : i32
        %dma_wait3A_268 = arith.constant 0 : i32
        %dma_wait3A_269 = tpu.memref_slice %arg18[%dma_wait3A_267, %dma_wait3A_268] : memref<2048x16xf32, #tpu.memory_space<vmem>> -> memref<128x16xf32, #tpu.memory_space<vmem>>
        %dma_wait3A_270 = arith.constant 0 : i32
        %dma_wait3A_271 = arith.constant 0 : i32
        %dma_wait3A_272 = tpu.memref_slice %arg3[%dma_wait3A_270, %dma_wait3A_271] : memref<4096x16xf32, #tpu.memory_space<hbm>> -> memref<128x16xf32, #tpu.memory_space<hbm>>
        tpu.wait_dma2 semaphore(%arg22 : memref<!tpu.dma_semaphore, #tpu.memory_space<semaphore_mem>>) src(%dma_wait3A_272 : memref<128x16xf32, #tpu.memory_space<hbm>>) dst(%dma_wait3A_269 : memref<128x16xf32, #tpu.memory_space<vmem>>)
        %shift_left3A = arith.constant 5 : i32
        %shift_left3A_273 = vector.broadcast %shift_left3A : i32 to vector<16xi32>
        %shift_left3A_274 = arith.shli %shift_right_arithmetic3A_55, %shift_left3A_273 : vector<16xi32>
        %add3A_275 = arith.addi %and3A_50, %shift_left3A_274 : vector<16xi32>
        %add3A_276 = arith.constant 0 : i32
        %add3A_277 = vector.broadcast %add3A_276 : i32 to vector<16xi32>
        %add3A_278 = arith.addi %add3A_275, %add3A_277 : vector<16xi32>
        %scan3A_279 = arith.constant 0 : i32
        %scan3A_280 = arith.constant 0 : i32
        %scan3A_281 = arith.constant 64 : i32
        %scan3A_282 = arith.addi %scan3A_280, %scan3A_281 : i32
        %scan3A_283 = arith.constant 1 : i32
        scf.for %scan3A_481 = %scan3A_280 to %scan3A_282 step %scan3A_283  : i32 {
          %mul3A_482 = arith.constant 2 : i32
          %mul3A_483 = arith.muli %scan3A_481, %mul3A_482 : i32
          %add3A_484 = vector.broadcast %mul3A_483 : i32 to vector<16xi32>
          %add3A_485 = arith.addi %add3A_484, %shift_right_arithmetic3A_55 : vector<16xi32>
          %add3A_486 = arith.constant 0 : i32
          %add3A_487 = vector.broadcast %add3A_486 : i32 to vector<16xi32>
          %add3A_488 = arith.addi %add3A_487, %add3A_485 : vector<16xi32>
          %gather3A = tpu.vector_load_idx %arg10[%add3A_488] : memref<512xf32, #tpu.memory_space<vmem>>[vector<16xi32>], vector<16xf32>,
          %gather3A_489 = tpu.vector_load_idx %arg11[%add3A_488] : memref<512xf32, #tpu.memory_space<vmem>>[vector<16xi32>], vector<16xf32>,
          %gather3A_490 = tpu.vector_load_idx %arg12[%add3A_488] : memref<512xf32, #tpu.memory_space<vmem>>[vector<16xi32>], vector<16xf32>,
          %sub3A_491 = arith.constant 1.000000e+00 : f32
          %sub3A_492 = vector.broadcast %sub3A_491 : f32 to vector<16xf32>
          %sub3A_493 = arith.subf %sub3A_492, %gather3A : vector<16xf32>
          %sub3A_494 = arith.constant 1.000000e+00 : f32
          %sub3A_495 = vector.broadcast %sub3A_494 : f32 to vector<16xf32>
          %sub3A_496 = arith.subf %sub3A_495, %gather3A_489 : vector<16xf32>
          %sub3A_497 = arith.constant 1.000000e+00 : f32
          %sub3A_498 = vector.broadcast %sub3A_497 : f32 to vector<16xf32>
          %sub3A_499 = arith.subf %sub3A_498, %gather3A_490 : vector<16xf32>
          %mul3A_500 = arith.mulf %sub3A_493, %sub3A_496 : vector<16xf32>
          %mul3A_501 = arith.mulf %sub3A_493, %gather3A_489 : vector<16xf32>
          %mul3A_502 = arith.mulf %gather3A, %sub3A_496 : vector<16xf32>
          %mul3A_503 = arith.mulf %gather3A, %gather3A_489 : vector<16xf32>
          %add3A_504 = arith.constant 0 : i32
          %add3A_505 = vector.broadcast %add3A_504 : i32 to vector<16xi32>
          %add3A_506 = arith.addi %add3A_505, %add3A_485 : vector<16xi32>
          %gather3A_507 = tpu.vector_load_idx %arg18[%add3A_506, %and3A_50] : memref<2048x16xf32, #tpu.memory_space<vmem>>[vector<16xi32>, vector<16xi32>], vector<16xf32>,
          %gather3A_508 = tpu.vector_load_idx %arg18[%add3A_506, %add3A_53] : memref<2048x16xf32, #tpu.memory_space<vmem>>[vector<16xi32>, vector<16xi32>], vector<16xf32>,
          %mul3A_509 = arith.mulf %sub3A_499, %gather3A_507 : vector<16xf32>
          %mul3A_510 = arith.mulf %gather3A_490, %gather3A_508 : vector<16xf32>
          %add3A_511 = arith.addf %mul3A_509, %mul3A_510 : vector<16xf32>
          %mul3A_512 = arith.mulf %mul3A_500, %add3A_511 : vector<16xf32>
          %add3A_513 = arith.constant 128 : i32
          %add3A_514 = vector.broadcast %add3A_513 : i32 to vector<16xi32>
          %add3A_515 = arith.addi %add3A_514, %add3A_485 : vector<16xi32>
          %gather3A_516 = tpu.vector_load_idx %arg18[%add3A_515, %and3A_50] : memref<2048x16xf32, #tpu.memory_space<vmem>>[vector<16xi32>, vector<16xi32>], vector<16xf32>,
          %gather3A_517 = tpu.vector_load_idx %arg18[%add3A_515, %add3A_53] : memref<2048x16xf32, #tpu.memory_space<vmem>>[vector<16xi32>, vector<16xi32>], vector<16xf32>,
          %mul3A_518 = arith.mulf %sub3A_499, %gather3A_516 : vector<16xf32>
          %mul3A_519 = arith.mulf %gather3A_490, %gather3A_517 : vector<16xf32>
          %add3A_520 = arith.addf %mul3A_518, %mul3A_519 : vector<16xf32>
          %mul3A_521 = arith.mulf %mul3A_501, %add3A_520 : vector<16xf32>
          %add3A_522 = arith.addf %mul3A_512, %mul3A_521 : vector<16xf32>
          %add3A_523 = arith.constant 256 : i32
          %add3A_524 = vector.broadcast %add3A_523 : i32 to vector<16xi32>
          %add3A_525 = arith.addi %add3A_524, %add3A_485 : vector<16xi32>
          %gather3A_526 = tpu.vector_load_idx %arg18[%add3A_525, %and3A_50] : memref<2048x16xf32, #tpu.memory_space<vmem>>[vector<16xi32>, vector<16xi32>], vector<16xf32>,
          %gather3A_527 = tpu.vector_load_idx %arg18[%add3A_525, %add3A_53] : memref<2048x16xf32, #tpu.memory_space<vmem>>[vector<16xi32>, vector<16xi32>], vector<16xf32>,
          %mul3A_528 = arith.mulf %sub3A_499, %gather3A_526 : vector<16xf32>
          %mul3A_529 = arith.mulf %gather3A_490, %gather3A_527 : vector<16xf32>
          %add3A_530 = arith.addf %mul3A_528, %mul3A_529 : vector<16xf32>
          %mul3A_531 = arith.mulf %mul3A_502, %add3A_530 : vector<16xf32>
          %add3A_532 = arith.addf %add3A_522, %mul3A_531 : vector<16xf32>
          %add3A_533 = arith.constant 384 : i32
          %add3A_534 = vector.broadcast %add3A_533 : i32 to vector<16xi32>
          %add3A_535 = arith.addi %add3A_534, %add3A_485 : vector<16xi32>
          %gather3A_536 = tpu.vector_load_idx %arg18[%add3A_535, %and3A_50] : memref<2048x16xf32, #tpu.memory_space<vmem>>[vector<16xi32>, vector<16xi32>], vector<16xf32>,
          %gather3A_537 = tpu.vector_load_idx %arg18[%add3A_535, %add3A_53] : memref<2048x16xf32, #tpu.memory_space<vmem>>[vector<16xi32>, vector<16xi32>], vector<16xf32>,
          %mul3A_538 = arith.mulf %sub3A_499, %gather3A_536 : vector<16xf32>
          %mul3A_539 = arith.mulf %gather3A_490, %gather3A_537 : vector<16xf32>
          %add3A_540 = arith.addf %mul3A_538, %mul3A_539 : vector<16xf32>
          %mul3A_541 = arith.mulf %mul3A_503, %add3A_540 : vector<16xf32>
          %add3A_542 = arith.addf %add3A_532, %mul3A_541 : vector<16xf32>
          %mul3A_543 = arith.constant 64 : i32
          %mul3A_544 = arith.muli %scan3A_481, %mul3A_543 : i32
          %add3A_545 = vector.broadcast %mul3A_544 : i32 to vector<16xi32>
          %add3A_546 = arith.addi %add3A_545, %add3A_278 : vector<16xi32>
          tpu.vector_store_idx %arg20[%add3A_546], %add3A_542 : memref<4096xf32, #tpu.memory_space<vmem>>[vector<16xi32>], vector<16xf32>,
        }
        %scan3A_284 = arith.constant 64 : i32
        %dma_wait3A_285 = arith.constant 0 : i32
        %dma_wait3A_286 = arith.constant 0 : i32
        %dma_wait3A_287 = tpu.memref_slice %arg18[%dma_wait3A_285, %dma_wait3A_286] : memref<2048x16xf32, #tpu.memory_space<vmem>> -> memref<128x16xf32, #tpu.memory_space<vmem>>
        %dma_wait3A_288 = arith.constant 0 : i32
        %dma_wait3A_289 = arith.constant 0 : i32
        %dma_wait3A_290 = tpu.memref_slice %arg4[%dma_wait3A_288, %dma_wait3A_289] : memref<32768x16xf32, #tpu.memory_space<hbm>> -> memref<128x16xf32, #tpu.memory_space<hbm>>
        %dma_wait3A_291 = arith.constant 0 : i32
        %dma_wait3A_292 = arith.constant 0 : i32
        %dma_wait3A_293 = tpu.memref_slice %arg18[%dma_wait3A_291, %dma_wait3A_292] : memref<2048x16xf32, #tpu.memory_space<vmem>> -> memref<128x16xf32, #tpu.memory_space<vmem>>
        %dma_wait3A_294 = arith.constant 0 : i32
        %dma_wait3A_295 = arith.constant 0 : i32
        %dma_wait3A_296 = tpu.memref_slice %arg4[%dma_wait3A_294, %dma_wait3A_295] : memref<32768x16xf32, #tpu.memory_space<hbm>> -> memref<128x16xf32, #tpu.memory_space<hbm>>
        tpu.wait_dma2 semaphore(%arg23 : memref<!tpu.dma_semaphore, #tpu.memory_space<semaphore_mem>>) src(%dma_wait3A_296 : memref<128x16xf32, #tpu.memory_space<hbm>>) dst(%dma_wait3A_293 : memref<128x16xf32, #tpu.memory_space<vmem>>)
        %dma_wait3A_297 = arith.constant 0 : i32
        %dma_wait3A_298 = arith.constant 0 : i32
        %dma_wait3A_299 = tpu.memref_slice %arg18[%dma_wait3A_297, %dma_wait3A_298] : memref<2048x16xf32, #tpu.memory_space<vmem>> -> memref<128x16xf32, #tpu.memory_space<vmem>>
        %dma_wait3A_300 = arith.constant 0 : i32
        %dma_wait3A_301 = arith.constant 0 : i32
        %dma_wait3A_302 = tpu.memref_slice %arg4[%dma_wait3A_300, %dma_wait3A_301] : memref<32768x16xf32, #tpu.memory_space<hbm>> -> memref<128x16xf32, #tpu.memory_space<hbm>>
        %dma_wait3A_303 = arith.constant 0 : i32
        %dma_wait3A_304 = arith.constant 0 : i32
        %dma_wait3A_305 = tpu.memref_slice %arg18[%dma_wait3A_303, %dma_wait3A_304] : memref<2048x16xf32, #tpu.memory_space<vmem>> -> memref<128x16xf32, #tpu.memory_space<vmem>>
        %dma_wait3A_306 = arith.constant 0 : i32
        %dma_wait3A_307 = arith.constant 0 : i32
        %dma_wait3A_308 = tpu.memref_slice %arg4[%dma_wait3A_306, %dma_wait3A_307] : memref<32768x16xf32, #tpu.memory_space<hbm>> -> memref<128x16xf32, #tpu.memory_space<hbm>>
        tpu.wait_dma2 semaphore(%arg23 : memref<!tpu.dma_semaphore, #tpu.memory_space<semaphore_mem>>) src(%dma_wait3A_308 : memref<128x16xf32, #tpu.memory_space<hbm>>) dst(%dma_wait3A_305 : memref<128x16xf32, #tpu.memory_space<vmem>>)
        %dma_wait3A_309 = arith.constant 0 : i32
        %dma_wait3A_310 = arith.constant 0 : i32
        %dma_wait3A_311 = tpu.memref_slice %arg18[%dma_wait3A_309, %dma_wait3A_310] : memref<2048x16xf32, #tpu.memory_space<vmem>> -> memref<128x16xf32, #tpu.memory_space<vmem>>
        %dma_wait3A_312 = arith.constant 0 : i32
        %dma_wait3A_313 = arith.constant 0 : i32
        %dma_wait3A_314 = tpu.memref_slice %arg4[%dma_wait3A_312, %dma_wait3A_313] : memref<32768x16xf32, #tpu.memory_space<hbm>> -> memref<128x16xf32, #tpu.memory_space<hbm>>
        %dma_wait3A_315 = arith.constant 0 : i32
        %dma_wait3A_316 = arith.constant 0 : i32
        %dma_wait3A_317 = tpu.memref_slice %arg18[%dma_wait3A_315, %dma_wait3A_316] : memref<2048x16xf32, #tpu.memory_space<vmem>> -> memref<128x16xf32, #tpu.memory_space<vmem>>
        %dma_wait3A_318 = arith.constant 0 : i32
        %dma_wait3A_319 = arith.constant 0 : i32
        %dma_wait3A_320 = tpu.memref_slice %arg4[%dma_wait3A_318, %dma_wait3A_319] : memref<32768x16xf32, #tpu.memory_space<hbm>> -> memref<128x16xf32, #tpu.memory_space<hbm>>
        tpu.wait_dma2 semaphore(%arg23 : memref<!tpu.dma_semaphore, #tpu.memory_space<semaphore_mem>>) src(%dma_wait3A_320 : memref<128x16xf32, #tpu.memory_space<hbm>>) dst(%dma_wait3A_317 : memref<128x16xf32, #tpu.memory_space<vmem>>)
        %dma_wait3A_321 = arith.constant 0 : i32
        %dma_wait3A_322 = arith.constant 0 : i32
        %dma_wait3A_323 = tpu.memref_slice %arg18[%dma_wait3A_321, %dma_wait3A_322] : memref<2048x16xf32, #tpu.memory_space<vmem>> -> memref<128x16xf32, #tpu.memory_space<vmem>>
        %dma_wait3A_324 = arith.constant 0 : i32
        %dma_wait3A_325 = arith.constant 0 : i32
        %dma_wait3A_326 = tpu.memref_slice %arg4[%dma_wait3A_324, %dma_wait3A_325] : memref<32768x16xf32, #tpu.memory_space<hbm>> -> memref<128x16xf32, #tpu.memory_space<hbm>>
        %dma_wait3A_327 = arith.constant 0 : i32
        %dma_wait3A_328 = arith.constant 0 : i32
        %dma_wait3A_329 = tpu.memref_slice %arg18[%dma_wait3A_327, %dma_wait3A_328] : memref<2048x16xf32, #tpu.memory_space<vmem>> -> memref<128x16xf32, #tpu.memory_space<vmem>>
        %dma_wait3A_330 = arith.constant 0 : i32
        %dma_wait3A_331 = arith.constant 0 : i32
        %dma_wait3A_332 = tpu.memref_slice %arg4[%dma_wait3A_330, %dma_wait3A_331] : memref<32768x16xf32, #tpu.memory_space<hbm>> -> memref<128x16xf32, #tpu.memory_space<hbm>>
        tpu.wait_dma2 semaphore(%arg23 : memref<!tpu.dma_semaphore, #tpu.memory_space<semaphore_mem>>) src(%dma_wait3A_332 : memref<128x16xf32, #tpu.memory_space<hbm>>) dst(%dma_wait3A_329 : memref<128x16xf32, #tpu.memory_space<vmem>>)
        %shift_left3A_333 = arith.constant 5 : i32
        %shift_left3A_334 = vector.broadcast %shift_left3A_333 : i32 to vector<16xi32>
        %shift_left3A_335 = arith.shli %shift_right_arithmetic3A_55, %shift_left3A_334 : vector<16xi32>
        %add3A_336 = arith.addi %and3A_50, %shift_left3A_335 : vector<16xi32>
        %add3A_337 = arith.constant 8 : i32
        %add3A_338 = vector.broadcast %add3A_337 : i32 to vector<16xi32>
        %add3A_339 = arith.addi %add3A_336, %add3A_338 : vector<16xi32>
        %scan3A_340 = arith.constant 0 : i32
        %scan3A_341 = arith.constant 0 : i32
        %scan3A_342 = arith.constant 64 : i32
        %scan3A_343 = arith.addi %scan3A_341, %scan3A_342 : i32
        %scan3A_344 = arith.constant 1 : i32
        scf.for %scan3A_481 = %scan3A_341 to %scan3A_343 step %scan3A_344  : i32 {
          %mul3A_482 = arith.constant 2 : i32
          %mul3A_483 = arith.muli %scan3A_481, %mul3A_482 : i32
          %add3A_484 = vector.broadcast %mul3A_483 : i32 to vector<16xi32>
          %add3A_485 = arith.addi %add3A_484, %shift_right_arithmetic3A_55 : vector<16xi32>
          %add3A_486 = arith.constant 128 : i32
          %add3A_487 = vector.broadcast %add3A_486 : i32 to vector<16xi32>
          %add3A_488 = arith.addi %add3A_487, %add3A_485 : vector<16xi32>
          %gather3A = tpu.vector_load_idx %arg10[%add3A_488] : memref<512xf32, #tpu.memory_space<vmem>>[vector<16xi32>], vector<16xf32>,
          %gather3A_489 = tpu.vector_load_idx %arg11[%add3A_488] : memref<512xf32, #tpu.memory_space<vmem>>[vector<16xi32>], vector<16xf32>,
          %gather3A_490 = tpu.vector_load_idx %arg12[%add3A_488] : memref<512xf32, #tpu.memory_space<vmem>>[vector<16xi32>], vector<16xf32>,
          %sub3A_491 = arith.constant 1.000000e+00 : f32
          %sub3A_492 = vector.broadcast %sub3A_491 : f32 to vector<16xf32>
          %sub3A_493 = arith.subf %sub3A_492, %gather3A : vector<16xf32>
          %sub3A_494 = arith.constant 1.000000e+00 : f32
          %sub3A_495 = vector.broadcast %sub3A_494 : f32 to vector<16xf32>
          %sub3A_496 = arith.subf %sub3A_495, %gather3A_489 : vector<16xf32>
          %sub3A_497 = arith.constant 1.000000e+00 : f32
          %sub3A_498 = vector.broadcast %sub3A_497 : f32 to vector<16xf32>
          %sub3A_499 = arith.subf %sub3A_498, %gather3A_490 : vector<16xf32>
          %mul3A_500 = arith.mulf %sub3A_493, %sub3A_496 : vector<16xf32>
          %mul3A_501 = arith.mulf %sub3A_493, %gather3A_489 : vector<16xf32>
          %mul3A_502 = arith.mulf %gather3A, %sub3A_496 : vector<16xf32>
          %mul3A_503 = arith.mulf %gather3A, %gather3A_489 : vector<16xf32>
          %add3A_504 = arith.constant 512 : i32
          %add3A_505 = vector.broadcast %add3A_504 : i32 to vector<16xi32>
          %add3A_506 = arith.addi %add3A_505, %add3A_485 : vector<16xi32>
          %gather3A_507 = tpu.vector_load_idx %arg18[%add3A_506, %and3A_50] : memref<2048x16xf32, #tpu.memory_space<vmem>>[vector<16xi32>, vector<16xi32>], vector<16xf32>,
          %gather3A_508 = tpu.vector_load_idx %arg18[%add3A_506, %add3A_53] : memref<2048x16xf32, #tpu.memory_space<vmem>>[vector<16xi32>, vector<16xi32>], vector<16xf32>,
          %mul3A_509 = arith.mulf %sub3A_499, %gather3A_507 : vector<16xf32>
          %mul3A_510 = arith.mulf %gather3A_490, %gather3A_508 : vector<16xf32>
          %add3A_511 = arith.addf %mul3A_509, %mul3A_510 : vector<16xf32>
          %mul3A_512 = arith.mulf %mul3A_500, %add3A_511 : vector<16xf32>
          %add3A_513 = arith.constant 640 : i32
          %add3A_514 = vector.broadcast %add3A_513 : i32 to vector<16xi32>
          %add3A_515 = arith.addi %add3A_514, %add3A_485 : vector<16xi32>
          %gather3A_516 = tpu.vector_load_idx %arg18[%add3A_515, %and3A_50] : memref<2048x16xf32, #tpu.memory_space<vmem>>[vector<16xi32>, vector<16xi32>], vector<16xf32>,
          %gather3A_517 = tpu.vector_load_idx %arg18[%add3A_515, %add3A_53] : memref<2048x16xf32, #tpu.memory_space<vmem>>[vector<16xi32>, vector<16xi32>], vector<16xf32>,
          %mul3A_518 = arith.mulf %sub3A_499, %gather3A_516 : vector<16xf32>
          %mul3A_519 = arith.mulf %gather3A_490, %gather3A_517 : vector<16xf32>
          %add3A_520 = arith.addf %mul3A_518, %mul3A_519 : vector<16xf32>
          %mul3A_521 = arith.mulf %mul3A_501, %add3A_520 : vector<16xf32>
          %add3A_522 = arith.addf %mul3A_512, %mul3A_521 : vector<16xf32>
          %add3A_523 = arith.constant 768 : i32
          %add3A_524 = vector.broadcast %add3A_523 : i32 to vector<16xi32>
          %add3A_525 = arith.addi %add3A_524, %add3A_485 : vector<16xi32>
          %gather3A_526 = tpu.vector_load_idx %arg18[%add3A_525, %and3A_50] : memref<2048x16xf32, #tpu.memory_space<vmem>>[vector<16xi32>, vector<16xi32>], vector<16xf32>,
          %gather3A_527 = tpu.vector_load_idx %arg18[%add3A_525, %add3A_53] : memref<2048x16xf32, #tpu.memory_space<vmem>>[vector<16xi32>, vector<16xi32>], vector<16xf32>,
          %mul3A_528 = arith.mulf %sub3A_499, %gather3A_526 : vector<16xf32>
          %mul3A_529 = arith.mulf %gather3A_490, %gather3A_527 : vector<16xf32>
          %add3A_530 = arith.addf %mul3A_528, %mul3A_529 : vector<16xf32>
          %mul3A_531 = arith.mulf %mul3A_502, %add3A_530 : vector<16xf32>
          %add3A_532 = arith.addf %add3A_522, %mul3A_531 : vector<16xf32>
          %add3A_533 = arith.constant 896 : i32
          %add3A_534 = vector.broadcast %add3A_533 : i32 to vector<16xi32>
          %add3A_535 = arith.addi %add3A_534, %add3A_485 : vector<16xi32>
          %gather3A_536 = tpu.vector_load_idx %arg18[%add3A_535, %and3A_50] : memref<2048x16xf32, #tpu.memory_space<vmem>>[vector<16xi32>, vector<16xi32>], vector<16xf32>,
          %gather3A_537 = tpu.vector_load_idx %arg18[%add3A_535, %add3A_53] : memref<2048x16xf32, #tpu.memory_space<vmem>>[vector<16xi32>, vector<16xi32>], vector<16xf32>,
          %mul3A_538 = arith.mulf %sub3A_499, %gather3A_536 : vector<16xf32>
          %mul3A_539 = arith.mulf %gather3A_490, %gather3A_537 : vector<16xf32>
          %add3A_540 = arith.addf %mul3A_538, %mul3A_539 : vector<16xf32>
          %mul3A_541 = arith.mulf %mul3A_503, %add3A_540 : vector<16xf32>
          %add3A_542 = arith.addf %add3A_532, %mul3A_541 : vector<16xf32>
          %mul3A_543 = arith.constant 64 : i32
          %mul3A_544 = arith.muli %scan3A_481, %mul3A_543 : i32
          %add3A_545 = vector.broadcast %mul3A_544 : i32 to vector<16xi32>
          %add3A_546 = arith.addi %add3A_545, %add3A_339 : vector<16xi32>
          tpu.vector_store_idx %arg20[%add3A_546], %add3A_542 : memref<4096xf32, #tpu.memory_space<vmem>>[vector<16xi32>], vector<16xf32>,
        }
        %scan3A_345 = arith.constant 64 : i32
        %dma_wait3A_346 = arith.constant 0 : i32
        %dma_wait3A_347 = arith.constant 0 : i32
        %dma_wait3A_348 = tpu.memref_slice %arg18[%dma_wait3A_346, %dma_wait3A_347] : memref<2048x16xf32, #tpu.memory_space<vmem>> -> memref<128x16xf32, #tpu.memory_space<vmem>>
        %dma_wait3A_349 = arith.constant 0 : i32
        %dma_wait3A_350 = arith.constant 0 : i32
        %dma_wait3A_351 = tpu.memref_slice %arg5[%dma_wait3A_349, %dma_wait3A_350] : memref<262144x16xf32, #tpu.memory_space<hbm>> -> memref<128x16xf32, #tpu.memory_space<hbm>>
        %dma_wait3A_352 = arith.constant 0 : i32
        %dma_wait3A_353 = arith.constant 0 : i32
        %dma_wait3A_354 = tpu.memref_slice %arg18[%dma_wait3A_352, %dma_wait3A_353] : memref<2048x16xf32, #tpu.memory_space<vmem>> -> memref<128x16xf32, #tpu.memory_space<vmem>>
        %dma_wait3A_355 = arith.constant 0 : i32
        %dma_wait3A_356 = arith.constant 0 : i32
        %dma_wait3A_357 = tpu.memref_slice %arg5[%dma_wait3A_355, %dma_wait3A_356] : memref<262144x16xf32, #tpu.memory_space<hbm>> -> memref<128x16xf32, #tpu.memory_space<hbm>>
        tpu.wait_dma2 semaphore(%arg24 : memref<!tpu.dma_semaphore, #tpu.memory_space<semaphore_mem>>) src(%dma_wait3A_357 : memref<128x16xf32, #tpu.memory_space<hbm>>) dst(%dma_wait3A_354 : memref<128x16xf32, #tpu.memory_space<vmem>>)
        %dma_wait3A_358 = arith.constant 0 : i32
        %dma_wait3A_359 = arith.constant 0 : i32
        %dma_wait3A_360 = tpu.memref_slice %arg18[%dma_wait3A_358, %dma_wait3A_359] : memref<2048x16xf32, #tpu.memory_space<vmem>> -> memref<128x16xf32, #tpu.memory_space<vmem>>
        %dma_wait3A_361 = arith.constant 0 : i32
        %dma_wait3A_362 = arith.constant 0 : i32
        %dma_wait3A_363 = tpu.memref_slice %arg5[%dma_wait3A_361, %dma_wait3A_362] : memref<262144x16xf32, #tpu.memory_space<hbm>> -> memref<128x16xf32, #tpu.memory_space<hbm>>
        %dma_wait3A_364 = arith.constant 0 : i32
        %dma_wait3A_365 = arith.constant 0 : i32
        %dma_wait3A_366 = tpu.memref_slice %arg18[%dma_wait3A_364, %dma_wait3A_365] : memref<2048x16xf32, #tpu.memory_space<vmem>> -> memref<128x16xf32, #tpu.memory_space<vmem>>
        %dma_wait3A_367 = arith.constant 0 : i32
        %dma_wait3A_368 = arith.constant 0 : i32
        %dma_wait3A_369 = tpu.memref_slice %arg5[%dma_wait3A_367, %dma_wait3A_368] : memref<262144x16xf32, #tpu.memory_space<hbm>> -> memref<128x16xf32, #tpu.memory_space<hbm>>
        tpu.wait_dma2 semaphore(%arg24 : memref<!tpu.dma_semaphore, #tpu.memory_space<semaphore_mem>>) src(%dma_wait3A_369 : memref<128x16xf32, #tpu.memory_space<hbm>>) dst(%dma_wait3A_366 : memref<128x16xf32, #tpu.memory_space<vmem>>)
        %dma_wait3A_370 = arith.constant 0 : i32
        %dma_wait3A_371 = arith.constant 0 : i32
        %dma_wait3A_372 = tpu.memref_slice %arg18[%dma_wait3A_370, %dma_wait3A_371] : memref<2048x16xf32, #tpu.memory_space<vmem>> -> memref<128x16xf32, #tpu.memory_space<vmem>>
        %dma_wait3A_373 = arith.constant 0 : i32
        %dma_wait3A_374 = arith.constant 0 : i32
        %dma_wait3A_375 = tpu.memref_slice %arg5[%dma_wait3A_373, %dma_wait3A_374] : memref<262144x16xf32, #tpu.memory_space<hbm>> -> memref<128x16xf32, #tpu.memory_space<hbm>>
        %dma_wait3A_376 = arith.constant 0 : i32
        %dma_wait3A_377 = arith.constant 0 : i32
        %dma_wait3A_378 = tpu.memref_slice %arg18[%dma_wait3A_376, %dma_wait3A_377] : memref<2048x16xf32, #tpu.memory_space<vmem>> -> memref<128x16xf32, #tpu.memory_space<vmem>>
        %dma_wait3A_379 = arith.constant 0 : i32
        %dma_wait3A_380 = arith.constant 0 : i32
        %dma_wait3A_381 = tpu.memref_slice %arg5[%dma_wait3A_379, %dma_wait3A_380] : memref<262144x16xf32, #tpu.memory_space<hbm>> -> memref<128x16xf32, #tpu.memory_space<hbm>>
        tpu.wait_dma2 semaphore(%arg24 : memref<!tpu.dma_semaphore, #tpu.memory_space<semaphore_mem>>) src(%dma_wait3A_381 : memref<128x16xf32, #tpu.memory_space<hbm>>) dst(%dma_wait3A_378 : memref<128x16xf32, #tpu.memory_space<vmem>>)
        %dma_wait3A_382 = arith.constant 0 : i32
        %dma_wait3A_383 = arith.constant 0 : i32
        %dma_wait3A_384 = tpu.memref_slice %arg18[%dma_wait3A_382, %dma_wait3A_383] : memref<2048x16xf32, #tpu.memory_space<vmem>> -> memref<128x16xf32, #tpu.memory_space<vmem>>
        %dma_wait3A_385 = arith.constant 0 : i32
        %dma_wait3A_386 = arith.constant 0 : i32
        %dma_wait3A_387 = tpu.memref_slice %arg5[%dma_wait3A_385, %dma_wait3A_386] : memref<262144x16xf32, #tpu.memory_space<hbm>> -> memref<128x16xf32, #tpu.memory_space<hbm>>
        %dma_wait3A_388 = arith.constant 0 : i32
        %dma_wait3A_389 = arith.constant 0 : i32
        %dma_wait3A_390 = tpu.memref_slice %arg18[%dma_wait3A_388, %dma_wait3A_389] : memref<2048x16xf32, #tpu.memory_space<vmem>> -> memref<128x16xf32, #tpu.memory_space<vmem>>
        %dma_wait3A_391 = arith.constant 0 : i32
        %dma_wait3A_392 = arith.constant 0 : i32
        %dma_wait3A_393 = tpu.memref_slice %arg5[%dma_wait3A_391, %dma_wait3A_392] : memref<262144x16xf32, #tpu.memory_space<hbm>> -> memref<128x16xf32, #tpu.memory_space<hbm>>
        tpu.wait_dma2 semaphore(%arg24 : memref<!tpu.dma_semaphore, #tpu.memory_space<semaphore_mem>>) src(%dma_wait3A_393 : memref<128x16xf32, #tpu.memory_space<hbm>>) dst(%dma_wait3A_390 : memref<128x16xf32, #tpu.memory_space<vmem>>)
        %shift_left3A_394 = arith.constant 5 : i32
        %shift_left3A_395 = vector.broadcast %shift_left3A_394 : i32 to vector<16xi32>
        %shift_left3A_396 = arith.shli %shift_right_arithmetic3A_55, %shift_left3A_395 : vector<16xi32>
        %add3A_397 = arith.addi %and3A_50, %shift_left3A_396 : vector<16xi32>
        %add3A_398 = arith.constant 16 : i32
        %add3A_399 = vector.broadcast %add3A_398 : i32 to vector<16xi32>
        %add3A_400 = arith.addi %add3A_397, %add3A_399 : vector<16xi32>
        %scan3A_401 = arith.constant 0 : i32
        %scan3A_402 = arith.constant 0 : i32
        %scan3A_403 = arith.constant 64 : i32
        %scan3A_404 = arith.addi %scan3A_402, %scan3A_403 : i32
        %scan3A_405 = arith.constant 1 : i32
        scf.for %scan3A_481 = %scan3A_402 to %scan3A_404 step %scan3A_405  : i32 {
          %mul3A_482 = arith.constant 2 : i32
          %mul3A_483 = arith.muli %scan3A_481, %mul3A_482 : i32
          %add3A_484 = vector.broadcast %mul3A_483 : i32 to vector<16xi32>
          %add3A_485 = arith.addi %add3A_484, %shift_right_arithmetic3A_55 : vector<16xi32>
          %add3A_486 = arith.constant 256 : i32
          %add3A_487 = vector.broadcast %add3A_486 : i32 to vector<16xi32>
          %add3A_488 = arith.addi %add3A_487, %add3A_485 : vector<16xi32>
          %gather3A = tpu.vector_load_idx %arg10[%add3A_488] : memref<512xf32, #tpu.memory_space<vmem>>[vector<16xi32>], vector<16xf32>,
          %gather3A_489 = tpu.vector_load_idx %arg11[%add3A_488] : memref<512xf32, #tpu.memory_space<vmem>>[vector<16xi32>], vector<16xf32>,
          %gather3A_490 = tpu.vector_load_idx %arg12[%add3A_488] : memref<512xf32, #tpu.memory_space<vmem>>[vector<16xi32>], vector<16xf32>,
          %sub3A_491 = arith.constant 1.000000e+00 : f32
          %sub3A_492 = vector.broadcast %sub3A_491 : f32 to vector<16xf32>
          %sub3A_493 = arith.subf %sub3A_492, %gather3A : vector<16xf32>
          %sub3A_494 = arith.constant 1.000000e+00 : f32
          %sub3A_495 = vector.broadcast %sub3A_494 : f32 to vector<16xf32>
          %sub3A_496 = arith.subf %sub3A_495, %gather3A_489 : vector<16xf32>
          %sub3A_497 = arith.constant 1.000000e+00 : f32
          %sub3A_498 = vector.broadcast %sub3A_497 : f32 to vector<16xf32>
          %sub3A_499 = arith.subf %sub3A_498, %gather3A_490 : vector<16xf32>
          %mul3A_500 = arith.mulf %sub3A_493, %sub3A_496 : vector<16xf32>
          %mul3A_501 = arith.mulf %sub3A_493, %gather3A_489 : vector<16xf32>
          %mul3A_502 = arith.mulf %gather3A, %sub3A_496 : vector<16xf32>
          %mul3A_503 = arith.mulf %gather3A, %gather3A_489 : vector<16xf32>
          %add3A_504 = arith.constant 1024 : i32
          %add3A_505 = vector.broadcast %add3A_504 : i32 to vector<16xi32>
          %add3A_506 = arith.addi %add3A_505, %add3A_485 : vector<16xi32>
          %gather3A_507 = tpu.vector_load_idx %arg18[%add3A_506, %and3A_50] : memref<2048x16xf32, #tpu.memory_space<vmem>>[vector<16xi32>, vector<16xi32>], vector<16xf32>,
          %gather3A_508 = tpu.vector_load_idx %arg18[%add3A_506, %add3A_53] : memref<2048x16xf32, #tpu.memory_space<vmem>>[vector<16xi32>, vector<16xi32>], vector<16xf32>,
          %mul3A_509 = arith.mulf %sub3A_499, %gather3A_507 : vector<16xf32>
          %mul3A_510 = arith.mulf %gather3A_490, %gather3A_508 : vector<16xf32>
          %add3A_511 = arith.addf %mul3A_509, %mul3A_510 : vector<16xf32>
          %mul3A_512 = arith.mulf %mul3A_500, %add3A_511 : vector<16xf32>
          %add3A_513 = arith.constant 1152 : i32
          %add3A_514 = vector.broadcast %add3A_513 : i32 to vector<16xi32>
          %add3A_515 = arith.addi %add3A_514, %add3A_485 : vector<16xi32>
          %gather3A_516 = tpu.vector_load_idx %arg18[%add3A_515, %and3A_50] : memref<2048x16xf32, #tpu.memory_space<vmem>>[vector<16xi32>, vector<16xi32>], vector<16xf32>,
          %gather3A_517 = tpu.vector_load_idx %arg18[%add3A_515, %add3A_53] : memref<2048x16xf32, #tpu.memory_space<vmem>>[vector<16xi32>, vector<16xi32>], vector<16xf32>,
          %mul3A_518 = arith.mulf %sub3A_499, %gather3A_516 : vector<16xf32>
          %mul3A_519 = arith.mulf %gather3A_490, %gather3A_517 : vector<16xf32>
          %add3A_520 = arith.addf %mul3A_518, %mul3A_519 : vector<16xf32>
          %mul3A_521 = arith.mulf %mul3A_501, %add3A_520 : vector<16xf32>
          %add3A_522 = arith.addf %mul3A_512, %mul3A_521 : vector<16xf32>
          %add3A_523 = arith.constant 1280 : i32
          %add3A_524 = vector.broadcast %add3A_523 : i32 to vector<16xi32>
          %add3A_525 = arith.addi %add3A_524, %add3A_485 : vector<16xi32>
          %gather3A_526 = tpu.vector_load_idx %arg18[%add3A_525, %and3A_50] : memref<2048x16xf32, #tpu.memory_space<vmem>>[vector<16xi32>, vector<16xi32>], vector<16xf32>,
          %gather3A_527 = tpu.vector_load_idx %arg18[%add3A_525, %add3A_53] : memref<2048x16xf32, #tpu.memory_space<vmem>>[vector<16xi32>, vector<16xi32>], vector<16xf32>,
          %mul3A_528 = arith.mulf %sub3A_499, %gather3A_526 : vector<16xf32>
          %mul3A_529 = arith.mulf %gather3A_490, %gather3A_527 : vector<16xf32>
          %add3A_530 = arith.addf %mul3A_528, %mul3A_529 : vector<16xf32>
          %mul3A_531 = arith.mulf %mul3A_502, %add3A_530 : vector<16xf32>
          %add3A_532 = arith.addf %add3A_522, %mul3A_531 : vector<16xf32>
          %add3A_533 = arith.constant 1408 : i32
          %add3A_534 = vector.broadcast %add3A_533 : i32 to vector<16xi32>
          %add3A_535 = arith.addi %add3A_534, %add3A_485 : vector<16xi32>
          %gather3A_536 = tpu.vector_load_idx %arg18[%add3A_535, %and3A_50] : memref<2048x16xf32, #tpu.memory_space<vmem>>[vector<16xi32>, vector<16xi32>], vector<16xf32>,
          %gather3A_537 = tpu.vector_load_idx %arg18[%add3A_535, %add3A_53] : memref<2048x16xf32, #tpu.memory_space<vmem>>[vector<16xi32>, vector<16xi32>], vector<16xf32>,
          %mul3A_538 = arith.mulf %sub3A_499, %gather3A_536 : vector<16xf32>
          %mul3A_539 = arith.mulf %gather3A_490, %gather3A_537 : vector<16xf32>
          %add3A_540 = arith.addf %mul3A_538, %mul3A_539 : vector<16xf32>
          %mul3A_541 = arith.mulf %mul3A_503, %add3A_540 : vector<16xf32>
          %add3A_542 = arith.addf %add3A_532, %mul3A_541 : vector<16xf32>
          %mul3A_543 = arith.constant 64 : i32
          %mul3A_544 = arith.muli %scan3A_481, %mul3A_543 : i32
          %add3A_545 = vector.broadcast %mul3A_544 : i32 to vector<16xi32>
          %add3A_546 = arith.addi %add3A_545, %add3A_400 : vector<16xi32>
          tpu.vector_store_idx %arg20[%add3A_546], %add3A_542 : memref<4096xf32, #tpu.memory_space<vmem>>[vector<16xi32>], vector<16xf32>,
        }
        %scan3A_406 = arith.constant 64 : i32
        %dma_wait3A_407 = arith.constant 0 : i32
        %dma_wait3A_408 = arith.constant 0 : i32
        %dma_wait3A_409 = tpu.memref_slice %arg18[%dma_wait3A_407, %dma_wait3A_408] : memref<2048x16xf32, #tpu.memory_space<vmem>> -> memref<128x16xf32, #tpu.memory_space<vmem>>
        %dma_wait3A_410 = arith.constant 0 : i32
        %dma_wait3A_411 = arith.constant 0 : i32
        %dma_wait3A_412 = tpu.memref_slice %arg6[%dma_wait3A_410, %dma_wait3A_411] : memref<2097152x16xf32, #tpu.memory_space<hbm>> -> memref<128x16xf32, #tpu.memory_space<hbm>>
        %dma_wait3A_413 = arith.constant 0 : i32
        %dma_wait3A_414 = arith.constant 0 : i32
        %dma_wait3A_415 = tpu.memref_slice %arg18[%dma_wait3A_413, %dma_wait3A_414] : memref<2048x16xf32, #tpu.memory_space<vmem>> -> memref<128x16xf32, #tpu.memory_space<vmem>>
        %dma_wait3A_416 = arith.constant 0 : i32
        %dma_wait3A_417 = arith.constant 0 : i32
        %dma_wait3A_418 = tpu.memref_slice %arg6[%dma_wait3A_416, %dma_wait3A_417] : memref<2097152x16xf32, #tpu.memory_space<hbm>> -> memref<128x16xf32, #tpu.memory_space<hbm>>
        tpu.wait_dma2 semaphore(%arg25 : memref<!tpu.dma_semaphore, #tpu.memory_space<semaphore_mem>>) src(%dma_wait3A_418 : memref<128x16xf32, #tpu.memory_space<hbm>>) dst(%dma_wait3A_415 : memref<128x16xf32, #tpu.memory_space<vmem>>)
        %dma_wait3A_419 = arith.constant 0 : i32
        %dma_wait3A_420 = arith.constant 0 : i32
        %dma_wait3A_421 = tpu.memref_slice %arg18[%dma_wait3A_419, %dma_wait3A_420] : memref<2048x16xf32, #tpu.memory_space<vmem>> -> memref<128x16xf32, #tpu.memory_space<vmem>>
        %dma_wait3A_422 = arith.constant 0 : i32
        %dma_wait3A_423 = arith.constant 0 : i32
        %dma_wait3A_424 = tpu.memref_slice %arg6[%dma_wait3A_422, %dma_wait3A_423] : memref<2097152x16xf32, #tpu.memory_space<hbm>> -> memref<128x16xf32, #tpu.memory_space<hbm>>
        %dma_wait3A_425 = arith.constant 0 : i32
        %dma_wait3A_426 = arith.constant 0 : i32
        %dma_wait3A_427 = tpu.memref_slice %arg18[%dma_wait3A_425, %dma_wait3A_426] : memref<2048x16xf32, #tpu.memory_space<vmem>> -> memref<128x16xf32, #tpu.memory_space<vmem>>
        %dma_wait3A_428 = arith.constant 0 : i32
        %dma_wait3A_429 = arith.constant 0 : i32
        %dma_wait3A_430 = tpu.memref_slice %arg6[%dma_wait3A_428, %dma_wait3A_429] : memref<2097152x16xf32, #tpu.memory_space<hbm>> -> memref<128x16xf32, #tpu.memory_space<hbm>>
        tpu.wait_dma2 semaphore(%arg25 : memref<!tpu.dma_semaphore, #tpu.memory_space<semaphore_mem>>) src(%dma_wait3A_430 : memref<128x16xf32, #tpu.memory_space<hbm>>) dst(%dma_wait3A_427 : memref<128x16xf32, #tpu.memory_space<vmem>>)
        %dma_wait3A_431 = arith.constant 0 : i32
        %dma_wait3A_432 = arith.constant 0 : i32
        %dma_wait3A_433 = tpu.memref_slice %arg18[%dma_wait3A_431, %dma_wait3A_432] : memref<2048x16xf32, #tpu.memory_space<vmem>> -> memref<128x16xf32, #tpu.memory_space<vmem>>
        %dma_wait3A_434 = arith.constant 0 : i32
        %dma_wait3A_435 = arith.constant 0 : i32
        %dma_wait3A_436 = tpu.memref_slice %arg6[%dma_wait3A_434, %dma_wait3A_435] : memref<2097152x16xf32, #tpu.memory_space<hbm>> -> memref<128x16xf32, #tpu.memory_space<hbm>>
        %dma_wait3A_437 = arith.constant 0 : i32
        %dma_wait3A_438 = arith.constant 0 : i32
        %dma_wait3A_439 = tpu.memref_slice %arg18[%dma_wait3A_437, %dma_wait3A_438] : memref<2048x16xf32, #tpu.memory_space<vmem>> -> memref<128x16xf32, #tpu.memory_space<vmem>>
        %dma_wait3A_440 = arith.constant 0 : i32
        %dma_wait3A_441 = arith.constant 0 : i32
        %dma_wait3A_442 = tpu.memref_slice %arg6[%dma_wait3A_440, %dma_wait3A_441] : memref<2097152x16xf32, #tpu.memory_space<hbm>> -> memref<128x16xf32, #tpu.memory_space<hbm>>
        tpu.wait_dma2 semaphore(%arg25 : memref<!tpu.dma_semaphore, #tpu.memory_space<semaphore_mem>>) src(%dma_wait3A_442 : memref<128x16xf32, #tpu.memory_space<hbm>>) dst(%dma_wait3A_439 : memref<128x16xf32, #tpu.memory_space<vmem>>)
        %dma_wait3A_443 = arith.constant 0 : i32
        %dma_wait3A_444 = arith.constant 0 : i32
        %dma_wait3A_445 = tpu.memref_slice %arg18[%dma_wait3A_443, %dma_wait3A_444] : memref<2048x16xf32, #tpu.memory_space<vmem>> -> memref<128x16xf32, #tpu.memory_space<vmem>>
        %dma_wait3A_446 = arith.constant 0 : i32
        %dma_wait3A_447 = arith.constant 0 : i32
        %dma_wait3A_448 = tpu.memref_slice %arg6[%dma_wait3A_446, %dma_wait3A_447] : memref<2097152x16xf32, #tpu.memory_space<hbm>> -> memref<128x16xf32, #tpu.memory_space<hbm>>
        %dma_wait3A_449 = arith.constant 0 : i32
        %dma_wait3A_450 = arith.constant 0 : i32
        %dma_wait3A_451 = tpu.memref_slice %arg18[%dma_wait3A_449, %dma_wait3A_450] : memref<2048x16xf32, #tpu.memory_space<vmem>> -> memref<128x16xf32, #tpu.memory_space<vmem>>
        %dma_wait3A_452 = arith.constant 0 : i32
        %dma_wait3A_453 = arith.constant 0 : i32
        %dma_wait3A_454 = tpu.memref_slice %arg6[%dma_wait3A_452, %dma_wait3A_453] : memref<2097152x16xf32, #tpu.memory_space<hbm>> -> memref<128x16xf32, #tpu.memory_space<hbm>>
        tpu.wait_dma2 semaphore(%arg25 : memref<!tpu.dma_semaphore, #tpu.memory_space<semaphore_mem>>) src(%dma_wait3A_454 : memref<128x16xf32, #tpu.memory_space<hbm>>) dst(%dma_wait3A_451 : memref<128x16xf32, #tpu.memory_space<vmem>>)
        %shift_left3A_455 = arith.constant 5 : i32
        %shift_left3A_456 = vector.broadcast %shift_left3A_455 : i32 to vector<16xi32>
        %shift_left3A_457 = arith.shli %shift_right_arithmetic3A_55, %shift_left3A_456 : vector<16xi32>
        %add3A_458 = arith.addi %and3A_50, %shift_left3A_457 : vector<16xi32>
        %add3A_459 = arith.constant 24 : i32
        %add3A_460 = vector.broadcast %add3A_459 : i32 to vector<16xi32>
        %add3A_461 = arith.addi %add3A_458, %add3A_460 : vector<16xi32>
        %scan3A_462 = arith.constant 0 : i32
        %scan3A_463 = arith.constant 0 : i32
        %scan3A_464 = arith.constant 64 : i32
        %scan3A_465 = arith.addi %scan3A_463, %scan3A_464 : i32
        %scan3A_466 = arith.constant 1 : i32
        scf.for %scan3A_481 = %scan3A_463 to %scan3A_465 step %scan3A_466  : i32 {
          %mul3A_482 = arith.constant 2 : i32
          %mul3A_483 = arith.muli %scan3A_481, %mul3A_482 : i32
          %add3A_484 = vector.broadcast %mul3A_483 : i32 to vector<16xi32>
          %add3A_485 = arith.addi %add3A_484, %shift_right_arithmetic3A_55 : vector<16xi32>
          %add3A_486 = arith.constant 384 : i32
          %add3A_487 = vector.broadcast %add3A_486 : i32 to vector<16xi32>
          %add3A_488 = arith.addi %add3A_487, %add3A_485 : vector<16xi32>
          %gather3A = tpu.vector_load_idx %arg10[%add3A_488] : memref<512xf32, #tpu.memory_space<vmem>>[vector<16xi32>], vector<16xf32>,
          %gather3A_489 = tpu.vector_load_idx %arg11[%add3A_488] : memref<512xf32, #tpu.memory_space<vmem>>[vector<16xi32>], vector<16xf32>,
          %gather3A_490 = tpu.vector_load_idx %arg12[%add3A_488] : memref<512xf32, #tpu.memory_space<vmem>>[vector<16xi32>], vector<16xf32>,
          %sub3A_491 = arith.constant 1.000000e+00 : f32
          %sub3A_492 = vector.broadcast %sub3A_491 : f32 to vector<16xf32>
          %sub3A_493 = arith.subf %sub3A_492, %gather3A : vector<16xf32>
          %sub3A_494 = arith.constant 1.000000e+00 : f32
          %sub3A_495 = vector.broadcast %sub3A_494 : f32 to vector<16xf32>
          %sub3A_496 = arith.subf %sub3A_495, %gather3A_489 : vector<16xf32>
          %sub3A_497 = arith.constant 1.000000e+00 : f32
          %sub3A_498 = vector.broadcast %sub3A_497 : f32 to vector<16xf32>
          %sub3A_499 = arith.subf %sub3A_498, %gather3A_490 : vector<16xf32>
          %mul3A_500 = arith.mulf %sub3A_493, %sub3A_496 : vector<16xf32>
          %mul3A_501 = arith.mulf %sub3A_493, %gather3A_489 : vector<16xf32>
          %mul3A_502 = arith.mulf %gather3A, %sub3A_496 : vector<16xf32>
          %mul3A_503 = arith.mulf %gather3A, %gather3A_489 : vector<16xf32>
          %add3A_504 = arith.constant 1536 : i32
          %add3A_505 = vector.broadcast %add3A_504 : i32 to vector<16xi32>
          %add3A_506 = arith.addi %add3A_505, %add3A_485 : vector<16xi32>
          %gather3A_507 = tpu.vector_load_idx %arg18[%add3A_506, %and3A_50] : memref<2048x16xf32, #tpu.memory_space<vmem>>[vector<16xi32>, vector<16xi32>], vector<16xf32>,
          %gather3A_508 = tpu.vector_load_idx %arg18[%add3A_506, %add3A_53] : memref<2048x16xf32, #tpu.memory_space<vmem>>[vector<16xi32>, vector<16xi32>], vector<16xf32>,
          %mul3A_509 = arith.mulf %sub3A_499, %gather3A_507 : vector<16xf32>
          %mul3A_510 = arith.mulf %gather3A_490, %gather3A_508 : vector<16xf32>
          %add3A_511 = arith.addf %mul3A_509, %mul3A_510 : vector<16xf32>
          %mul3A_512 = arith.mulf %mul3A_500, %add3A_511 : vector<16xf32>
          %add3A_513 = arith.constant 1664 : i32
          %add3A_514 = vector.broadcast %add3A_513 : i32 to vector<16xi32>
          %add3A_515 = arith.addi %add3A_514, %add3A_485 : vector<16xi32>
          %gather3A_516 = tpu.vector_load_idx %arg18[%add3A_515, %and3A_50] : memref<2048x16xf32, #tpu.memory_space<vmem>>[vector<16xi32>, vector<16xi32>], vector<16xf32>,
          %gather3A_517 = tpu.vector_load_idx %arg18[%add3A_515, %add3A_53] : memref<2048x16xf32, #tpu.memory_space<vmem>>[vector<16xi32>, vector<16xi32>], vector<16xf32>,
          %mul3A_518 = arith.mulf %sub3A_499, %gather3A_516 : vector<16xf32>
          %mul3A_519 = arith.mulf %gather3A_490, %gather3A_517 : vector<16xf32>
          %add3A_520 = arith.addf %mul3A_518, %mul3A_519 : vector<16xf32>
          %mul3A_521 = arith.mulf %mul3A_501, %add3A_520 : vector<16xf32>
          %add3A_522 = arith.addf %mul3A_512, %mul3A_521 : vector<16xf32>
          %add3A_523 = arith.constant 1792 : i32
          %add3A_524 = vector.broadcast %add3A_523 : i32 to vector<16xi32>
          %add3A_525 = arith.addi %add3A_524, %add3A_485 : vector<16xi32>
          %gather3A_526 = tpu.vector_load_idx %arg18[%add3A_525, %and3A_50] : memref<2048x16xf32, #tpu.memory_space<vmem>>[vector<16xi32>, vector<16xi32>], vector<16xf32>,
          %gather3A_527 = tpu.vector_load_idx %arg18[%add3A_525, %add3A_53] : memref<2048x16xf32, #tpu.memory_space<vmem>>[vector<16xi32>, vector<16xi32>], vector<16xf32>,
          %mul3A_528 = arith.mulf %sub3A_499, %gather3A_526 : vector<16xf32>
          %mul3A_529 = arith.mulf %gather3A_490, %gather3A_527 : vector<16xf32>
          %add3A_530 = arith.addf %mul3A_528, %mul3A_529 : vector<16xf32>
          %mul3A_531 = arith.mulf %mul3A_502, %add3A_530 : vector<16xf32>
          %add3A_532 = arith.addf %add3A_522, %mul3A_531 : vector<16xf32>
          %add3A_533 = arith.constant 1920 : i32
          %add3A_534 = vector.broadcast %add3A_533 : i32 to vector<16xi32>
          %add3A_535 = arith.addi %add3A_534, %add3A_485 : vector<16xi32>
          %gather3A_536 = tpu.vector_load_idx %arg18[%add3A_535, %and3A_50] : memref<2048x16xf32, #tpu.memory_space<vmem>>[vector<16xi32>, vector<16xi32>], vector<16xf32>,
          %gather3A_537 = tpu.vector_load_idx %arg18[%add3A_535, %add3A_53] : memref<2048x16xf32, #tpu.memory_space<vmem>>[vector<16xi32>, vector<16xi32>], vector<16xf32>,
          %mul3A_538 = arith.mulf %sub3A_499, %gather3A_536 : vector<16xf32>
          %mul3A_539 = arith.mulf %gather3A_490, %gather3A_537 : vector<16xf32>
          %add3A_540 = arith.addf %mul3A_538, %mul3A_539 : vector<16xf32>
          %mul3A_541 = arith.mulf %mul3A_503, %add3A_540 : vector<16xf32>
          %add3A_542 = arith.addf %add3A_532, %mul3A_541 : vector<16xf32>
          %mul3A_543 = arith.constant 64 : i32
          %mul3A_544 = arith.muli %scan3A_481, %mul3A_543 : i32
          %add3A_545 = vector.broadcast %mul3A_544 : i32 to vector<16xi32>
          %add3A_546 = arith.addi %add3A_545, %add3A_461 : vector<16xi32>
          tpu.vector_store_idx %arg20[%add3A_546], %add3A_542 : memref<4096xf32, #tpu.memory_space<vmem>>[vector<16xi32>], vector<16xf32>,
        }
        %scan3A_467 = arith.constant 64 : i32
        %add3A_468 = arith.addi %select_n3A, %scan3A_61 : i32
        %mul3A_469 = arith.constant 128 : i32
        %mul3A_470 = arith.muli %add3A_468, %mul3A_469 : i32
        %min3A_471 = arith.constant 499872 : i32
        %min3A_472 = arith.minsi %mul3A_470, %min3A_471 : i32
        %mul3A_473 = arith.constant 32 : i32
        %mul3A_474 = arith.muli %min3A_472, %mul3A_473 : i32
        %dma_start3A_475 = tpu.memref_slice %arg7[%mul3A_474] : memref<16000000xf32, #tpu.memory_space<hbm>> -> memref<4096xf32, #tpu.memory_space<hbm>>
        %dma_start3A_476 = tpu.memref_slice %arg7[%mul3A_474] : memref<16000000xf32, #tpu.memory_space<hbm>> -> memref<4096xf32, #tpu.memory_space<hbm>>
        tpu.enqueue_dma source(%arg20 : memref<4096xf32, #tpu.memory_space<vmem>>) target(%dma_start3A_476 : memref<4096xf32, #tpu.memory_space<hbm>>) target_semaphore(%arg32 : memref<!tpu.dma_semaphore, #tpu.memory_space<semaphore_mem>>)
        %dma_wait3A_477 = arith.constant 0 : i32
        %dma_wait3A_478 = tpu.memref_slice %arg7[%dma_wait3A_477] : memref<16000000xf32, #tpu.memory_space<hbm>> -> memref<4096xf32, #tpu.memory_space<hbm>>
        %dma_wait3A_479 = arith.constant 0 : i32
        %dma_wait3A_480 = tpu.memref_slice %arg7[%dma_wait3A_479] : memref<16000000xf32, #tpu.memory_space<hbm>> -> memref<4096xf32, #tpu.memory_space<hbm>>
        tpu.wait_dma2 semaphore(%arg32 : memref<!tpu.dma_semaphore, #tpu.memory_space<semaphore_mem>>) src(%arg20 : memref<4096xf32, #tpu.memory_space<vmem>>) dst(%dma_wait3A_480 : memref<4096xf32, #tpu.memory_space<hbm>>)
      } else {
      }
    }
    %scan3A_60 = arith.constant 124 : i32
    return
  }
}

</mosaic_0001>

<sc_bundles>
// kernel: kernel.3.cloned.1.call-start
scs
__scs_entry_jumppad:
0x0: {  	(pc) =	sbr.rel $0x88, $3  }
0x1: {  	(tag) =	ssettag $0x0;
	lr =	simm.s32 $0x1  }
0x2: {  	[smem:$0x3F9C] =	sst lr;
	_ =	strace $0xD0000000  }
0x3: {  	_ = 	snop  }
0x4: {  	_ = 	snop  }
0x5: {  	_ = 	snop  }
0x6: {  	_ = 	snop  }
0x7: {  	_ = 	snop  }
__scs_overlays_trampoline_lowered:
0x8: {  	[smem:$0x3FAB] =	sst s0  }
0x9: {  	[smem:$0x3FAC] =	sst s1  }
0xa: {  	[smem:$0x3FAD] =	sst s2  }
0xb: {  	[smem:$0x3FAE] =	sst s3  }
0xc: {  	[smem:$0x3FAF] =	sst s4  }
0xd: {  	[smem:$0x3FB0] =	sst s5  }
0xe: {  	[smem:$0x3FB1] =	sst s6  }
0xf: {  	[smem:$0x3FB2] =	sst s7  }
0x10: {  	[smem:$0x3FB3] =	sst s8  }
0x11: {  	[smem:$0x3FB4] =	sst s9;
	s0 =	simm.s32 @!p0 $0x0  }
0x12: {  	s1 =	sld [smem:$0x3F9A];
	s0 =	simm.s32 @p0 $0x1  }
0x13: {  	[smem:$0x3FB5] =	sst s0;
	s0 =	simm.s32 @!p1 $0x0  }
0x14: {  	s2 =	sld [smem:$0x3F99];
	s0 =	simm.s32 @p1 $0x1  }
0x15: {  	[smem:$0x3FB6] =	sst s0;
	s0 =	simm.s32 @!p2 $0x0  }
0x16: {  	s3 =	sld [smem:$0x3FDB];
	s0 =	simm.s32 @p2 $0x1  }
0x17: {  	s4 =	simm.s32 $0x1BF5;
	[smem:$0x3FB8] =	sst s0  }
0x18: {  	s0 =	sld [smem:$0x3F9B];
	_ =	swait.ge [sflag:s4], $0x0  }
0x19: {  	s7 =	sld [smem:$0x3F9C]  }
0x1a: {  	s8 =	sadd.s32 $0xFFFFE003, lr  }
0x1b: {  	s9 =	sadd.s32 $0xFFFFFEF7, lr;
	s5 =	simm.s32 $0xFFFFFFFF;
	p2 =	slt.u32 s8, $0xFFFFF086  }
0x1c: {  	p1 =	slt.u32 s9, $0xF7A;
	s5 =	simm.s32 @!p2 $0x0  }
0x1d: {  	s5 =	simm.s32 @p1 $0x1;
	p0 =	seq.s32 s7, s2  }
0x1e: {  	s7 =	smul.u32 @!p0 $0xF7A, s2;
	p2 =	seq.s32 @!p0 s5, $0x0  }
0x1f: {  	s9 =	smul.u32 $0xF7A, s1;
	s8 =	simm.s32 @!p0 $0x1BF5;
	p2 =	por !p2, p0  }
0x20: {  	[sflag:s8] =	ssyncset.s32 @!p0 $0xFFFFF086;
	s6 =	sadd.s32 @!p0 s3, s7;
	s7 =	simm.s32 @!p0 $0x108  }
0x21: {  	s3 =	sadd.s32 s3, s9;
	s6 =	sadd.s32 @!p0 $0x88, s6;
	s7 =	simm.s32 @p2 $0x1082  }
0x22: {  	[simem:s7], [sflag:s8] =	dma.local @!p0 [hbm:s6], $0xF7A  }
0x23: {  	s9 =	sor.u32 $0xD0000000, s2;
	s6 =	simm.s32 $0x108;
	_ =	swait.ge @!p0 [sflag:s8], $0x0  }
0x24: {  	s3 =	sadd.s32 $0x88, s3;
	s6 =	simm.s32 @!p1 $0x1082;
	[sflag:s4] =	ssyncset.s32 $0xFFFFF086  }
0x25: {  	[simem:s6], [sflag:s4] =	dma.local [hbm:s3], $0xF7A  }
0x26: {  	[smem:$0x3F9C] =	sst s1;
	(tag) =	ssettag s2;
	_ =	strace s9  }
0x27: {  	s1 =	sld [smem:$0x3FAC]  }
0x28: {  	s2 =	sld [smem:$0x3FAD]  }
0x29: {  	s4 =	sld [smem:$0x3FAF]  }
0x2a: {  	p0 =	seq.s32 s5, $0x0;
	s5 =	sld [smem:$0x3FB0]  }
0x2b: {  	s6 =	sld [smem:$0x3FB1]  }
0x2c: {  	s7 =	sld [smem:$0x3FB2]  }
0x2d: {  	s3 =	simm.s32 $0x108;
	s8 =	sld [smem:$0x3FB3]  }
0x2e: {  	s3 =	simm.s32 @!p0 $0x1082;
	s9 =	sld [smem:$0x3FB4]  }
0x2f: {  	lr =	sadd.s32 s0, s3;
	s0 =	sld [smem:$0x3FAB]  }
0x30: {  	s3 =	sld [smem:$0x3FAE]  }
0x31: {  	[smem:$0x3FB7] =	sst s10  }
0x32: {  	s10 =	sld [smem:$0x3FB5];
	_ =	sdelay $0x3  }
0x33: {  	p0 =	seq.s32 s10, $0x1;
	s10 =	sld [smem:$0x3FB7];
	_ =	sdelay $0x3  }
0x34: {  	[smem:$0x3FB7] =	sst s10  }
0x35: {  	s10 =	sld [smem:$0x3FB6];
	_ =	sdelay $0x3  }
0x36: {  	p1 =	seq.s32 s10, $0x1;
	s10 =	sld [smem:$0x3FB7];
	_ =	sdelay $0x3  }
0x37: {  	[smem:$0x3FB7] =	sst s10  }
0x38: {  	s10 =	sld [smem:$0x3FB8]  }
0x39: {  	_ = 	snop;
	(pc) =	sbr.ind lr, $3  }
0x3a: {  	_ = 	snop  }
0x3b: {  	_ = 	snop  }
0x3c: {  	p2 =	seq.s32 s10, $0x1;
	s10 =	sld [smem:$0x3FB7]  }
0x3d: {  	_ =	shalt  }
0x3e: {  	_ =	shalt  }
0x3f: {  	_ =	shalt  }
0x40: {  	_ =	shalt  }
0x41: {  	_ =	shalt  }
0x42: {  	_ =	shalt  }
0x43: {  	_ =	shalt  }
0x44: {  	_ =	shalt  }
0x45: {  	_ =	shalt  }
0x46: {  	_ =	shalt  }
0x47: {  	_ =	shalt  }
0x48: {  	_ =	shalt  }
0x49: {  	_ =	shalt  }
0x4a: {  	_ =	shalt  }
0x4b: {  	_ =	shalt  }
0x4c: {  	_ =	shalt  }
0x4d: {  	_ =	shalt  }
0x4e: {  	_ =	shalt  }
0x4f: {  	_ =	shalt  }
0x50: {  	_ =	shalt  }
0x51: {  	_ =	shalt  }
0x52: {  	_ =	shalt  }
0x53: {  	_ =	shalt  }
0x54: {  	_ =	shalt  }
0x55: {  	_ =	shalt  }
0x56: {  	_ =	shalt  }
0x57: {  	_ =	shalt  }
0x58: {  	_ =	shalt  }
0x59: {  	_ =	shalt  }
0x5a: {  	_ =	shalt  }
0x5b: {  	_ =	shalt  }
0x5c: {  	_ =	shalt  }
0x5d: {  	_ =	shalt  }
0x5e: {  	_ =	shalt  }
0x5f: {  	_ =	shalt  }
0x60: {  	_ =	shalt  }
0x61: {  	_ =	shalt  }
0x62: {  	_ =	shalt  }
0x63: {  	_ =	shalt  }
0x64: {  	_ =	shalt  }
0x65: {  	_ =	shalt  }
0x66: {  	_ =	shalt  }
0x67: {  	_ =	shalt  }
0x68: {  	_ =	shalt  }
0x69: {  	_ =	shalt  }
0x6a: {  	_ =	shalt  }
0x6b: {  	_ =	shalt  }
0x6c: {  	_ =	shalt  }
0x6d: {  	_ =	shalt  }
0x6e: {  	_ =	shalt  }
0x6f: {  	_ =	shalt  }
0x70: {  	_ =	shalt  }
0x71: {  	_ =	shalt  }
0x72: {  	_ =	shalt  }
0x73: {  	_ =	shalt  }
0x74: {  	_ =	shalt  }
0x75: {  	_ =	shalt  }
0x76: {  	_ =	shalt  }
0x77: {  	_ =	shalt  }
0x78: {  	_ =	shalt  }
0x79: {  	_ =	shalt  }
0x7a: {  	_ =	shalt  }
0x7b: {  	_ =	shalt  }
0x7c: {  	_ =	shalt  }
0x7d: {  	_ =	shalt  }
0x7e: {  	_ =	shalt  }
0x7f: {  	_ =	shalt  }
0x80: {  	_ =	shalt  }
0x81: {  	_ =	shalt  }
0x82: {  	_ =	shalt  }
0x83: {  	_ =	shalt  }
0x84: {  	_ =	shalt  }
0x85: {  	_ =	shalt  }
0x86: {  	_ =	shalt  }
0x87: {  	_ =	shalt  }
.Lfunc_end0:
.L_simem_size_0:
called_computation.2_lowered:
.L_overlay_start_0:
0x88: {  	s2 =	sld [smem:$0x3FD9]  }
0x89: {  	s3 =	sld [smem:$0x3FFE];
	_ =	sdelay $0x1  }
0x8a: {  	s1 =	srdreg.scid  }
0x8b: {  	s0 =	sand.u32 $0x1, s1  }
0x8c: {  	s17 =	sshll.u32 s0, $0xA;
	s2 =	sadd.s32 s3, s2  }
0x8d: {  	s2 =	sadd.s32 s2, s17  }
0x8e: {  	[smem:$0x3FC3] =	sst s2  }
0x8f: {  	_ = 	snop  }
0x90: {  	s2 =	sld [smem:$0x3FD0];
	(tm) =	ssettm $0x1  }
0x91: {  	s18 =	sld [smem:$0x3FFB];
	_ =	sdelay $0x3  }
0x92: {  	_ =	strace s18  }
0x93: {  	s3 =	sld [smem:$0x3FFC];
	_ =	sdelay $0x3  }
0x94: {  	_ =	strace s3  }
0x95: {  	s3 =	sld [smem:$0x3FFD];
	_ =	sdelay $0x3  }
0x96: {  	_ =	strace s3  }
0x97: {  	_ =	strace $0x8FFFFFFF  }
0x98: {  	s19 =	sld [smem:$0x3FDB];
	_ =	sdelay $0x1  }
0x99: {  	s4 =	simm.s32 $_scs_section_size  }
0x9a: {  	s5 =	simm.s32 $_size__tile_overlayer_lowered;
	s6 =	simm.s32 $_tile_overlayer_lowered  }
0x9b: {  	s22 =	simm.s32 $0x1BFF;
	s21 =	sshll.u32 s6, $0x1;
	s3 =	sadd.s32 s4, s19  }
0x9c: {  	s7 =	simm.s32 $0x0;
	s20 =	sshll.u32 s5, $0x1;
	s5 =	sadd.s32 s21, s3  }
0x9d: {  	[timem:s7], [sflag:s22] =	dma.local [hbm:s5], s20  }
0x9e: {  	_ =	swait.ge [sflag:s22], s20  }
0x9f: {  	s4 =	ssub.s32 $0x0, s20;
	[sflag:s22] =	ssyncset.done $0x0  }
0xa0: {  	[sflag:s22] =	ssyncadd.s32 s4;
	_ =	sdelay $0x1  }
0xa1: {  	s23 =	simm.s32 $0x1B8B  }
0xa2: {  	_ =	swait.ge [sflag:s23], $0x1  }
0xa3: {  	[sflag:s23] =	ssyncset.done $0x0  }
0xa4: {  	s25 =	simm.s32 $0x1B8E;
	s24 =	sld [smem:$0x3FFE];
	[sflag:s23] =	ssyncadd.s32 $0xFFFFFFFF  }
0xa5: {  	s26 =	simm.s32 $execute0_lowered;
	[smem:$0x3FD2] =	sst s25  }
0xa6: {  	s5 =	sshll.u32 s26, $0x1;
	_ =	strace $0x80000049;
	[dreg:$0x1] =	wrdreg $0xFFFFFFFF  }
0xa7: {  	s28 =	simm.s32 $_size_execute0_lowered;
	s3 =	sadd.s32 s3, s5;
	[dreg:$0x0] =	wrdreg $0x0  }
0xa8: {  	s5 =	sshll.u32 s28, $0x1;
	[dreg:$0x2] =	wrdreg s3  }
0xa9: {  	[dreg:$0x3] =	wrdreg s5  }
0xaa: {  	[dreg:$0x4] =	wrdreg $0xC0  }
0xab: {  	_ =	task [dreg:s7], $0x5FFFF  }
0xac: {  	[dreg:$0x1] =	wrdreg $0xFFFFFFFF  }
0xad: {  	[dreg:$0x0] =	wrdreg $0x60  }
0xae: {  	[dreg:$0x2] =	wrdreg s24  }
0xaf: {  	[dreg:$0x3] =	wrdreg s2  }
0xb0: {  	[dreg:$0x4] =	wrdreg $0x9  }
0xb1: {  	_ =	task.clear_ibuf [dreg:s7], $0x5FFFF;
	_ =	strace $0x90000049  }
0xb2: {  	s29 =	simm.s32 $0x9;
	_ =	strace $0x8000004B  }
0xb3: {  	_ =	swait.ge [sflag:s29], $0x1  }
0xb4: {  	[sflag:s29] =	ssyncadd.s32 $0xFFFFFFFF  }
0xb5: {  	_ =	strace $0x9000004B  }
0xb6: {  	_ =	sfence  }
0xb7: {  	s30 =	sld [smem:$0x0];
	_ =	sdelay $0x2  }
0xb8: {  	s31 =	sshll.u32 s1, $0xD;
	s1 =	sshrl.u32 s1, $0x2  }
0xb9: {  	s3 =	sand.u32 $0x4000, s31;
	s1 =	sadd.s32 s1, s30  }
0xba: {  	s0 =	sor.u32 s3, s0;
	s1 =	sshll.u32 s1, $0x11  }
0xbb: {  	s0 =	sor.u32 s1, s0  }
0xbc: {  	s0 =	sadd.s32 $0x8F2B, s0  }
0xbd: {  	[sflag:s0] =	ssyncadd.remote.s32 $0x1  }
0xbe: {  	_ =	sfence.sel $0xFFFF  }
0xbf: {  	[dreg:$0x0] =	wrdreg $0xFFFFFFFF;
	(pc) =	sbr.abs _section_cstart, $3  }
0xc0: {  	[dreg:$0x1] =	wrdreg $0xFFFFFFFF  }
0xc1: {  	_ =	task.clear_ibuf [dreg:s7], $0x2FFFF;
	_ =	strace $0x9FFFFFFF  }
0xc2: {  	(tm) =	ssettm $0x7FFFFFFF  }
0xc3: {  	_ =	shalt  }
tec
execute0_lowered:
.L_overlay_start_1:
0x0: {  	(tag) =	ssettag $0x1  }
0x1: {  	v14 =	vlaneseq.u32;
	v1 =	vimm.s32 $0x52741630  }
0x2: {  	v3 =	vimm.s32 $0x74163052;
	v12 =	vimm.s32 $0x23222120;
	v13 =	vimm.s32 $0x27262524  }
0x3: {  	vm0 =	vcmask $0x1F10;
	v15 =	vimm.s32 $0x76543210;
	v16 =	vimm.s32 $0xFEDCBA98  }
0x4: {  	v17 =	vimm.s32 $0x2B2A2928;
	v18 =	vimm.s32 $0x2F2E2D2C;
	v19 =	vimm.s32 $0x33323130  }
0x5: {  	v20 =	vimm.s32 $0x37363534;
	v21 =	vimm.s32 $0x3B3A3938;
	v63 =	vimm.s32 $0x1F1E1D1C  }
0x6: {  	v0 =	vmul.u32 $0x3, v14;
	v2 =	vunpack.c.l.s4.s8 v1;
	v1 =	vimm.s32 $0x63052741  }
0x7: {  	v7 =	vunpack.c.l.s4.s8 v3;
	v11 =	vand.u32 $0x7, v14;
	v12 =	vunpack.c.0.s8.s32 v12  }
0x8: {  	v13 =	vunpack.c.0.s8.s32 v13;
	v16 =	vunpack.c.l.s4.s8 v16;
	v15 =	vunpack.c.l.s4.s8 v15  }
0x9: {  	s0 =	rddreg [dreg:$0x0];
	v17 =	vunpack.c.0.s8.s32 v17;
	v18 =	vunpack.c.0.s8.s32 v18;
	v19 =	vunpack.c.0.s8.s32 v19  }
0xa: {  	s3 =	simm.s32 $0x0;
	s1 =	srdreg.scid;
	s2 =	stileid.u32;
	v20 =	vunpack.c.0.s8.s32 v20;
	v5 =	vunpack.c.l.s4.s8 v1;
	v1 =	vshrl.u32 v14, $0x3  }
0xb: {  	s11 =	simm.s32 $0xF80;
	s17 =	simm.s32 $0x5;
	s23 =	simm.s32 $0x80;
	v14 =	vor.u32 $0x8, v14;
	v2 =	vunpack.c.0.s8.s32 v2;
	v3 =	vmul.u32 $0x10, v1  }
0xc: {  	s28 =	simm.s32 $0x180;
	s29 =	simm.s32 $0x380;
	s30 =	simm.s32 $0x580;
	v4 =	vadd.s32 $0x1, v0;
	v6 =	vadd.s32 $0x2, v0;
	v7 =	vunpack.c.0.s8.s32 v7  }
0xd: {  	s31 =	simm.s32 $0x8F80;
	s15 =	simm.s32 $0x4;
	s9 =	simm.s32 $0x0;
	v16 =	vunpack.c.0.s8.s32 v16;
	v12 =	vsel vm0, v13, v12;
	v13 =	vunpack.c.0.s8.s32 v15  }
0xe: {  	[smem:$0x7FF] =	sst s3;
	s1 =	sand.u32 $0x1, s1;
	s2 =	sshll.u32 s2, $0x1;
	v15 =	vimm.s32 $0x13121110;
	v17 =	vsel vm0, v18, v17;
	v18 =	vimm.s32 $0x17161514  }
0xf: {  	s4 =	sadd.s32 $0x4200, s0;
	s5 =	sadd.s32 $0xC2000, s0;
	s6 =	sadd.s32 $0xB2000, s0;
	v19 =	vsel vm0, v20, v19;
	v20 =	vunpack.c.0.s8.s32 v21;
	v21 =	vunpack.c.0.s8.s32 v63  }
0x10: {  	s7 =	sadd.s32 $0x32000, s0;
	s8 =	sadd.s32 $0xC4000, s0;
	s2 =	sor.u32 s1, s2;
	v5 =	vunpack.c.0.s8.s32 v5;
	v15 =	vunpack.c.0.s8.s32 v15;
	v18 =	vunpack.c.0.s8.s32 v18  }
0x11: {  	_ =	strace $0x8000004A;
	s1 =	ssub.s32 $0x2, s1;
	s2 =	smul.u32 $0xF43, s2;
	v8 =	vor.u32 $0x1800, v3;
	v16 =	vand.u32 $0xF, v16;
	v12 =	vcombine.low v13, v12  }
.Ltmp0:
0x12: {  	[dreg:$0x3] =	wrdreg s4;
	s24 =	sshrl.u32 s1, $0x1;
	v13 =	vcombine.low v16, v17;
	v16 =	vimm.s32 $0x3F3E3D3C;
	v17 =	vimm.s32 $0x1B1A1918;
	(pc) =	sbr.rel .LBB2_1-.Ltmp0, $4  }
0x13: {  	s25 =	ssub.s32 s1, s24;
	s26 =	sadd.s32 $0xF43, s2;
	v9 =	vor.u32 $0x1000, v3;
	s2 =	sshrl.u32 s2, $0x5;
	v16 =	vunpack.c.0.s8.s32 v16;
	v17 =	vunpack.c.0.s8.s32 v17  }
0x14: {  	v10 =	vor.u32 $0x800, v3;
	s0 =	smax.u32 s25, $0x1;
	s1 =	sshrl.u32 s26, $0x5;
	[dreg:$0x4] =	wrdreg s2;
	v18 =	vsel vm0, v18, v15;
	v15 =	vor.u32 $0x80, v1  }
0x15: {  	[dreg:$0x5] =	wrdreg s0;
	s26 =	simm.s32 $0x1;
	s0 =	simm.s32 $0x2;
	v18 =	vcombine.low v18, v19;
	v20 =	vsel vm0, v16, v20;
	v21 =	vsel vm0, v21, v17  }
0x16: {  	s14 =	ssub.s32 s1, s2;
	s1 =	simm.s32 $0x3;
	s2 =	simm.s32 $0x6;
	v16 =	vor.u32 $0x2000, v3;
	v17 =	vor.u32 $0x3800, v3;
	v19 =	vcombine.low v21, v20  }
.LBB2_21:
0x17: {  	s9 =	rddreg [dreg:$0x6]  }
0x18: {  	s4 =	rddreg [dreg:$0x5];
	s9 =	sadd.s32 $0x1, s9  }
0x19: {  	p0 =	sne.s32 s9, s4  }
.Ltmp1:
0x1a: {  	_ = 	snop;
	(pc) =	sbr.rel @!p0 .LBB2_22-.Ltmp1, $1  }
0x1b: {  	_ =	sdelay $0x3  }
.LBB2_1:
.Ltmp2:
0x1c: {  	(pc) =	sbr.rel .LBB2_2-.Ltmp2, $2  }
0x1d: {  	_ =	sdelay $0x2  }
0x1e: {  	[dreg:$0x6] =	wrdreg s9;
	s10 =	simm.s32 $0x0  }
.LBB2_20:
0x1f: {  	s10 =	sadd.s32 $0x1, s10  }
0x20: {  	p0 =	sne.s32 s10, $0x7C  }
.Ltmp3:
0x21: {  	_ = 	snop;
	(pc) =	sbr.rel @!p0 .LBB2_21-.Ltmp3, $1  }
0x22: {  	_ =	sdelay $0x3  }
.LBB2_2:
0x23: {  	p0 =	sge.s32 s10, s14  }
.Ltmp4:
0x24: {  	_ = 	snop;
	(pc) =	sbr.rel @p0 .LBB2_20-.Ltmp4, $1  }
0x25: {  	_ =	sdelay $0x3  }
0x26: {  	s4 =	simm.s32 $0x0  }
0x27: {  	s9 =	rddreg [dreg:$0x4];
	v20 =	vmov s4  }
0x28: {  	s12 =	sadd.s32 s9, s10;
	v20 =	vmul.u32 $0x3, v20  }
0x29: {  	s12 =	sshll.u32 s12, $0x7  }
0x2a: {  	s12 =	smin.u32 s12, $0x7A0A0;
	v20 =	vbroadcast v20, $0x0  }
0x2b: {  	s13 =	smul.u32 $0x3, s12  }
0x2c: {  	v22 =	vadd.s32 v4, v20  }
0x2d: {  	s24 =	rddreg [dreg:$0x3];
	v21 =	vadd.s32 v0, v20;
	s13 =	sshrl.u32 s13, $0x3;
	v22 =	vand.u32 $0xFFFFFFF8, v22  }
0x2e: {  	s25 =	simm.s32 $0x10;
	v21 =	vand.u32 $0xFFFFFFF8, v21;
	s13 =	sadd.s32 s24, s13;
	v22 =	vor.u32 v5, v22  }
0x2f: {  	v20 =	vadd.s32 v6, v20;
	v21 =	vor.u32 v2, v21;
	[tilespmem:s4], [sflag:$0x5] =	stream.linear.gather [hbm4b:s13+s4], $0x180, $0x38;
	[tilespmem:$0x9F80] =	vst v63  }
0x30: {  	v23 =	vmov s25;
	v20 =	vand.u32 $0xFFFFFFF8, v20;
	_ =	swait.ge [sflag:s17], $0x180  }
0x31: {  	v23 =	vmul.u32 $0x3, v23;
	v20 =	vor.u32 v7, v20;
	[sflag:s17] =	ssyncset.done $0x0  }
0x32: {  	[sflag:s17] =	ssyncadd.s32 $0xFFFFFE80  }
0x33: {  	v24 =	vld.idx.msk [tilespmem:v22+s3+$0x0], $0xffff;
	v22 =	vbroadcast v23, $0x0  }
0x34: {  	v21 =	vld.idx.msk [tilespmem:v21+s3+$0x0], $0xffff  }
0x35: {  	v23 =	vadd.s32 v0, v22  }
0x36: {  	v25 =	vadd.s32 v4, v22;
	v26 =	vand.u32 $0xFFFFFFF8, v23;
	v23 =	vld.idx.msk [tilespmem:v20+s3+$0x0], $0xffff  }
0x37: {  	s18 =	simm.s32 $0x180;
	s16 =	simm.s32 $0x380;
	s21 =	simm.s32 $0x580;
	v27 =	vand.u32 $0xFFFFFFF8, v25  }
0x38: {  	s20 =	simm.s32 $0x880;
	s19 =	simm.s32 $0x590;
	s22 =	simm.s32 $0x380;
	v22 =	vadd.s32 v6, v22;
	v20 =	vor.u32 v5, v27  }
0x39: {  	s25 =	simm.s32 $0x20;
	s24 =	simm.s32 $0x180;
	s13 =	simm.s32 $0x890;
	v25 =	vmul.f32 $7.500000000e+00, v21;
	v21 =	vor.u32 v2, v26;
	v24 =	vmul.f32 $7.500000000e+00, v24  }
.LBB2_4:
0x3a: {  	s18 =	sadd.s32 $0x10, s18  }
0x3b: {  	v22 =	vand.u32 $0xFFFFFFF8, v22;
	v25 =	vadd.f32 $7.500000000e+00, v25;
	v23 =	vmul.f32 $7.500000000e+00, v23;
	s16 =	sadd.s32 $0x10, s16;
	s9 =	smov.u32 s25;
	s4 =	sadd.s32 $0x10, s25  }
0x3c: {  	p0 =	sne.s32 s25, $0x70;
	v24 =	vadd.f32 $7.500000000e+00, v24  }
0x3d: {  	v23 =	vadd.f32 $7.500000000e+00, v23;
	v26 =	vtrunc.f32 v25  }
0x3e: {  	v26 =	vcvt.f32.s32 v26;
	v27 =	vtrunc.f32 v24  }
0x3f: {  	v27 =	vcvt.f32.s32 v27;
	v28 =	vtrunc.f32 v23  }
0x40: {  	vm0 =	vlt.s32 v26, $0xE;
	v28 =	vcvt.f32.s32 v28  }
0x41: {  	v26 =	vnsel vm0, $0xE, v26;
	vm0 =	vlt.s32 v27, $0xE  }
0x42: {  	v27 =	vnsel vm0, $0xE, v27;
	vm0 =	vlt.s32 v28, $0xE;
	v29 =	vcvt.s32.f32 v26  }
0x43: {  	v28 =	vnsel vm0, $0xE, v28;
	v30 =	vcvt.s32.f32 v27;
	v27 =	vshll.u32 v27, $0x4  }
0x44: {  	v26 =	vshll.u32 v26, $0x8;
	v25 =	vsub.f32 v25, v29;
	v29 =	vcvt.s32.f32 v28  }
0x45: {  	v26 =	vadd.s32 v26, v27;
	v24 =	vsub.f32 v24, v30  }
0x46: {  	[tilespmem:s24+$0x0] =	vst v25;
	v23 =	vsub.f32 v23, v29;
	s24 =	smov.u32 s18  }
0x47: {  	[tilespmem:s22+$0x0] =	vst v24;
	s22 =	smov.u32 s16  }
0x48: {  	[tilespmem:s21+$0x0] =	vst v23;
	v23 =	vadd.s32 v28, v26;
	s21 =	smov.u32 s19  }
0x49: {  	[tilespmem:s20+$0xFFFFFF00] =	vst v23;
	v24 =	vadd.s32 $0x10, v23  }
0x4a: {  	v22 =	vor.u32 v7, v22;
	[tilespmem:s20+$0xFFFFFF80] =	vst v24;
	v24 =	vadd.s32 $0x100, v23  }
0x4b: {  	v23 =	vadd.s32 $0x110, v23;
	[tilespmem:s20+$0x0] =	vst v24  }
0x4c: {  	[tilespmem:s20+$0x80] =	vst v23;
	s20 =	smov.u32 s13  }
0x4d: {  	v23 =	vmov s9;
	v21 =	vld.idx.msk [tilespmem:v21+s3+$0x0], $0xffff  }
0x4e: {  	v24 =	vmul.u32 $0x3, v23;
	v26 =	vld.idx.msk [tilespmem:v20+s3+$0x0], $0xffff  }
0x4f: {  	v23 =	vld.idx.msk [tilespmem:v22+s3+$0x0], $0xffff  }
.Ltmp5:
0x50: {  	v20 =	vbroadcast v24, $0x0;
	(pc) =	sbr.rel @p0 .LBB2_4-.Ltmp5, $4  }
0x51: {  	_ = 	snop  }
0x52: {  	v24 =	vadd.s32 v0, v20;
	v25 =	vadd.s32 v4, v20;
	v22 =	vadd.s32 v6, v20  }
0x53: {  	v20 =	vand.u32 $0xFFFFFFF8, v24;
	v24 =	vand.u32 $0xFFFFFFF8, v25;
	v25 =	vmul.f32 $7.500000000e+00, v21  }
0x54: {  	s25 =	smov.u32 s4;
	s19 =	sadd.s32 $0x10, s19;
	s13 =	sadd.s32 $0x10, s13;
	v21 =	vor.u32 v2, v20;
	v20 =	vor.u32 v5, v24;
	v24 =	vmul.f32 $7.500000000e+00, v26  }
0x55: {  	v25 =	vadd.f32 $7.500000000e+00, v25;
	v23 =	vmul.f32 $7.500000000e+00, v23  }
0x56: {  	v24 =	vadd.f32 $7.500000000e+00, v24  }
0x57: {  	v23 =	vadd.f32 $7.500000000e+00, v23;
	v26 =	vtrunc.f32 v25  }
0x58: {  	v26 =	vcvt.f32.s32 v26;
	v27 =	vtrunc.f32 v24  }
0x59: {  	v27 =	vcvt.f32.s32 v27;
	v28 =	vtrunc.f32 v23  }
0x5a: {  	vm0 =	vlt.s32 v26, $0xE;
	v28 =	vcvt.f32.s32 v28  }
0x5b: {  	v26 =	vnsel vm0, $0xE, v26;
	vm11 =	vlt.s32 v27, $0xE  }
0x5c: {  	v27 =	vnsel vm11, $0xE, v27;
	vm12 =	vlt.s32 v28, $0xE;
	v29 =	vcvt.s32.f32 v26  }
0x5d: {  	v28 =	vnsel vm12, $0xE, v28;
	v30 =	vcvt.s32.f32 v27  }
0x5e: {  	v25 =	vsub.f32 v25, v29;
	v63 =	vcvt.s32.f32 v28  }
0x5f: {  	v24 =	vsub.f32 v24, v30  }
0x60: {  	v26 =	vshll.u32 v26, $0x8;
	v27 =	vshll.u32 v27, $0x4;
	[tilespmem:s24+$0x0] =	vst v25;
	v23 =	vsub.f32 v23, v63  }
0x61: {  	v25 =	vadd.s32 v26, v27;
	[tilespmem:s22+$0x0] =	vst v24  }
0x62: {  	[tilespmem:s21+$0x0] =	vst v23;
	v23 =	vadd.s32 v28, v25  }
0x63: {  	v22 =	vand.u32 $0xFFFFFFF8, v22;
	[tilespmem:s20+$0xFFFFFF00] =	vst v23;
	v24 =	vadd.s32 $0x10, v23  }
0x64: {  	v22 =	vor.u32 v7, v22;
	[tilespmem:s20+$0xFFFFFF80] =	vst v24;
	v24 =	vadd.s32 $0x100, v23  }
0x65: {  	v23 =	vadd.s32 $0x110, v23;
	[tilespmem:s20+$0x0] =	vst v24  }
0x66: {  	[tilespmem:s20+$0x80] =	vst v23  }
0x67: {  	v21 =	vld.idx.msk [tilespmem:v21+s3+$0x0], $0xffff  }
0x68: {  	v20 =	vld.idx.msk [tilespmem:v20+s3+$0x0], $0xffff  }
0x69: {  	v22 =	vld.idx.msk [tilespmem:v22+s3+$0x0], $0xffff;
	_ =	sdelay $0x2  }
0x6a: {  	v21 =	vmul.f32 $7.500000000e+00, v21  }
0x6b: {  	v20 =	vmul.f32 $7.500000000e+00, v20  }
0x6c: {  	v22 =	vmul.f32 $7.500000000e+00, v22;
	v21 =	vadd.f32 $7.500000000e+00, v21  }
0x6d: {  	v20 =	vadd.f32 $7.500000000e+00, v20  }
0x6e: {  	v22 =	vadd.f32 $7.500000000e+00, v22;
	v23 =	vtrunc.f32 v21  }
0x6f: {  	v24 =	vtrunc.f32 v20;
	v23 =	vcvt.f32.s32 v23  }
0x70: {  	v25 =	vtrunc.f32 v22;
	v24 =	vcvt.f32.s32 v24  }
0x71: {  	v25 =	vcvt.f32.s32 v25;
	vm13 =	vlt.s32 v23, $0xE  }
0x72: {  	vm14 =	vlt.s32 v24, $0xE;
	v23 =	vnsel vm13, $0xE, v23  }
0x73: {  	vm15 =	vlt.s32 v25, $0xE;
	v24 =	vnsel vm14, $0xE, v24;
	v26 =	vcvt.s32.f32 v23  }
0x74: {  	v25 =	vnsel vm15, $0xE, v25;
	v27 =	vcvt.s32.f32 v24  }
0x75: {  	v21 =	vsub.f32 v21, v26;
	v26 =	vcvt.s32.f32 v25  }
0x76: {  	s4 =	sadd.s32 $0x10, s18;
	v20 =	vsub.f32 v20, v27  }
0x77: {  	s9 =	sadd.s32 $0x10, s16;
	v24 =	vshll.u32 v24, $0x4;
	v23 =	vshll.u32 v23, $0x8;
	[tilespmem:s4+$0x0] =	vst v21;
	v21 =	vsub.f32 v22, v26  }
0x78: {  	v22 =	vadd.s32 v23, v24;
	[tilespmem:s9+$0x0] =	vst v20;
	s9 =	simm.s32 $0x0  }
0x79: {  	v20 =	vadd.s32 v25, v22;
	[tilespmem:s19+$0x0] =	vst v21;
	v21 =	vmov s9  }
0x7a: {  	v22 =	vadd.s32 $0x10, v20;
	[tilespmem:s13+$0xFFFFFF00] =	vst v20;
	v21 =	vmul.u32 $0x3, v21  }
0x7b: {  	[tilespmem:s13+$0xFFFFFF80] =	vst v22;
	v22 =	vadd.s32 $0x100, v20  }
0x7c: {  	v20 =	vadd.s32 $0x110, v20;
	[tilespmem:s13+$0x0] =	vst v22;
	v21 =	vbroadcast v21, $0x0  }
0x7d: {  	s16 =	simm.s32 $0x780;
	[tilespmem:s13+$0x80] =	vst v20  }
0x7e: {  	[tilespmem:s11], [sflag:$0x1] =	stream.indirect.gather [hbm4b:s5+s23], $0x10, s16, s23, $0xb8;
	v22 =	vadd.s32 v4, v21;
	[tilespmem:$0x9F80] =	vst v63  }
0x7f: {  	s18 =	simm.s32 $0x800;
	s19 =	simm.s32 $0x1780;
	v20 =	vadd.s32 v0, v21;
	v22 =	vand.u32 $0xFFFFFFF8, v22  }
0x80: {  	[tilespmem:s19], [sflag:$0x1] =	stream.indirect.gather [hbm4b:s5+s23], $0x10, s18, s23, $0xb8;
	v20 =	vand.u32 $0xFFFFFFF8, v20;
	v22 =	vor.u32 v5, v22;
	[tilespmem:$0x9F80] =	vst v63  }
0x81: {  	s22 =	simm.s32 $0x10;
	s21 =	simm.s32 $0x1F80;
	s20 =	simm.s32 $0x880;
	v21 =	vadd.s32 v6, v21;
	v20 =	vor.u32 v2, v20  }
0x82: {  	v23 =	vmov s22;
	v21 =	vand.u32 $0xFFFFFFF8, v21;
	[tilespmem:s21], [sflag:$0x1] =	stream.indirect.gather [hbm4b:s5+s23], $0x10, s20, s23, $0xb8;
	[tilespmem:$0x9F80] =	vst v63  }
0x83: {  	s25 =	simm.s32 $0x2780;
	s24 =	simm.s32 $0x900;
	v23 =	vmul.u32 $0x3, v23;
	v21 =	vor.u32 v7, v21  }
0x84: {  	[tilespmem:s25], [sflag:$0x1] =	stream.indirect.gather [hbm4b:s5+s23], $0x10, s24, s23, $0xb8;
	[tilespmem:$0x9F80] =	vst v63  }
0x85: {  	v24 =	vld.idx.msk [tilespmem:v22+s3+$0x0], $0xffff;
	v22 =	vbroadcast v23, $0x0  }
0x86: {  	v20 =	vld.idx.msk [tilespmem:v20+s3+$0x0], $0xffff  }
0x87: {  	v23 =	vadd.s32 v0, v22  }
0x88: {  	v26 =	vand.u32 $0xFFFFFFF8, v23;
	v23 =	vld.idx.msk [tilespmem:v21+s3+$0x0], $0xffff  }
0x89: {  	s4 =	simm.s32 $0x20;
	s22 =	simm.s32 $0x400;
	s13 =	simm.s32 $0x600;
	v25 =	vadd.s32 v4, v22  }
0x8a: {  	s16 =	simm.s32 $0xB10;
	s18 =	simm.s32 $0x400;
	s19 =	simm.s32 $0x210;
	v22 =	vadd.s32 v6, v22;
	v27 =	vand.u32 $0xFFFFFFF8, v25;
	v21 =	vor.u32 v2, v26  }
0x8b: {  	s21 =	simm.s32 $0x200;
	s20 =	simm.s32 $0xB00;
	s24 =	simm.s32 $0x600;
	v25 =	vmul.f32 $1.550000000e+01, v20;
	v20 =	vor.u32 v5, v27;
	v24 =	vmul.f32 $1.550000000e+01, v24  }
.LBB2_6:
0x8c: {  	s13 =	sadd.s32 $0x10, s13  }
0x8d: {  	v22 =	vand.u32 $0xFFFFFFF8, v22;
	v25 =	vadd.f32 $1.550000000e+01, v25;
	v23 =	vmul.f32 $1.550000000e+01, v23;
	s18 =	sadd.s32 $0x10, s18;
	s9 =	smov.u32 s4;
	s25 =	sadd.s32 $0x10, s4  }
0x8e: {  	p0 =	sne.s32 s4, $0x70;
	v24 =	vadd.f32 $1.550000000e+01, v24  }
0x8f: {  	v23 =	vadd.f32 $1.550000000e+01, v23;
	v26 =	vtrunc.f32 v25  }
0x90: {  	v26 =	vcvt.f32.s32 v26;
	v27 =	vtrunc.f32 v24  }
0x91: {  	v27 =	vcvt.f32.s32 v27;
	v28 =	vtrunc.f32 v23  }
0x92: {  	vm0 =	vlt.s32 v26, $0x1E;
	v28 =	vcvt.f32.s32 v28  }
0x93: {  	v26 =	vnsel vm0, $0x1E, v26;
	vm0 =	vlt.s32 v27, $0x1E  }
0x94: {  	v27 =	vnsel vm0, $0x1E, v27;
	vm0 =	vlt.s32 v28, $0x1E;
	v29 =	vcvt.s32.f32 v26  }
0x95: {  	v28 =	vnsel vm0, $0x1E, v28;
	v30 =	vcvt.s32.f32 v27;
	v27 =	vshll.u32 v27, $0x5  }
0x96: {  	v26 =	vshll.u32 v26, $0xA;
	v25 =	vsub.f32 v25, v29;
	v29 =	vcvt.s32.f32 v28  }
0x97: {  	v26 =	vadd.s32 v26, v27;
	v24 =	vsub.f32 v24, v30  }
0x98: {  	[tilespmem:s21+$0x0] =	vst v25;
	v23 =	vsub.f32 v23, v29;
	s21 =	smov.u32 s19  }
0x99: {  	[tilespmem:s22+$0x0] =	vst v24;
	s22 =	smov.u32 s18  }
0x9a: {  	[tilespmem:s24+$0x0] =	vst v23;
	v23 =	vadd.s32 v28, v26;
	s24 =	smov.u32 s13  }
0x9b: {  	[tilespmem:s20+$0xFFFFFE80] =	vst v23;
	v24 =	vadd.s32 $0x20, v23  }
0x9c: {  	v22 =	vor.u32 v7, v22;
	[tilespmem:s20+$0xFFFFFF00] =	vst v24;
	v24 =	vadd.s32 $0x400, v23  }
0x9d: {  	v23 =	vadd.s32 $0x420, v23;
	[tilespmem:s20+$0xFFFFFF80] =	vst v24  }
0x9e: {  	[tilespmem:s20+$0x0] =	vst v23;
	s20 =	smov.u32 s16  }
0x9f: {  	v23 =	vmov s9;
	v21 =	vld.idx.msk [tilespmem:v21+s3+$0x0], $0xffff  }
0xa0: {  	v24 =	vmul.u32 $0x3, v23;
	v26 =	vld.idx.msk [tilespmem:v20+s3+$0x0], $0xffff  }
0xa1: {  	v23 =	vld.idx.msk [tilespmem:v22+s3+$0x0], $0xffff  }
.Ltmp6:
0xa2: {  	v20 =	vbroadcast v24, $0x0;
	(pc) =	sbr.rel @p0 .LBB2_6-.Ltmp6, $4  }
0xa3: {  	_ = 	snop  }
0xa4: {  	v24 =	vadd.s32 v0, v20;
	v25 =	vadd.s32 v4, v20;
	v22 =	vadd.s32 v6, v20  }
0xa5: {  	v20 =	vand.u32 $0xFFFFFFF8, v24;
	v24 =	vand.u32 $0xFFFFFFF8, v25;
	v25 =	vmul.f32 $1.550000000e+01, v21  }
0xa6: {  	s4 =	smov.u32 s25;
	s19 =	sadd.s32 $0x10, s19;
	s16 =	sadd.s32 $0x10, s16;
	v21 =	vor.u32 v2, v20;
	v20 =	vor.u32 v5, v24;
	v24 =	vmul.f32 $1.550000000e+01, v26  }
0xa7: {  	v25 =	vadd.f32 $1.550000000e+01, v25;
	v23 =	vmul.f32 $1.550000000e+01, v23  }
0xa8: {  	v24 =	vadd.f32 $1.550000000e+01, v24  }
0xa9: {  	v23 =	vadd.f32 $1.550000000e+01, v23;
	v26 =	vtrunc.f32 v25  }
0xaa: {  	v26 =	vcvt.f32.s32 v26;
	v27 =	vtrunc.f32 v24  }
0xab: {  	v27 =	vcvt.f32.s32 v27;
	v28 =	vtrunc.f32 v23  }
0xac: {  	vm0 =	vlt.s32 v26, $0x1E;
	v28 =	vcvt.f32.s32 v28  }
0xad: {  	v26 =	vnsel vm0, $0x1E, v26;
	vm11 =	vlt.s32 v27, $0x1E  }
0xae: {  	v27 =	vnsel vm11, $0x1E, v27;
	vm12 =	vlt.s32 v28, $0x1E;
	v29 =	vcvt.s32.f32 v26  }
0xaf: {  	v28 =	vnsel vm12, $0x1E, v28;
	v30 =	vcvt.s32.f32 v27  }
0xb0: {  	v25 =	vsub.f32 v25, v29;
	v63 =	vcvt.s32.f32 v28  }
0xb1: {  	v24 =	vsub.f32 v24, v30  }
0xb2: {  	v26 =	vshll.u32 v26, $0xA;
	v27 =	vshll.u32 v27, $0x5;
	[tilespmem:s21+$0x0] =	vst v25;
	v23 =	vsub.f32 v23, v63  }
0xb3: {  	v25 =	vadd.s32 v26, v27;
	[tilespmem:s22+$0x0] =	vst v24  }
0xb4: {  	[tilespmem:s24+$0x0] =	vst v23;
	v23 =	vadd.s32 v28, v25  }
0xb5: {  	v22 =	vand.u32 $0xFFFFFFF8, v22;
	[tilespmem:s20+$0xFFFFFE80] =	vst v23;
	v24 =	vadd.s32 $0x20, v23  }
0xb6: {  	v22 =	vor.u32 v7, v22;
	[tilespmem:s20+$0xFFFFFF00] =	vst v24;
	v24 =	vadd.s32 $0x400, v23  }
0xb7: {  	v23 =	vadd.s32 $0x420, v23;
	[tilespmem:s20+$0xFFFFFF80] =	vst v24  }
0xb8: {  	[tilespmem:s20+$0x0] =	vst v23  }
0xb9: {  	v21 =	vld.idx.msk [tilespmem:v21+s3+$0x0], $0xffff  }
0xba: {  	v20 =	vld.idx.msk [tilespmem:v20+s3+$0x0], $0xffff  }
0xbb: {  	v22 =	vld.idx.msk [tilespmem:v22+s3+$0x0], $0xffff;
	_ =	sdelay $0x2  }
0xbc: {  	v21 =	vmul.f32 $1.550000000e+01, v21  }
0xbd: {  	v20 =	vmul.f32 $1.550000000e+01, v20  }
0xbe: {  	v22 =	vmul.f32 $1.550000000e+01, v22;
	v21 =	vadd.f32 $1.550000000e+01, v21  }
0xbf: {  	v20 =	vadd.f32 $1.550000000e+01, v20  }
0xc0: {  	v22 =	vadd.f32 $1.550000000e+01, v22;
	v23 =	vtrunc.f32 v21  }
0xc1: {  	v24 =	vtrunc.f32 v20;
	v23 =	vcvt.f32.s32 v23  }
0xc2: {  	v25 =	vtrunc.f32 v22;
	v24 =	vcvt.f32.s32 v24  }
0xc3: {  	v25 =	vcvt.f32.s32 v25;
	vm13 =	vlt.s32 v23, $0x1E  }
0xc4: {  	vm14 =	vlt.s32 v24, $0x1E;
	v23 =	vnsel vm13, $0x1E, v23  }
0xc5: {  	vm15 =	vlt.s32 v25, $0x1E;
	v24 =	vnsel vm14, $0x1E, v24;
	v26 =	vcvt.s32.f32 v23  }
0xc6: {  	v25 =	vnsel vm15, $0x1E, v25;
	v27 =	vcvt.s32.f32 v24  }
0xc7: {  	v21 =	vsub.f32 v21, v26;
	v26 =	vcvt.s32.f32 v25  }
0xc8: {  	v20 =	vsub.f32 v20, v27  }
0xc9: {  	s4 =	sadd.s32 $0x10, s18;
	v24 =	vshll.u32 v24, $0x5;
	v23 =	vshll.u32 v23, $0xA;
	[tilespmem:s19+$0x0] =	vst v21;
	v21 =	vsub.f32 v22, v26  }
0xca: {  	s9 =	sadd.s32 $0x10, s13;
	s25 =	simm.s32 $0x0;
	v22 =	vadd.s32 v23, v24;
	[tilespmem:s4+$0x0] =	vst v20  }
0xcb: {  	v20 =	vadd.s32 v25, v22;
	[tilespmem:s9+$0x0] =	vst v21;
	v21 =	vmov s25  }
0xcc: {  	v22 =	vadd.s32 $0x20, v20;
	[tilespmem:s16+$0xFFFFFE80] =	vst v20;
	v21 =	vmul.u32 $0x3, v21  }
0xcd: {  	[tilespmem:s16+$0xFFFFFF00] =	vst v22;
	v22 =	vadd.s32 $0x400, v20  }
0xce: {  	v20 =	vadd.s32 $0x420, v20;
	[tilespmem:s16+$0xFFFFFF80] =	vst v22;
	v21 =	vbroadcast v21, $0x0  }
0xcf: {  	s13 =	simm.s32 $0x980;
	[tilespmem:s16+$0x0] =	vst v20;
	s16 =	simm.s32 $0x2F80  }
0xd0: {  	[tilespmem:s16], [sflag:$0x2] =	stream.indirect.gather [hbm4b:s6+s23], $0x10, s13, s23, $0xb8;
	v22 =	vadd.s32 v4, v21;
	[tilespmem:$0x9F80] =	vst v63  }
0xd1: {  	s18 =	simm.s32 $0xA00;
	s19 =	simm.s32 $0x3780;
	v20 =	vadd.s32 v0, v21;
	v22 =	vand.u32 $0xFFFFFFF8, v22  }
0xd2: {  	[tilespmem:s19], [sflag:$0x2] =	stream.indirect.gather [hbm4b:s6+s23], $0x10, s18, s23, $0xb8;
	v20 =	vand.u32 $0xFFFFFFF8, v20;
	v22 =	vor.u32 v5, v22;
	[tilespmem:$0x9F80] =	vst v63  }
0xd3: {  	s21 =	simm.s32 $0x3F80;
	s22 =	simm.s32 $0x10;
	s20 =	simm.s32 $0xA80;
	v21 =	vadd.s32 v6, v21;
	v20 =	vor.u32 v2, v20  }
0xd4: {  	v23 =	vmov s22;
	v21 =	vand.u32 $0xFFFFFFF8, v21;
	[tilespmem:s21], [sflag:$0x2] =	stream.indirect.gather [hbm4b:s6+s23], $0x10, s20, s23, $0xb8;
	[tilespmem:$0x9F80] =	vst v63  }
0xd5: {  	s24 =	simm.s32 $0xB00;
	v23 =	vmul.u32 $0x3, v23;
	s25 =	simm.s32 $0x4780;
	v21 =	vor.u32 v7, v21  }
0xd6: {  	[tilespmem:s25], [sflag:$0x2] =	stream.indirect.gather [hbm4b:s6+s23], $0x10, s24, s23, $0xb8;
	[tilespmem:$0x9F80] =	vst v63  }
0xd7: {  	v24 =	vld.idx.msk [tilespmem:v22+s3+$0x0], $0xffff;
	v22 =	vbroadcast v23, $0x0  }
0xd8: {  	v20 =	vld.idx.msk [tilespmem:v20+s3+$0x0], $0xffff  }
0xd9: {  	v23 =	vadd.s32 v0, v22  }
0xda: {  	v26 =	vand.u32 $0xFFFFFFF8, v23;
	v23 =	vld.idx.msk [tilespmem:v21+s3+$0x0], $0xffff  }
0xdb: {  	s22 =	simm.s32 $0x480;
	s4 =	simm.s32 $0x20;
	s13 =	simm.s32 $0x680;
	v25 =	vadd.s32 v4, v22  }
0xdc: {  	s16 =	simm.s32 $0xD10;
	s18 =	simm.s32 $0x480;
	s19 =	simm.s32 $0x290;
	v22 =	vadd.s32 v6, v22;
	v27 =	vand.u32 $0xFFFFFFF8, v25;
	v21 =	vor.u32 v2, v26  }
0xdd: {  	s21 =	simm.s32 $0x280;
	s20 =	simm.s32 $0xD00;
	s24 =	simm.s32 $0x680;
	v25 =	vmul.f32 $3.150000000e+01, v20;
	v20 =	vor.u32 v5, v27;
	v24 =	vmul.f32 $3.150000000e+01, v24  }
.LBB2_8:
0xde: {  	s13 =	sadd.s32 $0x10, s13  }
0xdf: {  	v22 =	vand.u32 $0xFFFFFFF8, v22;
	v25 =	vadd.f32 $3.150000000e+01, v25;
	v23 =	vmul.f32 $3.150000000e+01, v23;
	s18 =	sadd.s32 $0x10, s18;
	s9 =	smov.u32 s4;
	s25 =	sadd.s32 $0x10, s4  }
0xe0: {  	p0 =	sne.s32 s4, $0x70;
	v24 =	vadd.f32 $3.150000000e+01, v24  }
0xe1: {  	v23 =	vadd.f32 $3.150000000e+01, v23;
	v26 =	vtrunc.f32 v25  }
0xe2: {  	v26 =	vcvt.f32.s32 v26;
	v27 =	vtrunc.f32 v24  }
0xe3: {  	v27 =	vcvt.f32.s32 v27;
	v28 =	vtrunc.f32 v23  }
0xe4: {  	vm0 =	vlt.s32 v26, $0x3E;
	v28 =	vcvt.f32.s32 v28  }
0xe5: {  	v26 =	vnsel vm0, $0x3E, v26;
	vm0 =	vlt.s32 v27, $0x3E  }
0xe6: {  	v27 =	vnsel vm0, $0x3E, v27;
	vm0 =	vlt.s32 v28, $0x3E;
	v29 =	vcvt.s32.f32 v26  }
0xe7: {  	v28 =	vnsel vm0, $0x3E, v28;
	v30 =	vcvt.s32.f32 v27;
	v27 =	vshll.u32 v27, $0x6  }
0xe8: {  	v26 =	vshll.u32 v26, $0xC;
	v25 =	vsub.f32 v25, v29;
	v29 =	vcvt.s32.f32 v28  }
0xe9: {  	v26 =	vadd.s32 v26, v27;
	v24 =	vsub.f32 v24, v30  }
0xea: {  	[tilespmem:s21+$0x0] =	vst v25;
	v23 =	vsub.f32 v23, v29;
	s21 =	smov.u32 s19  }
0xeb: {  	[tilespmem:s22+$0x0] =	vst v24;
	s22 =	smov.u32 s18  }
0xec: {  	[tilespmem:s24+$0x0] =	vst v23;
	v23 =	vadd.s32 v28, v26;
	s24 =	smov.u32 s13  }
0xed: {  	[tilespmem:s20+$0xFFFFFE80] =	vst v23;
	v24 =	vadd.s32 $0x40, v23  }
0xee: {  	v22 =	vor.u32 v7, v22;
	[tilespmem:s20+$0xFFFFFF00] =	vst v24;
	v24 =	vadd.s32 $0x1000, v23  }
0xef: {  	v23 =	vadd.s32 $0x1040, v23;
	[tilespmem:s20+$0xFFFFFF80] =	vst v24  }
0xf0: {  	[tilespmem:s20+$0x0] =	vst v23;
	s20 =	smov.u32 s16  }
0xf1: {  	v23 =	vmov s9;
	v21 =	vld.idx.msk [tilespmem:v21+s3+$0x0], $0xffff  }
0xf2: {  	v24 =	vmul.u32 $0x3, v23;
	v26 =	vld.idx.msk [tilespmem:v20+s3+$0x0], $0xffff  }
0xf3: {  	v23 =	vld.idx.msk [tilespmem:v22+s3+$0x0], $0xffff  }
.Ltmp7:
0xf4: {  	v20 =	vbroadcast v24, $0x0;
	(pc) =	sbr.rel @p0 .LBB2_8-.Ltmp7, $4  }
0xf5: {  	_ = 	snop  }
0xf6: {  	v24 =	vadd.s32 v0, v20;
	v25 =	vadd.s32 v4, v20;
	v22 =	vadd.s32 v6, v20  }
0xf7: {  	v20 =	vand.u32 $0xFFFFFFF8, v24;
	v24 =	vand.u32 $0xFFFFFFF8, v25;
	v25 =	vmul.f32 $3.150000000e+01, v21  }
0xf8: {  	s4 =	smov.u32 s25;
	s19 =	sadd.s32 $0x10, s19;
	s16 =	sadd.s32 $0x10, s16;
	v21 =	vor.u32 v2, v20;
	v20 =	vor.u32 v5, v24;
	v24 =	vmul.f32 $3.150000000e+01, v26  }
0xf9: {  	v25 =	vadd.f32 $3.150000000e+01, v25;
	v23 =	vmul.f32 $3.150000000e+01, v23  }
0xfa: {  	v24 =	vadd.f32 $3.150000000e+01, v24  }
0xfb: {  	v23 =	vadd.f32 $3.150000000e+01, v23;
	v26 =	vtrunc.f32 v25  }
0xfc: {  	v26 =	vcvt.f32.s32 v26;
	v27 =	vtrunc.f32 v24  }
0xfd: {  	v27 =	vcvt.f32.s32 v27;
	v28 =	vtrunc.f32 v23  }
0xfe: {  	vm0 =	vlt.s32 v26, $0x3E;
	v28 =	vcvt.f32.s32 v28  }
0xff: {  	v26 =	vnsel vm0, $0x3E, v26;
	vm11 =	vlt.s32 v27, $0x3E  }
0x100: {  	v27 =	vnsel vm11, $0x3E, v27;
	vm12 =	vlt.s32 v28, $0x3E;
	v29 =	vcvt.s32.f32 v26  }
0x101: {  	v28 =	vnsel vm12, $0x3E, v28;
	v30 =	vcvt.s32.f32 v27  }
0x102: {  	v25 =	vsub.f32 v25, v29;
	v63 =	vcvt.s32.f32 v28  }
0x103: {  	v24 =	vsub.f32 v24, v30  }
0x104: {  	v26 =	vshll.u32 v26, $0xC;
	v27 =	vshll.u32 v27, $0x6;
	[tilespmem:s21+$0x0] =	vst v25;
	v23 =	vsub.f32 v23, v63  }
0x105: {  	v25 =	vadd.s32 v26, v27;
	[tilespmem:s22+$0x0] =	vst v24  }
0x106: {  	[tilespmem:s24+$0x0] =	vst v23;
	v23 =	vadd.s32 v28, v25  }
0x107: {  	v22 =	vand.u32 $0xFFFFFFF8, v22;
	[tilespmem:s20+$0xFFFFFE80] =	vst v23;
	v24 =	vadd.s32 $0x40, v23  }
0x108: {  	v22 =	vor.u32 v7, v22;
	[tilespmem:s20+$0xFFFFFF00] =	vst v24;
	v24 =	vadd.s32 $0x1000, v23  }
0x109: {  	v23 =	vadd.s32 $0x1040, v23;
	[tilespmem:s20+$0xFFFFFF80] =	vst v24  }
0x10a: {  	[tilespmem:s20+$0x0] =	vst v23  }
0x10b: {  	v21 =	vld.idx.msk [tilespmem:v21+s3+$0x0], $0xffff  }
0x10c: {  	v20 =	vld.idx.msk [tilespmem:v20+s3+$0x0], $0xffff  }
0x10d: {  	v22 =	vld.idx.msk [tilespmem:v22+s3+$0x0], $0xffff;
	_ =	sdelay $0x2  }
0x10e: {  	v21 =	vmul.f32 $3.150000000e+01, v21  }
0x10f: {  	v20 =	vmul.f32 $3.150000000e+01, v20  }
0x110: {  	v22 =	vmul.f32 $3.150000000e+01, v22;
	v21 =	vadd.f32 $3.150000000e+01, v21  }
0x111: {  	v20 =	vadd.f32 $3.150000000e+01, v20  }
0x112: {  	v22 =	vadd.f32 $3.150000000e+01, v22;
	v23 =	vtrunc.f32 v21  }
0x113: {  	v24 =	vtrunc.f32 v20;
	v23 =	vcvt.f32.s32 v23  }
0x114: {  	v25 =	vtrunc.f32 v22;
	v24 =	vcvt.f32.s32 v24  }
0x115: {  	v25 =	vcvt.f32.s32 v25;
	vm13 =	vlt.s32 v23, $0x3E  }
0x116: {  	vm14 =	vlt.s32 v24, $0x3E;
	v23 =	vnsel vm13, $0x3E, v23  }
0x117: {  	vm15 =	vlt.s32 v25, $0x3E;
	v24 =	vnsel vm14, $0x3E, v24;
	v26 =	vcvt.s32.f32 v23  }
0x118: {  	v25 =	vnsel vm15, $0x3E, v25;
	v27 =	vcvt.s32.f32 v24  }
0x119: {  	v21 =	vsub.f32 v21, v26;
	v26 =	vcvt.s32.f32 v25  }
0x11a: {  	v20 =	vsub.f32 v20, v27  }
0x11b: {  	s4 =	sadd.s32 $0x10, s18;
	v24 =	vshll.u32 v24, $0x6;
	v23 =	vshll.u32 v23, $0xC;
	[tilespmem:s19+$0x0] =	vst v21;
	v21 =	vsub.f32 v22, v26  }
0x11c: {  	s9 =	sadd.s32 $0x10, s13;
	s25 =	simm.s32 $0x0;
	v22 =	vadd.s32 v23, v24;
	[tilespmem:s4+$0x0] =	vst v20  }
0x11d: {  	v20 =	vadd.s32 v25, v22;
	[tilespmem:s9+$0x0] =	vst v21;
	v21 =	vmov s25  }
0x11e: {  	v22 =	vadd.s32 $0x40, v20;
	[tilespmem:s16+$0xFFFFFE80] =	vst v20;
	v21 =	vmul.u32 $0x3, v21  }
0x11f: {  	[tilespmem:s16+$0xFFFFFF00] =	vst v22;
	v22 =	vadd.s32 $0x1000, v20  }
0x120: {  	v20 =	vadd.s32 $0x1040, v20;
	[tilespmem:s16+$0xFFFFFF80] =	vst v22;
	v21 =	vbroadcast v21, $0x0  }
0x121: {  	s13 =	simm.s32 $0xB80;
	[tilespmem:s16+$0x0] =	vst v20;
	s16 =	simm.s32 $0x4F80  }
0x122: {  	[tilespmem:s16], [sflag:$0x3] =	stream.indirect.gather [hbm4b:s7+s23], $0x10, s13, s23, $0xb8;
	v22 =	vadd.s32 v4, v21;
	[tilespmem:$0x9F80] =	vst v63  }
0x123: {  	s18 =	simm.s32 $0xC00;
	s19 =	simm.s32 $0x5780;
	v20 =	vadd.s32 v0, v21;
	v22 =	vand.u32 $0xFFFFFFF8, v22  }
0x124: {  	[tilespmem:s19], [sflag:$0x3] =	stream.indirect.gather [hbm4b:s7+s23], $0x10, s18, s23, $0xb8;
	v20 =	vand.u32 $0xFFFFFFF8, v20;
	v22 =	vor.u32 v5, v22;
	[tilespmem:$0x9F80] =	vst v63  }
0x125: {  	s21 =	simm.s32 $0x5F80;
	s22 =	simm.s32 $0x10;
	s20 =	simm.s32 $0xC80;
	v21 =	vadd.s32 v6, v21;
	v20 =	vor.u32 v2, v20  }
0x126: {  	v23 =	vmov s22;
	v21 =	vand.u32 $0xFFFFFFF8, v21;
	[tilespmem:s21], [sflag:$0x3] =	stream.indirect.gather [hbm4b:s7+s23], $0x10, s20, s23, $0xb8;
	[tilespmem:$0x9F80] =	vst v63  }
0x127: {  	s24 =	simm.s32 $0xD00;
	v23 =	vmul.u32 $0x3, v23;
	s25 =	simm.s32 $0x6780;
	v21 =	vor.u32 v7, v21  }
0x128: {  	[tilespmem:s25], [sflag:$0x3] =	stream.indirect.gather [hbm4b:s7+s23], $0x10, s24, s23, $0xb8;
	[tilespmem:$0x9F80] =	vst v63  }
0x129: {  	v24 =	vld.idx.msk [tilespmem:v22+s3+$0x0], $0xffff;
	v22 =	vbroadcast v23, $0x0  }
0x12a: {  	v20 =	vld.idx.msk [tilespmem:v20+s3+$0x0], $0xffff  }
0x12b: {  	v23 =	vadd.s32 v0, v22  }
0x12c: {  	v26 =	vand.u32 $0xFFFFFFF8, v23;
	v23 =	vld.idx.msk [tilespmem:v21+s3+$0x0], $0xffff  }
0x12d: {  	s22 =	simm.s32 $0x500;
	s4 =	simm.s32 $0x20;
	s13 =	simm.s32 $0x700;
	v25 =	vadd.s32 v4, v22  }
0x12e: {  	s16 =	simm.s32 $0xF10;
	s18 =	simm.s32 $0x500;
	s19 =	simm.s32 $0x310;
	v22 =	vadd.s32 v6, v22;
	v27 =	vand.u32 $0xFFFFFFF8, v25;
	v21 =	vor.u32 v2, v26  }
0x12f: {  	s21 =	simm.s32 $0x300;
	s20 =	simm.s32 $0xF00;
	s24 =	simm.s32 $0x700;
	v25 =	vmul.f32 $6.350000000e+01, v20;
	v20 =	vor.u32 v5, v27;
	v24 =	vmul.f32 $6.350000000e+01, v24  }
.LBB2_10:
0x130: {  	s13 =	sadd.s32 $0x10, s13  }
0x131: {  	v22 =	vand.u32 $0xFFFFFFF8, v22;
	v25 =	vadd.f32 $6.350000000e+01, v25;
	v23 =	vmul.f32 $6.350000000e+01, v23;
	s18 =	sadd.s32 $0x10, s18;
	s9 =	smov.u32 s4;
	s25 =	sadd.s32 $0x10, s4  }
0x132: {  	p0 =	sne.s32 s4, $0x70;
	v24 =	vadd.f32 $6.350000000e+01, v24  }
0x133: {  	v23 =	vadd.f32 $6.350000000e+01, v23;
	v26 =	vtrunc.f32 v25  }
0x134: {  	v26 =	vcvt.f32.s32 v26;
	v27 =	vtrunc.f32 v24  }
0x135: {  	v27 =	vcvt.f32.s32 v27;
	v28 =	vtrunc.f32 v23  }
0x136: {  	vm0 =	vlt.s32 v26, $0x7E;
	v28 =	vcvt.f32.s32 v28  }
0x137: {  	v26 =	vnsel vm0, $0x7E, v26;
	vm0 =	vlt.s32 v27, $0x7E  }
0x138: {  	v27 =	vnsel vm0, $0x7E, v27;
	vm0 =	vlt.s32 v28, $0x7E;
	v29 =	vcvt.s32.f32 v26  }
0x139: {  	v28 =	vnsel vm0, $0x7E, v28;
	v30 =	vcvt.s32.f32 v27;
	v27 =	vshll.u32 v27, $0x7  }
0x13a: {  	v26 =	vshll.u32 v26, $0xE;
	v25 =	vsub.f32 v25, v29;
	v29 =	vcvt.s32.f32 v28  }
0x13b: {  	v26 =	vadd.s32 v26, v27;
	v24 =	vsub.f32 v24, v30  }
0x13c: {  	[tilespmem:s21+$0x0] =	vst v25;
	v23 =	vsub.f32 v23, v29;
	s21 =	smov.u32 s19  }
0x13d: {  	[tilespmem:s22+$0x0] =	vst v24;
	s22 =	smov.u32 s18  }
0x13e: {  	[tilespmem:s24+$0x0] =	vst v23;
	v23 =	vadd.s32 v28, v26;
	s24 =	smov.u32 s13  }
0x13f: {  	[tilespmem:s20+$0xFFFFFE80] =	vst v23;
	v24 =	vadd.s32 $0x80, v23  }
0x140: {  	v22 =	vor.u32 v7, v22;
	[tilespmem:s20+$0xFFFFFF00] =	vst v24;
	v24 =	vadd.s32 $0x4000, v23  }
0x141: {  	v23 =	vadd.s32 $0x4080, v23;
	[tilespmem:s20+$0xFFFFFF80] =	vst v24  }
0x142: {  	[tilespmem:s20+$0x0] =	vst v23;
	s20 =	smov.u32 s16  }
0x143: {  	v23 =	vmov s9;
	v21 =	vld.idx.msk [tilespmem:v21+s3+$0x0], $0xffff  }
0x144: {  	v24 =	vmul.u32 $0x3, v23;
	v26 =	vld.idx.msk [tilespmem:v20+s3+$0x0], $0xffff  }
0x145: {  	v23 =	vld.idx.msk [tilespmem:v22+s3+$0x0], $0xffff  }
.Ltmp8:
0x146: {  	v20 =	vbroadcast v24, $0x0;
	(pc) =	sbr.rel @p0 .LBB2_10-.Ltmp8, $4  }
0x147: {  	_ = 	snop  }
0x148: {  	v24 =	vadd.s32 v0, v20;
	v25 =	vadd.s32 v4, v20;
	v22 =	vadd.s32 v6, v20  }
0x149: {  	v20 =	vand.u32 $0xFFFFFFF8, v24;
	v24 =	vand.u32 $0xFFFFFFF8, v25;
	v25 =	vmul.f32 $6.350000000e+01, v21  }
0x14a: {  	s4 =	smov.u32 s25;
	s19 =	sadd.s32 $0x10, s19;
	s16 =	sadd.s32 $0x10, s16;
	v21 =	vor.u32 v2, v20;
	v20 =	vor.u32 v5, v24;
	v24 =	vmul.f32 $6.350000000e+01, v26  }
0x14b: {  	v25 =	vadd.f32 $6.350000000e+01, v25;
	v23 =	vmul.f32 $6.350000000e+01, v23  }
0x14c: {  	v24 =	vadd.f32 $6.350000000e+01, v24  }
0x14d: {  	v23 =	vadd.f32 $6.350000000e+01, v23;
	v26 =	vtrunc.f32 v25  }
0x14e: {  	v26 =	vcvt.f32.s32 v26;
	v27 =	vtrunc.f32 v24  }
0x14f: {  	v27 =	vcvt.f32.s32 v27;
	v28 =	vtrunc.f32 v23  }
0x150: {  	vm0 =	vlt.s32 v26, $0x7E;
	v28 =	vcvt.f32.s32 v28  }
0x151: {  	v26 =	vnsel vm0, $0x7E, v26;
	vm11 =	vlt.s32 v27, $0x7E  }
0x152: {  	v27 =	vnsel vm11, $0x7E, v27;
	vm12 =	vlt.s32 v28, $0x7E;
	v29 =	vcvt.s32.f32 v26  }
0x153: {  	v28 =	vnsel vm12, $0x7E, v28;
	v30 =	vcvt.s32.f32 v27  }
0x154: {  	v25 =	vsub.f32 v25, v29;
	v60 =	vcvt.s32.f32 v28  }
0x155: {  	v24 =	vsub.f32 v24, v30  }
0x156: {  	v26 =	vshll.u32 v26, $0xE;
	v27 =	vshll.u32 v27, $0x7;
	[tilespmem:s21+$0x0] =	vst v25;
	v23 =	vsub.f32 v23, v60  }
0x157: {  	v25 =	vadd.s32 v26, v27;
	[tilespmem:s22+$0x0] =	vst v24  }
0x158: {  	[tilespmem:s24+$0x0] =	vst v23;
	v23 =	vadd.s32 v28, v25  }
0x159: {  	v22 =	vand.u32 $0xFFFFFFF8, v22;
	[tilespmem:s20+$0xFFFFFE80] =	vst v23;
	v24 =	vadd.s32 $0x80, v23  }
0x15a: {  	v22 =	vor.u32 v7, v22;
	[tilespmem:s20+$0xFFFFFF00] =	vst v24;
	v24 =	vadd.s32 $0x4000, v23  }
0x15b: {  	v23 =	vadd.s32 $0x4080, v23;
	[tilespmem:s20+$0xFFFFFF80] =	vst v24  }
0x15c: {  	[tilespmem:s20+$0x0] =	vst v23  }
0x15d: {  	v21 =	vld.idx.msk [tilespmem:v21+s3+$0x0], $0xffff  }
0x15e: {  	v20 =	vld.idx.msk [tilespmem:v20+s3+$0x0], $0xffff  }
0x15f: {  	v22 =	vld.idx.msk [tilespmem:v22+s3+$0x0], $0xffff;
	_ =	sdelay $0x2  }
0x160: {  	v21 =	vmul.f32 $6.350000000e+01, v21  }
0x161: {  	v20 =	vmul.f32 $6.350000000e+01, v20  }
0x162: {  	v22 =	vmul.f32 $6.350000000e+01, v22;
	v21 =	vadd.f32 $6.350000000e+01, v21  }
0x163: {  	v20 =	vadd.f32 $6.350000000e+01, v20  }
0x164: {  	v22 =	vadd.f32 $6.350000000e+01, v22;
	v23 =	vtrunc.f32 v21  }
0x165: {  	v24 =	vtrunc.f32 v20;
	v23 =	vcvt.f32.s32 v23  }
0x166: {  	v25 =	vtrunc.f32 v22;
	v24 =	vcvt.f32.s32 v24  }
0x167: {  	v25 =	vcvt.f32.s32 v25;
	vm13 =	vlt.s32 v23, $0x7E  }
0x168: {  	vm14 =	vlt.s32 v24, $0x7E;
	v23 =	vnsel vm13, $0x7E, v23  }
0x169: {  	vm15 =	vlt.s32 v25, $0x7E;
	v24 =	vnsel vm14, $0x7E, v24;
	v26 =	vcvt.s32.f32 v23  }
0x16a: {  	v25 =	vnsel vm15, $0x7E, v25;
	v27 =	vcvt.s32.f32 v24  }
0x16b: {  	v21 =	vsub.f32 v21, v26;
	v26 =	vcvt.s32.f32 v25  }
0x16c: {  	v20 =	vsub.f32 v20, v27  }
0x16d: {  	s4 =	sadd.s32 $0x10, s18;
	v24 =	vshll.u32 v24, $0x7;
	v23 =	vshll.u32 v23, $0xE;
	[tilespmem:s19+$0x0] =	vst v21;
	v21 =	vsub.f32 v22, v26  }
0x16e: {  	s9 =	sadd.s32 $0x10, s13;
	v22 =	vadd.s32 v23, v24;
	[tilespmem:s4+$0x0] =	vst v20  }
0x16f: {  	v20 =	vadd.s32 v25, v22;
	[tilespmem:s9+$0x0] =	vst v21  }
0x170: {  	v21 =	vadd.s32 $0x80, v20;
	[tilespmem:s16+$0xFFFFFE80] =	vst v20  }
0x171: {  	[tilespmem:s16+$0xFFFFFF00] =	vst v21;
	v21 =	vadd.s32 $0x4000, v20  }
0x172: {  	v20 =	vadd.s32 $0x4080, v20;
	[tilespmem:s16+$0xFFFFFF80] =	vst v21  }
0x173: {  	s13 =	simm.s32 $0xD80;
	[tilespmem:s16+$0x0] =	vst v20;
	s16 =	simm.s32 $0x6F80  }
0x174: {  	[tilespmem:s16], [sflag:$0x4] =	stream.indirect.gather [hbm4b:s8+s23], $0x10, s13, s23, $0xb8;
	[tilespmem:$0x9F80] =	vst v63  }
0x175: {  	s18 =	simm.s32 $0xE00;
	s19 =	simm.s32 $0x7780  }
0x176: {  	[tilespmem:s19], [sflag:$0x4] =	stream.indirect.gather [hbm4b:s8+s23], $0x10, s18, s23, $0xb8;
	[tilespmem:$0x9F80] =	vst v63  }
0x177: {  	s21 =	simm.s32 $0x7F80;
	s20 =	simm.s32 $0xE80  }
0x178: {  	[tilespmem:s21], [sflag:$0x4] =	stream.indirect.gather [hbm4b:s8+s23], $0x10, s20, s23, $0xb8;
	[tilespmem:$0x9F80] =	vst v63  }
0x179: {  	s22 =	simm.s32 $0xF00;
	s24 =	simm.s32 $0x8780  }
0x17a: {  	[tilespmem:s24], [sflag:$0x4] =	stream.indirect.gather [hbm4b:s8+s23], $0x10, s22, s23, $0xb8;
	[tilespmem:$0x9F80] =	vst v63  }
0x17b: {  	_ =	swait.ge [sflag:s26], $0x800  }
0x17c: {  	[sflag:s26] =	ssyncset.done $0x0  }
0x17d: {  	[sflag:s26] =	ssyncadd.s32 $0xFFFFF800  }
0x17e: {  	_ =	swait.ge [sflag:s26], $0x800  }
0x17f: {  	s13 =	simm.s32 $0x0;
	[sflag:s26] =	ssyncset.done $0x0  }
0x180: {  	v21 =	vor.u32 s13, v1;
	[sflag:s26] =	ssyncadd.s32 $0xFFFFF800  }
0x181: {  	v23 =	vshll.u32 v21, $0x4;
	_ =	swait.ge [sflag:s26], $0x800  }
0x182: {  	v25 =	vor.u32 v11, v23;
	[sflag:s26] =	ssyncset.done $0x0  }
0x183: {  	[sflag:s26] =	ssyncadd.s32 $0xFFFFF800  }
0x184: {  	v20 =	vmov s13;
	_ =	swait.ge [sflag:s26], $0x800  }
0x185: {  	v20 =	vshll.u32 v20, $0x4;
	[sflag:s26] =	ssyncset.done $0x0  }
0x186: {  	v22 =	vor.u32 v8, v20;
	v23 =	vor.u32 v14, v23;
	v26 =	vor.u32 v10, v20;
	[sflag:s26] =	ssyncadd.s32 $0xFFFFF800  }
0x187: {  	v20 =	vor.u32 v9, v20;
	v27 =	vor.u32 v11, v26;
	v26 =	vor.u32 v14, v26;
	v25 =	vld.idx.msk [tilespmem:v25+s11+$0x0], $0xffff  }
0x188: {  	v63 =	vor.u32 v11, v20;
	v20 =	vor.u32 v14, v20;
	v61 =	vld.idx.msk [tilespmem:v21+s29+$0x0], $0xffff  }
0x189: {  	v24 =	vor.u32 v11, v22;
	v22 =	vor.u32 v14, v22;
	v62 =	vld.idx.msk [tilespmem:v21+s28+$0x0], $0xffff  }
0x18a: {  	v21 =	vld.idx.msk [tilespmem:v21+s30+$0x0], $0xffff  }
0x18b: {  	v23 =	vld.idx.msk [tilespmem:v23+s11+$0x0], $0xffff  }
0x18c: {  	v26 =	vld.idx.msk [tilespmem:v26+s11+$0x0], $0xffff  }
0x18d: {  	v20 =	vld.idx.msk [tilespmem:v20+s11+$0x0], $0xffff  }
0x18e: {  	v22 =	vld.idx.msk [tilespmem:v22+s11+$0x0], $0xffff  }
0x18f: {  	v27 =	vld.idx.msk [tilespmem:v27+s11+$0x0], $0xffff;
	_ =	sdelay $0x1  }
0x190: {  	v30 =	vld.idx.msk [tilespmem:v63+s11+$0x0], $0xffff;
	v31 =	vsub.f32 $1.000000000e+00, v62  }
0x191: {  	v24 =	vld.idx.msk [tilespmem:v24+s11+$0x0], $0xffff;
	v33 =	vsub.f32 $1.000000000e+00, v21;
	v23 =	vmul.f32 v23, v21;
	v26 =	vmul.f32 v26, v21  }
0x192: {  	v32 =	vsub.f32 $1.000000000e+00, v61;
	v20 =	vmul.f32 v20, v21;
	v21 =	vmul.f32 v22, v21  }
0x193: {  	v25 =	vmul.f32 v25, v33;
	v27 =	vmul.f32 v27, v33  }
0x194: {  	v34 =	vmul.f32 v32, v31;
	v31 =	vmul.f32 v61, v31  }
0x195: {  	v30 =	vmul.f32 v30, v33;
	v23 =	vadd.f32 v23, v25;
	v25 =	vadd.f32 v26, v27  }
0x196: {  	v32 =	vmul.f32 v32, v62;
	v24 =	vmul.f32 v24, v33  }
0x197: {  	v20 =	vadd.f32 v20, v30;
	v22 =	vmul.f32 v23, v34;
	v23 =	vmul.f32 v25, v31  }
0x198: {  	v21 =	vadd.f32 v21, v24  }
0x199: {  	v25 =	vmul.f32 v61, v62;
	v20 =	vmul.f32 v20, v32;
	v22 =	vadd.f32 v23, v22  }
0x19a: {  	s25 =	simm.s32 $0x2  }
0x19b: {  	v21 =	vmul.f32 v21, v25;
	v23 =	vadd.f32 v20, v22;
	v22 =	vmov s25  }
0x19c: {  	v26 =	vor.u32 s13, v12;
	v22 =	vshll.u32 v22, $0x4  }
0x19d: {  	v20 =	vor.u32 s25, v1;
	v27 =	vadd.f32 v21, v23;
	v21 =	vor.u32 v8, v22  }
0x19e: {  	v23 =	vshll.u32 v20, $0x4;
	v24 =	vor.u32 v11, v21  }
0x19f: {  	v25 =	vor.u32 v11, v23;
	_ =	sdelay $0x2  }
0x1a0: {  	s16 =	simm.s32 $0x4;
	[tilespmem:v26+s31+$0x0] =	vst.idx.msk $0xffff, v27  }
.LBB2_12:
0x1a1: {  	p0 =	sne.s32 s16, $0x7E;
	v23 =	vor.u32 v14, v23;
	v26 =	vor.u32 v10, v22;
	v24 =	vld.idx.msk [tilespmem:v24+s11+$0x0], $0xffff  }
0x1a2: {  	v25 =	vld.idx.msk [tilespmem:v25+s11+$0x0], $0xffff;
	v27 =	vor.u32 v11, v26  }
0x1a3: {  	v22 =	vor.u32 v9, v22;
	v26 =	vor.u32 v14, v26;
	v28 =	vld.idx.msk [tilespmem:v20+s29+$0x0], $0xffff  }
0x1a4: {  	v30 =	vor.u32 v11, v22;
	v29 =	vld.idx.msk [tilespmem:v20+s28+$0x0], $0xffff  }
0x1a5: {  	v22 =	vor.u32 v14, v22;
	v20 =	vld.idx.msk [tilespmem:v20+s30+$0x0], $0xffff  }
0x1a6: {  	v21 =	vor.u32 v14, v21;
	v23 =	vld.idx.msk [tilespmem:v23+s11+$0x0], $0xffff  }
0x1a7: {  	v27 =	vld.idx.msk [tilespmem:v27+s11+$0x0], $0xffff  }
0x1a8: {  	v26 =	vld.idx.msk [tilespmem:v26+s11+$0x0], $0xffff  }
0x1a9: {  	v30 =	vld.idx.msk [tilespmem:v30+s11+$0x0], $0xffff  }
0x1aa: {  	v32 =	vsub.f32 $1.000000000e+00, v28;
	v31 =	vsub.f32 $1.000000000e+00, v29;
	v22 =	vld.idx.msk [tilespmem:v22+s11+$0x0], $0xffff  }
0x1ab: {  	v33 =	vsub.f32 $1.000000000e+00, v20;
	v21 =	vld.idx.msk [tilespmem:v21+s11+$0x0], $0xffff  }
0x1ac: {  	v34 =	vmul.f32 v32, v31;
	v32 =	vmul.f32 v32, v29  }
0x1ad: {  	v23 =	vmul.f32 v23, v20;
	v25 =	vmul.f32 v25, v33  }
0x1ae: {  	v27 =	vmul.f32 v27, v33;
	v26 =	vmul.f32 v26, v20  }
0x1af: {  	v31 =	vmul.f32 v28, v31;
	v30 =	vmul.f32 v30, v33  }
0x1b0: {  	v23 =	vadd.f32 v23, v25;
	v25 =	vadd.f32 v26, v27;
	v22 =	vmul.f32 v22, v20  }
0x1b1: {  	v24 =	vmul.f32 v24, v33;
	v26 =	vmov s16;
	v21 =	vmul.f32 v21, v20  }
0x1b2: {  	v23 =	vmul.f32 v23, v34;
	v25 =	vmul.f32 v25, v31;
	v27 =	vadd.f32 v22, v30  }
0x1b3: {  	v20 =	vor.u32 s16, v1;
	v22 =	vshll.u32 v26, $0x4;
	v26 =	vmul.f32 v28, v29  }
0x1b4: {  	s13 =	sadd.s32 $0x40, s13;
	v28 =	vadd.f32 v21, v24;
	v25 =	vadd.f32 v25, v23;
	v27 =	vmul.f32 v27, v32  }
0x1b5: {  	v29 =	vor.u32 s13, v12;
	v21 =	vor.u32 v8, v22;
	v23 =	vshll.u32 v20, $0x4  }
.Ltmp9:
0x1b6: {  	v24 =	vor.u32 v11, v21;
	v26 =	vmul.f32 v28, v26;
	v27 =	vadd.f32 v27, v25;
	(pc) =	sbr.rel @p0 .LBB2_12-.Ltmp9, $3  }
0x1b7: {  	v25 =	vor.u32 v11, v23  }
0x1b8: {  	v26 =	vadd.f32 v26, v27;
	_ =	sdelay $0x1  }
0x1b9: {  	s16 =	sadd.s32 $0x2, s16;
	[tilespmem:v29+s31+$0x0] =	vst.idx.msk $0xffff, v26  }
0x1ba: {  	_ =	sdelay $0x3  }
0x1bb: {  	v23 =	vor.u32 v14, v23;
	v26 =	vor.u32 v10, v22;
	v24 =	vld.idx.msk [tilespmem:v24+s11+$0x0], $0xffff  }
0x1bc: {  	v25 =	vld.idx.msk [tilespmem:v25+s11+$0x0], $0xffff;
	v27 =	vor.u32 v11, v26  }
0x1bd: {  	v28 =	vld.idx.msk [tilespmem:v20+s29+$0x0], $0xffff;
	v22 =	vor.u32 v9, v22;
	v26 =	vor.u32 v14, v26  }
0x1be: {  	v29 =	vld.idx.msk [tilespmem:v20+s28+$0x0], $0xffff;
	v30 =	vor.u32 v11, v22  }
0x1bf: {  	v20 =	vld.idx.msk [tilespmem:v20+s30+$0x0], $0xffff;
	v22 =	vor.u32 v14, v22  }
0x1c0: {  	v21 =	vor.u32 v14, v21;
	v23 =	vld.idx.msk [tilespmem:v23+s11+$0x0], $0xffff  }
0x1c1: {  	v27 =	vld.idx.msk [tilespmem:v27+s11+$0x0], $0xffff  }
0x1c2: {  	v26 =	vld.idx.msk [tilespmem:v26+s11+$0x0], $0xffff  }
0x1c3: {  	v31 =	vsub.f32 $1.000000000e+00, v29;
	v32 =	vsub.f32 $1.000000000e+00, v28;
	v30 =	vld.idx.msk [tilespmem:v30+s11+$0x0], $0xffff  }
0x1c4: {  	v33 =	vsub.f32 $1.000000000e+00, v20;
	v22 =	vld.idx.msk [tilespmem:v22+s11+$0x0], $0xffff  }
0x1c5: {  	v21 =	vld.idx.msk [tilespmem:v21+s11+$0x0], $0xffff;
	v34 =	vmul.f32 v32, v31;
	v32 =	vmul.f32 v32, v29  }
0x1c6: {  	v25 =	vmul.f32 v25, v33;
	v23 =	vmul.f32 v23, v20  }
0x1c7: {  	v27 =	vmul.f32 v27, v33;
	v26 =	vmul.f32 v26, v20  }
0x1c8: {  	v31 =	vmul.f32 v28, v31;
	v30 =	vmul.f32 v30, v33  }
0x1c9: {  	v22 =	vmul.f32 v22, v20;
	v23 =	vadd.f32 v23, v25;
	v25 =	vadd.f32 v26, v27  }
0x1ca: {  	v24 =	vmul.f32 v24, v33;
	v20 =	vmul.f32 v21, v20  }
0x1cb: {  	v22 =	vadd.f32 v22, v30;
	v21 =	vmul.f32 v23, v34;
	v23 =	vmul.f32 v25, v31  }
0x1cc: {  	v20 =	vadd.f32 v20, v24  }
0x1cd: {  	s4 =	sadd.s32 $0x40, s13;
	v25 =	vmul.f32 v28, v29;
	v22 =	vmul.f32 v22, v32;
	v21 =	vadd.f32 v23, v21  }
0x1ce: {  	v23 =	vor.u32 s4, v12  }
0x1cf: {  	v20 =	vmul.f32 v20, v25;
	v21 =	vadd.f32 v22, v21;
	_ =	sdelay $0x1  }
0x1d0: {  	v20 =	vadd.f32 v20, v21;
	_ =	sdelay $0x1  }
0x1d1: {  	[tilespmem:v23+s31+$0x0] =	vst.idx.msk $0xffff, v20  }
0x1d2: {  	_ =	swait.ge [sflag:s0], $0x800  }
0x1d3: {  	[sflag:s0] =	ssyncset.done $0x0  }
0x1d4: {  	[sflag:s0] =	ssyncadd.s32 $0xFFFFF800  }
0x1d5: {  	s13 =	simm.s32 $0x0;
	_ =	swait.ge [sflag:s0], $0x800  }
0x1d6: {  	v20 =	vmov s13;
	[sflag:s0] =	ssyncset.done $0x0  }
0x1d7: {  	v22 =	vshll.u32 v20, $0x4;
	[sflag:s0] =	ssyncadd.s32 $0xFFFFF800  }
0x1d8: {  	v20 =	vor.u32 v16, v22;
	_ =	swait.ge [sflag:s0], $0x800  }
0x1d9: {  	v25 =	vor.u32 v11, v20;
	[sflag:s0] =	ssyncset.done $0x0  }
0x1da: {  	v26 =	vor.u32 s13, v15;
	[sflag:s0] =	ssyncadd.s32 $0xFFFFF800  }
0x1db: {  	_ =	swait.ge [sflag:s0], $0x800  }
0x1dc: {  	v21 =	vor.u32 $0x2800, v3;
	v23 =	vor.u32 v17, v22;
	[sflag:s0] =	ssyncset.done $0x0  }
0x1dd: {  	v28 =	vor.u32 v21, v22;
	v27 =	vor.u32 v14, v20;
	v20 =	vor.u32 $0x3000, v3;
	[sflag:s0] =	ssyncadd.s32 $0xFFFFF800  }
0x1de: {  	v29 =	vor.u32 v11, v28;
	v28 =	vor.u32 v14, v28;
	v22 =	vor.u32 v20, v22;
	v25 =	vld.idx.msk [tilespmem:v25+s11+$0x0], $0xffff  }
0x1df: {  	v61 =	vor.u32 v11, v22;
	v22 =	vor.u32 v14, v22;
	v59 =	vld.idx.msk [tilespmem:v26+s29+$0x0], $0xffff  }
0x1e0: {  	v24 =	vor.u32 v11, v23;
	v23 =	vor.u32 v14, v23;
	v60 =	vld.idx.msk [tilespmem:v26+s28+$0x0], $0xffff  }
0x1e1: {  	v26 =	vld.idx.msk [tilespmem:v26+s30+$0x0], $0xffff  }
0x1e2: {  	v27 =	vld.idx.msk [tilespmem:v27+s11+$0x0], $0xffff  }
0x1e3: {  	v28 =	vld.idx.msk [tilespmem:v28+s11+$0x0], $0xffff  }
0x1e4: {  	v22 =	vld.idx.msk [tilespmem:v22+s11+$0x0], $0xffff  }
0x1e5: {  	v23 =	vld.idx.msk [tilespmem:v23+s11+$0x0], $0xffff  }
0x1e6: {  	v29 =	vld.idx.msk [tilespmem:v29+s11+$0x0], $0xffff;
	_ =	sdelay $0x1  }
0x1e7: {  	v32 =	vld.idx.msk [tilespmem:v61+s11+$0x0], $0xffff;
	v62 =	vsub.f32 $1.000000000e+00, v60  }
0x1e8: {  	v24 =	vld.idx.msk [tilespmem:v24+s11+$0x0], $0xffff;
	v35 =	vsub.f32 $1.000000000e+00, v26;
	v27 =	vmul.f32 v27, v26;
	v28 =	vmul.f32 v28, v26  }
0x1e9: {  	v63 =	vsub.f32 $1.000000000e+00, v59;
	v22 =	vmul.f32 v22, v26;
	v23 =	vmul.f32 v23, v26  }
0x1ea: {  	v25 =	vmul.f32 v25, v35;
	v29 =	vmul.f32 v29, v35  }
0x1eb: {  	v36 =	vmul.f32 v63, v62;
	v33 =	vmul.f32 v59, v62  }
0x1ec: {  	v32 =	vmul.f32 v32, v35;
	v25 =	vadd.f32 v27, v25;
	v27 =	vadd.f32 v28, v29  }
0x1ed: {  	v34 =	vmul.f32 v63, v60;
	v24 =	vmul.f32 v24, v35  }
0x1ee: {  	v22 =	vadd.f32 v22, v32;
	v25 =	vmul.f32 v25, v36;
	v26 =	vmul.f32 v27, v33  }
0x1ef: {  	v23 =	vadd.f32 v23, v24  }
0x1f0: {  	v27 =	vmul.f32 v59, v60;
	v22 =	vmul.f32 v22, v34;
	v25 =	vadd.f32 v26, v25  }
0x1f1: {  	s25 =	simm.s32 $0x2  }
0x1f2: {  	v24 =	vmul.f32 v23, v27;
	v23 =	vmov s25;
	v22 =	vadd.f32 v22, v25  }
0x1f3: {  	v23 =	vshll.u32 v23, $0x4  }
0x1f4: {  	v28 =	vor.u32 s13, v13;
	v29 =	vadd.f32 v24, v22;
	v22 =	vor.u32 v17, v23  }
0x1f5: {  	v25 =	vor.u32 v16, v23;
	v26 =	vor.u32 v11, v22  }
0x1f6: {  	v27 =	vor.u32 v11, v25  }
0x1f7: {  	v24 =	vor.u32 s25, v15;
	_ =	sdelay $0x1  }
0x1f8: {  	s16 =	simm.s32 $0x4;
	[tilespmem:v28+s31+$0x0] =	vst.idx.msk $0xffff, v29  }
.LBB2_14:
0x1f9: {  	p0 =	sne.s32 s16, $0x7E;
	v25 =	vor.u32 v14, v25;
	v28 =	vor.u32 v21, v23;
	v26 =	vld.idx.msk [tilespmem:v26+s11+$0x0], $0xffff  }
0x1fa: {  	v27 =	vld.idx.msk [tilespmem:v27+s11+$0x0], $0xffff;
	v29 =	vor.u32 v11, v28  }
0x1fb: {  	v23 =	vor.u32 v20, v23;
	v28 =	vor.u32 v14, v28;
	v30 =	vld.idx.msk [tilespmem:v24+s29+$0x0], $0xffff  }
0x1fc: {  	v32 =	vor.u32 v11, v23;
	v31 =	vld.idx.msk [tilespmem:v24+s28+$0x0], $0xffff  }
0x1fd: {  	v23 =	vor.u32 v14, v23;
	v24 =	vld.idx.msk [tilespmem:v24+s30+$0x0], $0xffff  }
0x1fe: {  	v22 =	vor.u32 v14, v22;
	v25 =	vld.idx.msk [tilespmem:v25+s11+$0x0], $0xffff  }
0x1ff: {  	v29 =	vld.idx.msk [tilespmem:v29+s11+$0x0], $0xffff  }
0x200: {  	v28 =	vld.idx.msk [tilespmem:v28+s11+$0x0], $0xffff  }
0x201: {  	v32 =	vld.idx.msk [tilespmem:v32+s11+$0x0], $0xffff  }
0x202: {  	v34 =	vsub.f32 $1.000000000e+00, v30;
	v33 =	vsub.f32 $1.000000000e+00, v31;
	v23 =	vld.idx.msk [tilespmem:v23+s11+$0x0], $0xffff  }
0x203: {  	v35 =	vsub.f32 $1.000000000e+00, v24;
	v22 =	vld.idx.msk [tilespmem:v22+s11+$0x0], $0xffff  }
0x204: {  	v36 =	vmul.f32 v34, v33;
	v34 =	vmul.f32 v34, v31  }
0x205: {  	v25 =	vmul.f32 v25, v24;
	v27 =	vmul.f32 v27, v35  }
0x206: {  	v29 =	vmul.f32 v29, v35;
	v28 =	vmul.f32 v28, v24  }
0x207: {  	v33 =	vmul.f32 v30, v33;
	v32 =	vmul.f32 v32, v35  }
0x208: {  	v25 =	vadd.f32 v25, v27;
	v27 =	vadd.f32 v28, v29;
	v23 =	vmul.f32 v23, v24  }
0x209: {  	v26 =	vmul.f32 v26, v35;
	v28 =	vmov s16;
	v22 =	vmul.f32 v22, v24  }
0x20a: {  	v24 =	vmul.f32 v25, v36;
	v25 =	vmul.f32 v27, v33;
	v27 =	vadd.f32 v23, v32  }
0x20b: {  	v23 =	vshll.u32 v28, $0x4;
	v28 =	vmul.f32 v30, v31  }
0x20c: {  	s13 =	sadd.s32 $0x40, s13;
	v29 =	vadd.f32 v22, v26;
	v24 =	vadd.f32 v25, v24;
	v27 =	vmul.f32 v27, v34  }
0x20d: {  	v30 =	vor.u32 s13, v13;
	v22 =	vor.u32 v17, v23;
	v25 =	vor.u32 v16, v23  }
.Ltmp10:
0x20e: {  	v26 =	vor.u32 v11, v22;
	v28 =	vmul.f32 v29, v28;
	v31 =	vadd.f32 v27, v24;
	(pc) =	sbr.rel @p0 .LBB2_14-.Ltmp10, $3  }
0x20f: {  	v27 =	vor.u32 v11, v25  }
0x210: {  	v24 =	vor.u32 s16, v15;
	v28 =	vadd.f32 v28, v31;
	_ =	sdelay $0x1  }
0x211: {  	s16 =	sadd.s32 $0x2, s16;
	[tilespmem:v30+s31+$0x0] =	vst.idx.msk $0xffff, v28  }
0x212: {  	_ =	sdelay $0x3  }
0x213: {  	v25 =	vor.u32 v14, v25;
	v21 =	vor.u32 v21, v23;
	v26 =	vld.idx.msk [tilespmem:v26+s11+$0x0], $0xffff  }
0x214: {  	v27 =	vld.idx.msk [tilespmem:v27+s11+$0x0], $0xffff;
	v28 =	vor.u32 v11, v21  }
0x215: {  	v29 =	vld.idx.msk [tilespmem:v24+s29+$0x0], $0xffff;
	v20 =	vor.u32 v20, v23;
	v21 =	vor.u32 v14, v21  }
0x216: {  	v23 =	vld.idx.msk [tilespmem:v24+s28+$0x0], $0xffff;
	v30 =	vor.u32 v11, v20  }
0x217: {  	v24 =	vld.idx.msk [tilespmem:v24+s30+$0x0], $0xffff;
	v20 =	vor.u32 v14, v20  }
0x218: {  	v22 =	vor.u32 v14, v22;
	v25 =	vld.idx.msk [tilespmem:v25+s11+$0x0], $0xffff  }
0x219: {  	v28 =	vld.idx.msk [tilespmem:v28+s11+$0x0], $0xffff  }
0x21a: {  	v21 =	vld.idx.msk [tilespmem:v21+s11+$0x0], $0xffff  }
0x21b: {  	v31 =	vsub.f32 $1.000000000e+00, v23;
	v32 =	vsub.f32 $1.000000000e+00, v29;
	v30 =	vld.idx.msk [tilespmem:v30+s11+$0x0], $0xffff  }
0x21c: {  	v33 =	vsub.f32 $1.000000000e+00, v24;
	v20 =	vld.idx.msk [tilespmem:v20+s11+$0x0], $0xffff  }
0x21d: {  	v22 =	vld.idx.msk [tilespmem:v22+s11+$0x0], $0xffff;
	v34 =	vmul.f32 v32, v31;
	v32 =	vmul.f32 v32, v23  }
0x21e: {  	v27 =	vmul.f32 v27, v33;
	v25 =	vmul.f32 v25, v24  }
0x21f: {  	v28 =	vmul.f32 v28, v33;
	v21 =	vmul.f32 v21, v24  }
0x220: {  	v31 =	vmul.f32 v29, v31;
	v30 =	vmul.f32 v30, v33  }
0x221: {  	v20 =	vmul.f32 v20, v24;
	v25 =	vadd.f32 v25, v27;
	v21 =	vadd.f32 v21, v28  }
0x222: {  	v26 =	vmul.f32 v26, v33;
	v22 =	vmul.f32 v22, v24  }
0x223: {  	v20 =	vadd.f32 v20, v30;
	v24 =	vmul.f32 v25, v34;
	v21 =	vmul.f32 v21, v31  }
0x224: {  	v23 =	vmul.f32 v29, v23  }
0x225: {  	s4 =	sadd.s32 $0x40, s13;
	v22 =	vadd.f32 v22, v26;
	v20 =	vmul.f32 v20, v32;
	v21 =	vadd.f32 v21, v24  }
0x226: {  	v24 =	vor.u32 s4, v13  }
0x227: {  	v20 =	vadd.f32 v20, v21;
	v21 =	vmul.f32 v22, v23;
	_ =	sdelay $0x1  }
0x228: {  	v20 =	vadd.f32 v21, v20;
	_ =	sdelay $0x1  }
0x229: {  	[tilespmem:v24+s31+$0x0] =	vst.idx.msk $0xffff, v20  }
0x22a: {  	_ =	swait.ge [sflag:s1], $0x800  }
0x22b: {  	[sflag:s1] =	ssyncset.done $0x0  }
0x22c: {  	[sflag:s1] =	ssyncadd.s32 $0xFFFFF800  }
0x22d: {  	s13 =	simm.s32 $0x0;
	_ =	swait.ge [sflag:s1], $0x800  }
0x22e: {  	v21 =	vmov s13;
	[sflag:s1] =	ssyncset.done $0x0  }
0x22f: {  	v25 =	vshll.u32 v21, $0x4;
	v21 =	vor.u32 $0x4000, v3;
	[sflag:s1] =	ssyncadd.s32 $0xFFFFF800  }
0x230: {  	v23 =	vor.u32 v21, v25;
	_ =	swait.ge [sflag:s1], $0x800  }
0x231: {  	v22 =	vor.u32 $0x100, v1;
	v28 =	vor.u32 v11, v23;
	[sflag:s1] =	ssyncset.done $0x0  }
0x232: {  	v29 =	vor.u32 s13, v22;
	[sflag:s1] =	ssyncadd.s32 $0xFFFFF800  }
0x233: {  	v20 =	vor.u32 $0x5800, v3;
	_ =	swait.ge [sflag:s1], $0x800  }
0x234: {  	v24 =	vor.u32 $0x4800, v3;
	v26 =	vor.u32 v20, v25;
	[sflag:s1] =	ssyncset.done $0x0  }
0x235: {  	v30 =	vor.u32 v14, v23;
	v31 =	vor.u32 v24, v25;
	v23 =	vor.u32 $0x5000, v3;
	[sflag:s1] =	ssyncadd.s32 $0xFFFFF800  }
0x236: {  	v60 =	vor.u32 v11, v31;
	v31 =	vor.u32 v14, v31;
	v25 =	vor.u32 v23, v25;
	v28 =	vld.idx.msk [tilespmem:v28+s11+$0x0], $0xffff  }
0x237: {  	v35 =	vor.u32 v11, v25;
	v25 =	vor.u32 v14, v25;
	v61 =	vld.idx.msk [tilespmem:v29+s29+$0x0], $0xffff  }
0x238: {  	v27 =	vor.u32 v11, v26;
	v26 =	vor.u32 v14, v26;
	v62 =	vld.idx.msk [tilespmem:v29+s28+$0x0], $0xffff  }
0x239: {  	v29 =	vld.idx.msk [tilespmem:v29+s30+$0x0], $0xffff  }
0x23a: {  	v30 =	vld.idx.msk [tilespmem:v30+s11+$0x0], $0xffff  }
0x23b: {  	v31 =	vld.idx.msk [tilespmem:v31+s11+$0x0], $0xffff  }
0x23c: {  	v25 =	vld.idx.msk [tilespmem:v25+s11+$0x0], $0xffff  }
0x23d: {  	v26 =	vld.idx.msk [tilespmem:v26+s11+$0x0], $0xffff  }
0x23e: {  	v32 =	vld.idx.msk [tilespmem:v60+s11+$0x0], $0xffff;
	_ =	sdelay $0x1  }
0x23f: {  	v35 =	vld.idx.msk [tilespmem:v35+s11+$0x0], $0xffff;
	v36 =	vsub.f32 $1.000000000e+00, v62  }
0x240: {  	v27 =	vld.idx.msk [tilespmem:v27+s11+$0x0], $0xffff;
	v38 =	vsub.f32 $1.000000000e+00, v29;
	v30 =	vmul.f32 v30, v29;
	v31 =	vmul.f32 v31, v29  }
0x241: {  	v37 =	vsub.f32 $1.000000000e+00, v61;
	v25 =	vmul.f32 v25, v29;
	v26 =	vmul.f32 v26, v29  }
0x242: {  	v28 =	vmul.f32 v28, v38;
	v32 =	vmul.f32 v32, v38  }
0x243: {  	v39 =	vmul.f32 v37, v36;
	v36 =	vmul.f32 v61, v36  }
0x244: {  	v35 =	vmul.f32 v35, v38;
	v28 =	vadd.f32 v30, v28;
	v30 =	vadd.f32 v31, v32  }
0x245: {  	v37 =	vmul.f32 v37, v62;
	v27 =	vmul.f32 v27, v38  }
0x246: {  	v25 =	vadd.f32 v25, v35;
	v28 =	vmul.f32 v28, v39;
	v29 =	vmul.f32 v30, v36  }
0x247: {  	v26 =	vadd.f32 v26, v27  }
0x248: {  	v30 =	vmul.f32 v61, v62;
	v25 =	vmul.f32 v25, v37;
	v28 =	vadd.f32 v29, v28  }
0x249: {  	s25 =	simm.s32 $0x2  }
0x24a: {  	v27 =	vmul.f32 v26, v30;
	v26 =	vmov s25;
	v25 =	vadd.f32 v25, v28  }
0x24b: {  	v26 =	vshll.u32 v26, $0x4  }
0x24c: {  	v31 =	vor.u32 s13, v18;
	v63 =	vadd.f32 v27, v25;
	v25 =	vor.u32 v20, v26  }
0x24d: {  	v28 =	vor.u32 v21, v26;
	v29 =	vor.u32 v11, v25  }
0x24e: {  	v30 =	vor.u32 v11, v28  }
0x24f: {  	v27 =	vor.u32 s25, v22;
	_ =	sdelay $0x1  }
0x250: {  	s16 =	simm.s32 $0x4;
	[tilespmem:v31+s31+$0x0] =	vst.idx.msk $0xffff, v63  }
.LBB2_16:
0x251: {  	p0 =	sne.s32 s16, $0x7E;
	v28 =	vor.u32 v14, v28;
	v31 =	vor.u32 v24, v26;
	v29 =	vld.idx.msk [tilespmem:v29+s11+$0x0], $0xffff  }
0x252: {  	v30 =	vld.idx.msk [tilespmem:v30+s11+$0x0], $0xffff;
	v32 =	vor.u32 v11, v31  }
0x253: {  	v26 =	vor.u32 v23, v26;
	v31 =	vor.u32 v14, v31;
	v33 =	vld.idx.msk [tilespmem:v27+s29+$0x0], $0xffff  }
0x254: {  	v35 =	vor.u32 v11, v26;
	v34 =	vld.idx.msk [tilespmem:v27+s28+$0x0], $0xffff  }
0x255: {  	v26 =	vor.u32 v14, v26;
	v27 =	vld.idx.msk [tilespmem:v27+s30+$0x0], $0xffff  }
0x256: {  	v25 =	vor.u32 v14, v25;
	v28 =	vld.idx.msk [tilespmem:v28+s11+$0x0], $0xffff  }
0x257: {  	v32 =	vld.idx.msk [tilespmem:v32+s11+$0x0], $0xffff  }
0x258: {  	v31 =	vld.idx.msk [tilespmem:v31+s11+$0x0], $0xffff  }
0x259: {  	v35 =	vld.idx.msk [tilespmem:v35+s11+$0x0], $0xffff  }
0x25a: {  	v37 =	vsub.f32 $1.000000000e+00, v33;
	v36 =	vsub.f32 $1.000000000e+00, v34;
	v26 =	vld.idx.msk [tilespmem:v26+s11+$0x0], $0xffff  }
0x25b: {  	v38 =	vsub.f32 $1.000000000e+00, v27;
	v25 =	vld.idx.msk [tilespmem:v25+s11+$0x0], $0xffff  }
0x25c: {  	v39 =	vmul.f32 v37, v36;
	v37 =	vmul.f32 v37, v34  }
0x25d: {  	v28 =	vmul.f32 v28, v27;
	v30 =	vmul.f32 v30, v38  }
0x25e: {  	v32 =	vmul.f32 v32, v38;
	v31 =	vmul.f32 v31, v27  }
0x25f: {  	v36 =	vmul.f32 v33, v36;
	v35 =	vmul.f32 v35, v38  }
0x260: {  	v28 =	vadd.f32 v28, v30;
	v30 =	vadd.f32 v31, v32;
	v26 =	vmul.f32 v26, v27  }
0x261: {  	v29 =	vmul.f32 v29, v38;
	v31 =	vmov s16;
	v25 =	vmul.f32 v25, v27  }
0x262: {  	v27 =	vmul.f32 v28, v39;
	v28 =	vmul.f32 v30, v36;
	v30 =	vadd.f32 v26, v35  }
0x263: {  	v26 =	vshll.u32 v31, $0x4;
	v31 =	vmul.f32 v33, v34  }
0x264: {  	s13 =	sadd.s32 $0x40, s13;
	v32 =	vadd.f32 v25, v29;
	v27 =	vadd.f32 v28, v27;
	v30 =	vmul.f32 v30, v37  }
0x265: {  	v33 =	vor.u32 s13, v18;
	v25 =	vor.u32 v20, v26;
	v28 =	vor.u32 v21, v26  }
.Ltmp11:
0x266: {  	v29 =	vor.u32 v11, v25;
	v31 =	vmul.f32 v32, v31;
	v34 =	vadd.f32 v30, v27;
	(pc) =	sbr.rel @p0 .LBB2_16-.Ltmp11, $3  }
0x267: {  	v30 =	vor.u32 v11, v28  }
0x268: {  	v27 =	vor.u32 s16, v22;
	v31 =	vadd.f32 v31, v34;
	_ =	sdelay $0x1  }
0x269: {  	s16 =	sadd.s32 $0x2, s16;
	[tilespmem:v33+s31+$0x0] =	vst.idx.msk $0xffff, v31  }
0x26a: {  	_ =	sdelay $0x3  }
0x26b: {  	v20 =	vor.u32 v14, v28;
	v21 =	vor.u32 v24, v26;
	v22 =	vld.idx.msk [tilespmem:v29+s11+$0x0], $0xffff  }
0x26c: {  	v24 =	vld.idx.msk [tilespmem:v30+s11+$0x0], $0xffff;
	v28 =	vor.u32 v11, v21  }
0x26d: {  	v29 =	vld.idx.msk [tilespmem:v27+s29+$0x0], $0xffff;
	v23 =	vor.u32 v23, v26;
	v21 =	vor.u32 v14, v21  }
0x26e: {  	v26 =	vld.idx.msk [tilespmem:v27+s28+$0x0], $0xffff;
	v30 =	vor.u32 v11, v23  }
0x26f: {  	v27 =	vld.idx.msk [tilespmem:v27+s30+$0x0], $0xffff;
	v23 =	vor.u32 v14, v23  }
0x270: {  	v25 =	vor.u32 v14, v25;
	v20 =	vld.idx.msk [tilespmem:v20+s11+$0x0], $0xffff  }
0x271: {  	v28 =	vld.idx.msk [tilespmem:v28+s11+$0x0], $0xffff  }
0x272: {  	v21 =	vld.idx.msk [tilespmem:v21+s11+$0x0], $0xffff  }
0x273: {  	v31 =	vsub.f32 $1.000000000e+00, v26;
	v32 =	vsub.f32 $1.000000000e+00, v29;
	v30 =	vld.idx.msk [tilespmem:v30+s11+$0x0], $0xffff  }
0x274: {  	v33 =	vsub.f32 $1.000000000e+00, v27;
	v23 =	vld.idx.msk [tilespmem:v23+s11+$0x0], $0xffff  }
0x275: {  	v25 =	vld.idx.msk [tilespmem:v25+s11+$0x0], $0xffff;
	v34 =	vmul.f32 v32, v31;
	v32 =	vmul.f32 v32, v26  }
0x276: {  	v24 =	vmul.f32 v24, v33;
	v20 =	vmul.f32 v20, v27  }
0x277: {  	v28 =	vmul.f32 v28, v33;
	v21 =	vmul.f32 v21, v27  }
0x278: {  	v31 =	vmul.f32 v29, v31;
	v30 =	vmul.f32 v30, v33  }
0x279: {  	v23 =	vmul.f32 v23, v27;
	v20 =	vadd.f32 v20, v24;
	v21 =	vadd.f32 v21, v28  }
0x27a: {  	v22 =	vmul.f32 v22, v33;
	v24 =	vmul.f32 v25, v27  }
0x27b: {  	v23 =	vadd.f32 v23, v30;
	v20 =	vmul.f32 v20, v34;
	v21 =	vmul.f32 v21, v31  }
0x27c: {  	v25 =	vmul.f32 v29, v26  }
0x27d: {  	s4 =	sadd.s32 $0x40, s13;
	v22 =	vadd.f32 v24, v22;
	v20 =	vadd.f32 v21, v20;
	v21 =	vmul.f32 v23, v32  }
0x27e: {  	v23 =	vor.u32 s4, v18  }
0x27f: {  	v20 =	vadd.f32 v21, v20;
	v21 =	vmul.f32 v22, v25;
	_ =	sdelay $0x1  }
0x280: {  	v20 =	vadd.f32 v21, v20;
	_ =	sdelay $0x1  }
0x281: {  	[tilespmem:v23+s31+$0x0] =	vst.idx.msk $0xffff, v20  }
0x282: {  	_ =	swait.ge [sflag:s15], $0x800  }
0x283: {  	[sflag:s15] =	ssyncset.done $0x0  }
0x284: {  	[sflag:s15] =	ssyncadd.s32 $0xFFFFF800  }
0x285: {  	s13 =	simm.s32 $0x0;
	_ =	swait.ge [sflag:s15], $0x800  }
0x286: {  	v21 =	vmov s13;
	[sflag:s15] =	ssyncset.done $0x0  }
0x287: {  	v25 =	vshll.u32 v21, $0x4;
	v21 =	vor.u32 $0x6000, v3;
	[sflag:s15] =	ssyncadd.s32 $0xFFFFF800  }
0x288: {  	v23 =	vor.u32 v21, v25;
	_ =	swait.ge [sflag:s15], $0x800  }
0x289: {  	v22 =	vor.u32 $0x180, v1;
	v28 =	vor.u32 v11, v23;
	[sflag:s15] =	ssyncset.done $0x0  }
0x28a: {  	v29 =	vor.u32 s13, v22;
	[sflag:s15] =	ssyncadd.s32 $0xFFFFF800  }
0x28b: {  	v24 =	vor.u32 $0x6800, v3;
	_ =	swait.ge [sflag:s15], $0x800  }
0x28c: {  	v20 =	vor.u32 $0x7800, v3;
	v31 =	vor.u32 v24, v25;
	[sflag:s15] =	ssyncset.done $0x0  }
0x28d: {  	v26 =	vor.u32 v20, v25;
	v30 =	vor.u32 v14, v23;
	v23 =	vor.u32 $0x7000, v3;
	[sflag:s15] =	ssyncadd.s32 $0xFFFFF800  }
0x28e: {  	v60 =	vor.u32 v11, v31;
	v31 =	vor.u32 v14, v31;
	v25 =	vor.u32 v23, v25;
	v28 =	vld.idx.msk [tilespmem:v28+s11+$0x0], $0xffff  }
0x28f: {  	v35 =	vor.u32 v11, v25;
	v25 =	vor.u32 v14, v25;
	v61 =	vld.idx.msk [tilespmem:v29+s29+$0x0], $0xffff  }
0x290: {  	v27 =	vor.u32 v11, v26;
	v26 =	vor.u32 v14, v26;
	v62 =	vld.idx.msk [tilespmem:v29+s28+$0x0], $0xffff  }
0x291: {  	v29 =	vld.idx.msk [tilespmem:v29+s30+$0x0], $0xffff  }
0x292: {  	v30 =	vld.idx.msk [tilespmem:v30+s11+$0x0], $0xffff  }
0x293: {  	v31 =	vld.idx.msk [tilespmem:v31+s11+$0x0], $0xffff  }
0x294: {  	v25 =	vld.idx.msk [tilespmem:v25+s11+$0x0], $0xffff  }
0x295: {  	v26 =	vld.idx.msk [tilespmem:v26+s11+$0x0], $0xffff  }
0x296: {  	v32 =	vld.idx.msk [tilespmem:v60+s11+$0x0], $0xffff;
	_ =	sdelay $0x1  }
0x297: {  	v35 =	vld.idx.msk [tilespmem:v35+s11+$0x0], $0xffff;
	v36 =	vsub.f32 $1.000000000e+00, v62  }
0x298: {  	v27 =	vld.idx.msk [tilespmem:v27+s11+$0x0], $0xffff;
	v38 =	vsub.f32 $1.000000000e+00, v29;
	v30 =	vmul.f32 v30, v29;
	v31 =	vmul.f32 v31, v29  }
0x299: {  	v37 =	vsub.f32 $1.000000000e+00, v61;
	v25 =	vmul.f32 v25, v29;
	v26 =	vmul.f32 v26, v29  }
0x29a: {  	v28 =	vmul.f32 v28, v38;
	v32 =	vmul.f32 v32, v38  }
0x29b: {  	v39 =	vmul.f32 v37, v36;
	v36 =	vmul.f32 v61, v36  }
0x29c: {  	v35 =	vmul.f32 v35, v38;
	v28 =	vadd.f32 v30, v28;
	v30 =	vadd.f32 v31, v32  }
0x29d: {  	v37 =	vmul.f32 v37, v62;
	v27 =	vmul.f32 v27, v38  }
0x29e: {  	v25 =	vadd.f32 v25, v35;
	v28 =	vmul.f32 v28, v39;
	v29 =	vmul.f32 v30, v36  }
0x29f: {  	v26 =	vadd.f32 v26, v27  }
0x2a0: {  	v30 =	vmul.f32 v61, v62;
	v25 =	vmul.f32 v25, v37;
	v28 =	vadd.f32 v29, v28  }
0x2a1: {  	s25 =	simm.s32 $0x2  }
0x2a2: {  	v27 =	vmul.f32 v26, v30;
	v26 =	vmov s25;
	v25 =	vadd.f32 v25, v28  }
0x2a3: {  	v26 =	vshll.u32 v26, $0x4  }
0x2a4: {  	v31 =	vor.u32 s13, v19;
	v63 =	vadd.f32 v27, v25;
	v25 =	vor.u32 v20, v26  }
0x2a5: {  	v28 =	vor.u32 v21, v26;
	v29 =	vor.u32 v11, v25  }
0x2a6: {  	v30 =	vor.u32 v11, v28  }
0x2a7: {  	v27 =	vor.u32 s25, v22;
	_ =	sdelay $0x1  }
0x2a8: {  	s16 =	simm.s32 $0x4;
	[tilespmem:v31+s31+$0x0] =	vst.idx.msk $0xffff, v63  }
.LBB2_18:
0x2a9: {  	p0 =	sne.s32 s16, $0x7E;
	v28 =	vor.u32 v14, v28;
	v31 =	vor.u32 v24, v26;
	v29 =	vld.idx.msk [tilespmem:v29+s11+$0x0], $0xffff  }
0x2aa: {  	v30 =	vld.idx.msk [tilespmem:v30+s11+$0x0], $0xffff;
	v32 =	vor.u32 v11, v31  }
0x2ab: {  	v26 =	vor.u32 v23, v26;
	v31 =	vor.u32 v14, v31;
	v33 =	vld.idx.msk [tilespmem:v27+s29+$0x0], $0xffff  }
0x2ac: {  	v35 =	vor.u32 v11, v26;
	v34 =	vld.idx.msk [tilespmem:v27+s28+$0x0], $0xffff  }
0x2ad: {  	v26 =	vor.u32 v14, v26;
	v27 =	vld.idx.msk [tilespmem:v27+s30+$0x0], $0xffff  }
0x2ae: {  	v25 =	vor.u32 v14, v25;
	v28 =	vld.idx.msk [tilespmem:v28+s11+$0x0], $0xffff  }
0x2af: {  	v32 =	vld.idx.msk [tilespmem:v32+s11+$0x0], $0xffff  }
0x2b0: {  	v31 =	vld.idx.msk [tilespmem:v31+s11+$0x0], $0xffff  }
0x2b1: {  	v35 =	vld.idx.msk [tilespmem:v35+s11+$0x0], $0xffff  }
0x2b2: {  	v37 =	vsub.f32 $1.000000000e+00, v33;
	v36 =	vsub.f32 $1.000000000e+00, v34;
	v26 =	vld.idx.msk [tilespmem:v26+s11+$0x0], $0xffff  }
0x2b3: {  	v38 =	vsub.f32 $1.000000000e+00, v27;
	v25 =	vld.idx.msk [tilespmem:v25+s11+$0x0], $0xffff  }
0x2b4: {  	v39 =	vmul.f32 v37, v36;
	v37 =	vmul.f32 v37, v34  }
0x2b5: {  	v28 =	vmul.f32 v28, v27;
	v30 =	vmul.f32 v30, v38  }
0x2b6: {  	v32 =	vmul.f32 v32, v38;
	v31 =	vmul.f32 v31, v27  }
0x2b7: {  	v36 =	vmul.f32 v33, v36;
	v35 =	vmul.f32 v35, v38  }
0x2b8: {  	v28 =	vadd.f32 v28, v30;
	v30 =	vadd.f32 v31, v32;
	v26 =	vmul.f32 v26, v27  }
0x2b9: {  	v29 =	vmul.f32 v29, v38;
	v31 =	vmov s16;
	v25 =	vmul.f32 v25, v27  }
0x2ba: {  	v27 =	vmul.f32 v28, v39;
	v28 =	vmul.f32 v30, v36;
	v30 =	vadd.f32 v26, v35  }
0x2bb: {  	v26 =	vshll.u32 v31, $0x4;
	v31 =	vmul.f32 v33, v34  }
0x2bc: {  	s13 =	sadd.s32 $0x40, s13;
	v32 =	vadd.f32 v25, v29;
	v27 =	vadd.f32 v28, v27;
	v30 =	vmul.f32 v30, v37  }
0x2bd: {  	v33 =	vor.u32 s13, v19;
	v25 =	vor.u32 v20, v26;
	v28 =	vor.u32 v21, v26  }
.Ltmp12:
0x2be: {  	v29 =	vor.u32 v11, v25;
	v31 =	vmul.f32 v32, v31;
	v34 =	vadd.f32 v30, v27;
	(pc) =	sbr.rel @p0 .LBB2_18-.Ltmp12, $3  }
0x2bf: {  	v30 =	vor.u32 v11, v28  }
0x2c0: {  	v27 =	vor.u32 s16, v22;
	v31 =	vadd.f32 v31, v34;
	_ =	sdelay $0x1  }
0x2c1: {  	s16 =	sadd.s32 $0x2, s16;
	[tilespmem:v33+s31+$0x0] =	vst.idx.msk $0xffff, v31  }
0x2c2: {  	_ =	sdelay $0x3  }
0x2c3: {  	v20 =	vor.u32 v14, v28;
	v21 =	vor.u32 v24, v26;
	v22 =	vld.idx.msk [tilespmem:v29+s11+$0x0], $0xffff  }
0x2c4: {  	v53 =	vld.idx.msk [tilespmem:v30+s11+$0x0], $0xffff;
	v54 =	vor.u32 v11, v21  }
0x2c5: {  	v55 =	vld.idx.msk [tilespmem:v27+s29+$0x0], $0xffff;
	v23 =	vor.u32 v23, v26;
	v21 =	vor.u32 v14, v21  }
0x2c6: {  	v56 =	vld.idx.msk [tilespmem:v27+s28+$0x0], $0xffff;
	v57 =	vor.u32 v11, v23  }
0x2c7: {  	v58 =	vld.idx.msk [tilespmem:v27+s30+$0x0], $0xffff;
	v23 =	vor.u32 v14, v23  }
0x2c8: {  	v25 =	vor.u32 v14, v25;
	v20 =	vld.idx.msk [tilespmem:v20+s11+$0x0], $0xffff  }
0x2c9: {  	v28 =	vld.idx.msk [tilespmem:v54+s11+$0x0], $0xffff  }
0x2ca: {  	v21 =	vld.idx.msk [tilespmem:v21+s11+$0x0], $0xffff  }
0x2cb: {  	v31 =	vsub.f32 $1.000000000e+00, v56;
	v32 =	vsub.f32 $1.000000000e+00, v55;
	v30 =	vld.idx.msk [tilespmem:v57+s11+$0x0], $0xffff  }
0x2cc: {  	v33 =	vsub.f32 $1.000000000e+00, v58;
	v23 =	vld.idx.msk [tilespmem:v23+s11+$0x0], $0xffff  }
0x2cd: {  	v25 =	vld.idx.msk [tilespmem:v25+s11+$0x0], $0xffff;
	v34 =	vmul.f32 v32, v31;
	v32 =	vmul.f32 v32, v56  }
0x2ce: {  	v24 =	vmul.f32 v53, v33;
	v20 =	vmul.f32 v20, v58  }
0x2cf: {  	v28 =	vmul.f32 v28, v33;
	v21 =	vmul.f32 v21, v58  }
0x2d0: {  	v31 =	vmul.f32 v55, v31;
	v30 =	vmul.f32 v30, v33  }
0x2d1: {  	v23 =	vmul.f32 v23, v58;
	v20 =	vadd.f32 v20, v24;
	v21 =	vadd.f32 v21, v28  }
0x2d2: {  	v22 =	vmul.f32 v22, v33;
	v59 =	vmul.f32 v25, v58  }
0x2d3: {  	v23 =	vadd.f32 v23, v30;
	v20 =	vmul.f32 v20, v34;
	v21 =	vmul.f32 v21, v31  }
0x2d4: {  	v60 =	vmul.f32 v55, v56  }
0x2d5: {  	s4 =	sadd.s32 $0x40, s13;
	v22 =	vadd.f32 v59, v22;
	v61 =	vmul.f32 v23, v32;
	v20 =	vadd.f32 v21, v20  }
0x2d6: {  	v62 =	vor.u32 s4, v19  }
0x2d7: {  	v63 =	vmul.f32 v22, v60;
	v20 =	vadd.f32 v61, v20;
	_ =	sdelay $0x1  }
0x2d8: {  	v20 =	vadd.f32 v63, v20  }
0x2d9: {  	s25 =	sshll.u32 s12, $0x2;
	s9 =	rddreg [dreg:$0x1]  }
.Ltmp13:
0x2da: {  	s4 =	sadd.s32 s9, s25;
	[tilespmem:v62+s31+$0x0] =	vst.idx.msk $0xffff, v20;
	(pc) =	sbr.rel .LBB2_20-.Ltmp13, $4  }
0x2db: {  	[hbm4b:s4+s3] =	stream.linear.scatter [tilespmem:s31], [sflag:$0x6], $0x1000, $0x38;
	[tilespmem:$0x9F80] =	vst v63  }
0x2dc: {  	_ =	swait.ge [sflag:s2], $0x1000  }
0x2dd: {  	[sflag:s2] =	ssyncset.done $0x0  }
0x2de: {  	[sflag:s2] =	ssyncadd.s32 $0xFFFFF000  }
.LBB2_22:
0x2df: {  	_ =	sfence.sel $0x180000  }
0x2e0: {  	[bflag:$0x0] =	sbarrier.arrive $0xFFFF  }
0x2e1: {  	_ =	strace $0x9000004A  }
0x2e2: {  	s0 =	stileid.u32;
	[bflag:$0x2] =	sbarrier.arrive $0xFFFF  }
0x2e3: {  	p0 =	sne.s32 s0, $0x0;
	s0 =	rddreg [dreg:$0x2]  }
0x2e4: {  	s0 =	sadd.s32 @!p0 $0x100000, s0  }
0x2e5: {  	[sflag:s0] =	ssyncadd.tile.s32 @!p0 $0x1;
	_ =	shalt  }
.Lfunc_end2:
_tile_overlayer_lowered:
.L_overlay_start_2:
0x2e6: {  	(tag) =	ssettag $0x2  }
0x2e7: {  	s0 =	rddreg [dreg:$0x0];
	s2 =	stileid.u32  }
0x2e8: {  	s1 =	rddreg [dreg:$0x1];
	p0 =	sne.s32 s2, $0x0  }
0x2e9: {  	s3 =	rddreg [dreg:$0x2];
	[bflag:$0x3] =	sbarrier.arrive $0xFFFF;
	s2 =	simm.s32 @!p0 $0x1C07  }
0x2ea: {  	[timem:s3], [sflag:s2] =	dma.local @!p0 [hbm:s0], s1  }
0x2eb: {  	s0 =	simm.s32 @!p0 $0x7  }
0x2ec: {  	_ =	swait.ge @!p0 [sflag:s0], s1  }
0x2ed: {  	s1 =	ssub.s32 @!p0 $0x0, s1;
	[sflag:s0] =	ssyncset.done @!p0 $0x0  }
0x2ee: {  	[sflag:s0] =	ssyncadd.s32 @!p0 s1  }
0x2ef: {  	[bflag:$0x3] =	sbarrier.arrive $0xFFFF  }
0x2f0: {  	_ =	shalt  }

// kernel: sparse-core-data-format-call.1.cloned.1.call-start
scs
called_computation.1_lowered:
.L_overlay_start_0:
0x0: {  	s1 =	sld [smem:$0x3FD9]  }
0x1: {  	s2 =	sld [smem:$0x3FFE];
	_ =	sdelay $0x1  }
0x2: {  	s3 =	srdreg.scid  }
0x3: {  	s0 =	sand.u32 $0x1, s3  }
0x4: {  	s17 =	sshll.u32 s0, $0xA;
	s1 =	sadd.s32 s2, s1  }
0x5: {  	s1 =	sadd.s32 s1, s17  }
0x6: {  	[smem:$0x3FC3] =	sst s1  }
0x7: {  	_ = 	snop  }
0x8: {  	(tm) =	ssettm $0x1  }
0x9: {  	s18 =	sld [smem:$0x3FFB];
	_ =	sdelay $0x3  }
0xa: {  	_ =	strace s18  }
0xb: {  	s1 =	sld [smem:$0x3FFC];
	_ =	sdelay $0x3  }
0xc: {  	_ =	strace s1  }
0xd: {  	s1 =	sld [smem:$0x3FFD];
	_ =	sdelay $0x3  }
0xe: {  	_ =	strace s1  }
0xf: {  	_ =	strace $0x8FFFFFFF  }
0x10: {  	s19 =	sld [smem:$0x3FDB];
	_ =	sdelay $0x1  }
0x11: {  	s20 =	simm.s32 $_scs_section_size  }
0x12: {  	s4 =	simm.s32 $_size__tile_overlayer_lowered;
	s5 =	simm.s32 $_tile_overlayer_lowered  }
0x13: {  	s23 =	simm.s32 $0x1BFF;
	s22 =	sshll.u32 s5, $0x1;
	s1 =	sadd.s32 s20, s19  }
0x14: {  	s6 =	simm.s32 $0x0;
	s21 =	sshll.u32 s4, $0x1;
	s4 =	sadd.s32 s22, s1  }
0x15: {  	[timem:s6], [sflag:s23] =	dma.local [hbm:s4], s21  }
0x16: {  	_ =	swait.ge [sflag:s23], s21  }
0x17: {  	s2 =	ssub.s32 $0x0, s21;
	[sflag:s23] =	ssyncset.done $0x0  }
0x18: {  	[sflag:s23] =	ssyncadd.s32 s2;
	_ =	sdelay $0x1  }
0x19: {  	s24 =	simm.s32 $0x1B8B  }
0x1a: {  	_ =	swait.ge [sflag:s24], $0x1  }
0x1b: {  	[sflag:s24] =	ssyncset.done $0x0  }
0x1c: {  	s26 =	simm.s32 $0x1B8E;
	s25 =	sld [smem:$0x3FFE];
	[sflag:s24] =	ssyncadd.s32 $0xFFFFFFFF  }
0x1d: {  	s27 =	simm.s32 $execute0_lowered;
	[smem:$0x3FD2] =	sst s26  }
0x1e: {  	s4 =	sshll.u32 s27, $0x1;
	_ =	strace $0x80000046;
	[dreg:$0x1] =	wrdreg $0xFFFFFFFF  }
0x1f: {  	s28 =	simm.s32 $_size_execute0_lowered;
	s1 =	sadd.s32 s1, s4;
	[dreg:$0x0] =	wrdreg $0x0  }
0x20: {  	s4 =	sshll.u32 s28, $0x1;
	[dreg:$0x2] =	wrdreg s1  }
0x21: {  	[dreg:$0x3] =	wrdreg s4  }
0x22: {  	[dreg:$0x4] =	wrdreg $0xC0  }
0x23: {  	_ =	task [dreg:s6], $0x5FFFF  }
0x24: {  	[dreg:$0x1] =	wrdreg $0xFFFFFFFF  }
0x25: {  	[dreg:$0x0] =	wrdreg $0x60  }
0x26: {  	[dreg:$0x2] =	wrdreg s25  }
0x27: {  	[dreg:$0x3] =	wrdreg $0x9  }
0x28: {  	_ =	task.clear_ibuf [dreg:s6], $0x4FFFF;
	_ =	strace $0x90000046  }
0x29: {  	s29 =	simm.s32 $0x9;
	_ =	strace $0x80000048  }
0x2a: {  	_ =	swait.ge [sflag:s29], $0x1  }
0x2b: {  	[sflag:s29] =	ssyncadd.s32 $0xFFFFFFFF  }
0x2c: {  	_ =	strace $0x90000048  }
0x2d: {  	_ =	sfence  }
0x2e: {  	s30 =	sld [smem:$0x0];
	_ =	sdelay $0x2  }
0x2f: {  	s31 =	sshll.u32 s3, $0xD;
	s3 =	sshrl.u32 s3, $0x2  }
0x30: {  	s2 =	sand.u32 $0x4000, s31;
	s1 =	sadd.s32 s3, s30  }
0x31: {  	s0 =	sor.u32 s2, s0;
	s1 =	sshll.u32 s1, $0x11  }
0x32: {  	s0 =	sor.u32 s1, s0  }
0x33: {  	s0 =	sadd.s32 $0x8F2B, s0  }
0x34: {  	[sflag:s0] =	ssyncadd.remote.s32 $0x1  }
0x35: {  	_ =	sfence.sel $0xFFFF  }
0x36: {  	[dreg:$0x0] =	wrdreg $0xFFFFFFFF;
	(pc) =	sbr.abs _section_cstart, $3  }
0x37: {  	[dreg:$0x1] =	wrdreg $0xFFFFFFFF  }
0x38: {  	_ =	task.clear_ibuf [dreg:s6], $0x2FFFF;
	_ =	strace $0x9FFFFFFF  }
0x39: {  	(tm) =	ssettm $0x7FFFFFFF  }
tec
execute0_lowered:
.L_overlay_start_1:
0x0: {  	(tag) =	ssettag $0x1  }
0x1: {  	s0 =	srdreg.scid  }
0x2: {  	s2 =	stileid.u32;
	s0 =	sshll.u32 s0, $0x4  }
0x3: {  	s1 =	rddreg [dreg:$0x0];
	_ =	strace $0x80000047;
	s0 =	sand.u32 $0x10, s0  }
0x4: {  	s31 =	simm.s32 $0x1;
	s5 =	simm.s32 $0x2;
	s0 =	sor.u32 s2, s0  }
0x5: {  	s13 =	simm.s32 $0x0;
	s7 =	sadd.s32 $0x203200, s1;
	s6 =	sshll.u32 s0, $0xA  }
0x6: {  	s10 =	simm.s32 $0x0;
	s1 =	sadd.s32 $0x603200, s1;
	s0 =	ssub.s32 $0x200000, s6  }
0x7: {  	s11 =	simm.s32 $0x0;
	[dreg:$0x4] =	wrdreg s1;
	s4 =	sand.u32 $0x7C00, s0  }
.Ltmp0:
0x8: {  	p0 =	sne.s32 s4, $0x0;
	s4 =	simm.s32 $0x1;
	(pc) =	sbr.rel .LBB1_1-.Ltmp0, $4  }
0x9: {  	[dreg:$0x3] =	wrdreg s7;
	s0 =	sshrl.u32 s0, $0xF;
	s4 =	simm.s32 @!p0 $0x0  }
0xa: {  	[sflag:s31] =	ssyncpa.u1 $0x0;
	[dreg:$0x2] =	wrdreg s6;
	s8 =	sadd.s32 s4, s0  }
0xb: {  	[sflag:s5] =	ssyncpa.u1 $0x0;
	s9 =	sadd.s32 $0x1, s8;
	[dreg:$0x5] =	wrdreg s8  }
0xc: {  	s2 =	simm.s32 $0x0;
	s12 =	smov.u32 s6;
	[dreg:$0x6] =	wrdreg s9  }
.LBB1_7:
0xd: {  	s0 =	sadd.s32 $0x8000, s12  }
0xe: {  	s2 =	sadd.s32 $0x10, s10;
	s3 =	smov.u32 s10;
	p1 =	sgt.s32 s0, $0x1FFFFF  }
0xf: {  	s3 =	smov.u32 @p1 s2  }
0x10: {  	s0 =	smov.u32 @p1 s6;
	p1 =	sgt.s32 s3, $0xF  }
0x11: {  	s3 =	simm.s32 @p1 $0x0;
	p1 =	sne.s32 s11, s9  }
.Ltmp1:
0x12: {  	p0 =	slt.u32 s11, $0x2;
	(pc) =	sbr.rel @!p1 .LBB1_8-.Ltmp1, $4  }
0x13: {  	s1 =	simm.s32 @!p0 $0x2  }
0x14: {  	s13 =	smov.u32 s12;
	_ =	swait.ge @!p0 [sflag:s1], $0x4000  }
0x15: {  	s2 =	smov.u32 s10;
	[sflag:s1] =	ssyncset.done @!p0 $0x0;
	s12 =	smov.u32 s0  }
0x16: {  	s11 =	sadd.s32 $0x1, s11;
	[sflag:s1] =	ssyncadd.s32 @!p0 $0xFFFFC000;
	s10 =	smov.u32 s3  }
.LBB1_1:
0x17: {  	p0 =	sge.u32 s11, s8;
	s31 =	sadd.s32 $0xFFFFFFFF, s11  }
0x18: {  	s0 =	sand.u32 @!p0 $0x78, s12;
	s1 =	sshll.u32 @!p0 s10, $0x15;
	s4 =	sshll.u32 @!p0 s10, $0x7  }
0x19: {  	s5 =	sshll.u32 @!p0 s12, $0x3;
	s1 =	sand.u32 @!p0 $0x1000000, s1;
	s4 =	sand.u32 @!p0 $0x380, s4  }
0x1a: {  	s1 =	sadd.s32 @!p0 s1, s5;
	s5 =	sand.u32 @!p0 $0x1FFC00, s5;
	s0 =	sor.u32 @!p0 s4, s0  }
0x1b: {  	s4 =	sxor.u32 @!p0 $0xFFFFFFFF, s11;
	s1 =	sand.u32 @!p0 $0x1E00000, s1;
	s0 =	sor.u32 @!p0 s5, s0  }
0x1c: {  	s4 =	sshll.u32 @!p0 s4, $0xE;
	s0 =	sor.u32 @!p0 s1, s0;
	s1 =	sand.u32 @!p0 $0x7, s12  }
0x1d: {  	s5 =	simm.s32 @!p0 $0x1000000;
	s0 =	sshrl.u32 @!p0 s0, $0x3;
	s1 =	sshll.u32 @!p0 s1, $0x12  }
0x1e: {  	s4 =	sand.u32 @!p0 $0x4000, s4;
	s0 =	sadd.s32 @!p0 s7, s0;
	s1 =	sor.u32 @!p0 $0x2000, s1  }
0x1f: {  	[tilespmem:s4], [sflag:$0x1] =	stream.strided.gather @!p0 [hbm4b:s0+s1], $0x4000, s5, s1, $0x38;
	[tilespmem:$0x10800] =	vst v63  }
0x20: {  	p0 =	sge.u32 s31, s8  }
.Ltmp2:
0x21: {  	_ = 	snop;
	(pc) =	sbr.rel @p0 .LBB1_7-.Ltmp2, $1  }
0x22: {  	_ =	sdelay $0x3  }
0x23: {  	[dreg:$0x9] =	wrdreg s13  }
0x24: {  	[dreg:$0x8] =	wrdreg s2;
	s0 =	sand.u32 $0x1, s11  }
0x25: {  	[dreg:$0x7] =	wrdreg s12;
	s31 =	simm.s32 $0x1;
	s1 =	smul.u32 $0x11000, s0  }
0x26: {  	_ =	swait.ge [sflag:s31], $0x4000  }
0x27: {  	s16 =	simm.s32 $0x0;
	[sflag:s31] =	ssyncset.done $0x0;
	s1 =	sshrl.u32 s1, $0x2  }
0x28: {  	s15 =	sshll.u32 s0, $0xE;
	[sflag:s31] =	ssyncadd.s32 $0xFFFFC000;
	s14 =	sor.u32 $0x8000, s1  }
.LBB1_3:
0x29: {  	s0 =	sshll.u32 s16, $0xA  }
0x2a: {  	s1 =	sshll.u32 s16, $0x7;
	s0 =	sand.u32 $0x2000, s0  }
0x2b: {  	s1 =	sand.u32 $0x380, s1;
	s0 =	sadd.s32 s0, s15  }
0x2c: {  	s0 =	sadd.s32 s1, s0  }
0x2d: {  	s17 =	sadd.s32 s16, s14;
	p0 =	por $0x1, $0x1;
	s18 =	simm.s32 $0x0;
	v0 =	vmov s0  }
.LBB1_4:
0x2e: {  	s0 =	smul.u32 $0x44, s18;
	s1 =	sshll.u32 s18, $0x3;
	s4 =	sor.u32 $0x80, s18  }
0x2f: {  	s9 =	sor.u32 $0x90, s18;
	s22 =	sor.u32 $0xA0, s18;
	s25 =	sor.u32 $0xB0, s18  }
0x30: {  	s2 =	sor.u32 $0xC0, s18;
	s3 =	sor.u32 $0xD0, s18;
	s7 =	smul.u32 $0x44, s4  }
0x31: {  	p1 =	por p0, p0;
	s29 =	sand.u32 $0x3FFFFFF8, s1;
	s13 =	smul.u32 $0x44, s9  }
0x32: {  	s8 =	sshll.u32 s4, $0x3;
	s21 =	sshll.u32 s9, $0x3;
	s5 =	smul.u32 $0x44, s22  }
0x33: {  	s24 =	sshll.u32 s22, $0x3;
	s27 =	smul.u32 $0x44, s25;
	s28 =	sshll.u32 s25, $0x3  }
0x34: {  	s4 =	sshll.u32 s2, $0x3;
	s25 =	smul.u32 $0x44, s3;
	s0 =	sshra.s32 s0, $0x2  }
0x35: {  	s30 =	sand.u32 $0x3FFFFFF8, s8;
	s31 =	sand.u32 $0x1400, s21;
	s1 =	sand.u32 $0x1400, s24  }
0x36: {  	s24 =	smul.u32 $0x44, s2;
	s8 =	sand.u32 $0x1400, s4;
	s0 =	sadd.s32 s0, s14  }
0x37: {  	s12 =	sshra.s32 s7, $0x2;
	s23 =	sshra.s32 s13, $0x2;
	s26 =	sshra.s32 s5, $0x2  }
0x38: {  	s5 =	sshra.s32 s27, $0x2;
	s7 =	sshll.u32 s3, $0x3;
	s9 =	sshra.s32 s25, $0x2  }
0x39: {  	s3 =	sor.u32 $0x100, s18;
	v55 =	vld.idx.msk [tilespmem:v0+s31+$0x10 ss:$0x1], $0xffff;
	s31 =	sor.u32 $0x140, s18;
	s19 =	sadd.s32 s16, s0  }
0x3a: {  	s20 =	sadd.s32 s12, s17;
	s21 =	sadd.s32 s23, s17;
	s22 =	sadd.s32 s26, s17  }
0x3b: {  	s0 =	sand.u32 $0x1400, s28;
	s23 =	sadd.s32 s5, s17;
	s6 =	sshra.s32 s24, $0x2  }
0x3c: {  	v1 =	vld.idx.msk [tilespmem:v0+s29+$0x0 ss:$0x1], $0xffff;
	s26 =	sor.u32 $0xE0, s18;
	s5 =	sand.u32 $0x1400, s7;
	s25 =	sadd.s32 s9, s17  }
0x3d: {  	v2 =	vld.idx.msk [tilespmem:v0+s29+$0x10 ss:$0x1], $0xffff;
	s28 =	sor.u32 $0xF0, s18;
	s24 =	sadd.s32 s6, s17;
	s27 =	smul.u32 $0x44, s26  }
0x3e: {  	v3 =	vld.idx.msk [tilespmem:v0+s29+$0x20 ss:$0x1], $0xffff;
	s12 =	sshll.u32 s26, $0x3;
	s2 =	smul.u32 $0x44, s28;
	s28 =	sshll.u32 s28, $0x3  }
0x3f: {  	s6 =	smul.u32 $0x44, s3;
	s3 =	sshll.u32 s3, $0x3;
	s4 =	sand.u32 $0x1400, s12  }
0x40: {  	v4 =	vld.idx.msk [tilespmem:v0+s29+$0x30 ss:$0x1], $0xffff;
	s7 =	sand.u32 $0x1400, s28;
	s3 =	sand.u32 $0x3FFFFFF8, s3;
	s13 =	sshra.s32 s27, $0x2  }
0x41: {  	v5 =	vld.idx.msk [tilespmem:v0+s29+$0x40 ss:$0x1], $0xffff;
	s27 =	sshra.s32 s2, $0x2;
	s2 =	sor.u32 $0x110, s18;
	s28 =	sshra.s32 s6, $0x2;
	[tilespmem:s19+$0x0 ss:$0x11] =	vst.msk $0xffff, v1  }
0x42: {  	v1 =	vld.idx.msk [tilespmem:v0+s29+$0x50 ss:$0x1], $0xffff;
	[tilespmem:s19+$0x110 ss:$0x11] =	vst.msk $0xffff, v2;
	s26 =	sadd.s32 s13, s17;
	s27 =	sadd.s32 s27, s17;
	s6 =	smul.u32 $0x44, s2  }
0x43: {  	v2 =	vld.idx.msk [tilespmem:v0+s29+$0x60 ss:$0x1], $0xffff;
	[tilespmem:s19+$0x220 ss:$0x11] =	vst.msk $0xffff, v3;
	s28 =	sadd.s32 s28, s17;
	s2 =	sshll.u32 s2, $0x3;
	s13 =	sor.u32 $0x120, s18  }
0x44: {  	v3 =	vld.idx.msk [tilespmem:v0+s29+$0x70 ss:$0x1], $0xffff;
	[tilespmem:s21+$0x0 ss:$0x11] =	vst.msk $0xffff, v55;
	s21 =	sor.u32 $0x170, s18;
	s2 =	sand.u32 $0x1800, s2;
	s12 =	smul.u32 $0x44, s13  }
0x45: {  	v54 =	vld.idx.msk [tilespmem:v0+s30+$0x0 ss:$0x1], $0xffff;
	[tilespmem:s19+$0x330 ss:$0x11] =	vst.msk $0xffff, v4;
	s9 =	sshll.u32 s13, $0x3;
	s13 =	sor.u32 $0x130, s18;
	s6 =	sshra.s32 s6, $0x2  }
0x46: {  	[tilespmem:s19+$0x440 ss:$0x11] =	vst.msk $0xffff, v5;
	s29 =	sadd.s32 s6, s17;
	s6 =	sand.u32 $0x1800, s9;
	s12 =	sshra.s32 s12, $0x2  }
0x47: {  	s9 =	smul.u32 $0x44, s13;
	s13 =	sshll.u32 s13, $0x3;
	s30 =	sadd.s32 s12, s17;
	[tilespmem:s19+$0x550 ss:$0x11] =	vst.msk $0xffff, v1;
	v1 =	vld.idx.msk [tilespmem:v0+s1+$0x20 ss:$0x1], $0xffff  }
0x48: {  	s1 =	sand.u32 $0x1800, s13;
	s12 =	smul.u32 $0x44, s31;
	[tilespmem:s19+$0x660 ss:$0x11] =	vst.msk $0xffff, v2;
	v2 =	vld.idx.msk [tilespmem:v0+s0+$0x30 ss:$0x1], $0xffff;
	s13 =	sshll.u32 s31, $0x3  }
0x49: {  	s31 =	sor.u32 $0x150, s18;
	[tilespmem:s19+$0x770 ss:$0x11] =	vst.msk $0xffff, v3;
	v3 =	vld.idx.msk [tilespmem:v0+s8+$0x40 ss:$0x1], $0xffff;
	s9 =	sshra.s32 s9, $0x2;
	s8 =	sand.u32 $0x1800, s13  }
0x4a: {  	v56 =	vld.idx.msk [tilespmem:v0+s5+$0x50 ss:$0x1], $0xffff;
	[tilespmem:s20+$0x0 ss:$0x11] =	vst.msk $0xffff, v54;
	s19 =	smul.u32 $0x44, s31;
	s20 =	sshll.u32 s31, $0x3;
	s31 =	sor.u32 $0x160, s18  }
0x4b: {  	v57 =	vld.idx.msk [tilespmem:v0+s4+$0x60 ss:$0x1], $0xffff;
	s0 =	sadd.s32 s9, s17;
	s12 =	sshra.s32 s12, $0x2;
	s4 =	sand.u32 $0x1800, s20  }
0x4c: {  	s5 =	sadd.s32 s12, s17;
	s12 =	sshra.s32 s19, $0x2;
	s19 =	smul.u32 $0x44, s31  }
0x4d: {  	s20 =	sshll.u32 s31, $0x3;
	s31 =	sor.u32 $0x180, s18;
	[tilespmem:s22+$0x0 ss:$0x11] =	vst.msk $0xffff, v1;
	v1 =	vld.idx.msk [tilespmem:v0+s7+$0x70 ss:$0x1], $0xffff;
	s7 =	sadd.s32 s12, s17  }
0x4e: {  	[tilespmem:s23+$0x0 ss:$0x11] =	vst.msk $0xffff, v2;
	v2 =	vld.idx.msk [tilespmem:v0+s3+$0x0 ss:$0x1], $0xffff;
	s3 =	sand.u32 $0x1800, s20;
	s22 =	sshra.s32 s19, $0x2;
	s23 =	smul.u32 $0x44, s21  }
0x4f: {  	[tilespmem:s24+$0x0 ss:$0x11] =	vst.msk $0xffff, v3;
	v3 =	vld.idx.msk [tilespmem:v0+s2+$0x10 ss:$0x1], $0xffff;
	s24 =	sshll.u32 s21, $0x3;
	s20 =	smul.u32 $0x44, s31;
	s21 =	sshll.u32 s31, $0x3  }
0x50: {  	[tilespmem:s25+$0x0 ss:$0x11] =	vst.msk $0xffff, v56;
	v58 =	vld.idx.msk [tilespmem:v0+s6+$0x20 ss:$0x1], $0xffff;
	s2 =	sadd.s32 s22, s17;
	s6 =	sand.u32 $0x1800, s24;
	s22 =	sor.u32 $0x190, s18  }
0x51: {  	[tilespmem:s26+$0x0 ss:$0x11] =	vst.msk $0xffff, v57;
	v59 =	vld.idx.msk [tilespmem:v0+s1+$0x30 ss:$0x1], $0xffff;
	s19 =	sshra.s32 s23, $0x2;
	s23 =	sand.u32 $0x3FFFFFF8, s21;
	s24 =	sshra.s32 s20, $0x2  }
0x52: {  	s25 =	smul.u32 $0x44, s22;
	s1 =	sadd.s32 s19, s17;
	s19 =	sor.u32 $0x1B0, s18;
	[tilespmem:s27+$0x0 ss:$0x11] =	vst.msk $0xffff, v1;
	v1 =	vld.idx.msk [tilespmem:v0+s8+$0x40 ss:$0x1], $0xffff  }
0x53: {  	s26 =	sshll.u32 s22, $0x3;
	s22 =	sshll.u32 s19, $0x3;
	[tilespmem:s28+$0x0 ss:$0x11] =	vst.msk $0xffff, v2;
	v2 =	vld.idx.msk [tilespmem:v0+s4+$0x50 ss:$0x1], $0xffff;
	s4 =	sadd.s32 s24, s17  }
0x54: {  	s27 =	sor.u32 $0x1A0, s18;
	[tilespmem:s29+$0x0 ss:$0x11] =	vst.msk $0xffff, v3;
	v3 =	vld.idx.msk [tilespmem:v0+s3+$0x60 ss:$0x1], $0xffff;
	s28 =	sand.u32 $0x1C00, s26;
	s29 =	sshra.s32 s25, $0x2  }
0x55: {  	[tilespmem:s30+$0x0 ss:$0x11] =	vst.msk $0xffff, v58;
	v60 =	vld.idx.msk [tilespmem:v0+s6+$0x70 ss:$0x1], $0xffff;
	s24 =	sand.u32 $0x1C00, s22;
	s25 =	sor.u32 $0x1C0, s18;
	s26 =	smul.u32 $0x44, s19  }
0x56: {  	[tilespmem:s0+$0x0 ss:$0x11] =	vst.msk $0xffff, v59;
	v61 =	vld.idx.msk [tilespmem:v0+s23+$0x0 ss:$0x1], $0xffff;
	s31 =	smul.u32 $0x44, s27;
	s6 =	sadd.s32 s29, s17;
	s13 =	sshll.u32 s27, $0x3  }
0x57: {  	s27 =	sshll.u32 s25, $0x3;
	s19 =	smul.u32 $0x44, s25;
	s20 =	sand.u32 $0x1C00, s13;
	[tilespmem:s5+$0x0 ss:$0x11] =	vst.msk $0xffff, v1;
	v1 =	vld.idx.msk [tilespmem:v0+s28+$0x10 ss:$0x1], $0xffff  }
0x58: {  	s29 =	sand.u32 $0x1C00, s27;
	s21 =	sshra.s32 s31, $0x2;
	[tilespmem:s7+$0x0 ss:$0x11] =	vst.msk $0xffff, v2;
	v2 =	vld.idx.msk [tilespmem:v0+s20+$0x20 ss:$0x1], $0xffff;
	s28 =	sor.u32 $0x1D0, s18  }
0x59: {  	s31 =	sor.u32 $0x1E0, s18;
	s23 =	sadd.s32 s21, s17;
	[tilespmem:s2+$0x0 ss:$0x11] =	vst.msk $0xffff, v3;
	v3 =	vld.idx.msk [tilespmem:v0+s24+$0x30 ss:$0x1], $0xffff;
	s30 =	sshll.u32 s28, $0x3  }
0x5a: {  	[tilespmem:s1+$0x0 ss:$0x11] =	vst.msk $0xffff, v60;
	v62 =	vld.idx.msk [tilespmem:v0+s29+$0x40 ss:$0x1], $0xffff;
	s13 =	sshll.u32 s31, $0x3;
	s18 =	sor.u32 $0x1F0, s18;
	s12 =	sand.u32 $0x1C00, s30  }
0x5b: {  	[tilespmem:s4+$0x0 ss:$0x11] =	vst.msk $0xffff, v61;
	s20 =	sand.u32 $0x1C00, s13;
	s24 =	smul.u32 $0x44, s31;
	s21 =	sshll.u32 s18, $0x3;
	v63 =	vld.idx.msk [tilespmem:v0+s12+$0x50 ss:$0x1], $0xffff  }
0x5c: {  	s0 =	sshra.s32 s26, $0x2;
	s22 =	smul.u32 $0x44, s28;
	s2 =	sand.u32 $0x1C00, s21;
	[tilespmem:s6+$0x0 ss:$0x11] =	vst.msk $0xffff, v1;
	v1 =	vld.idx.msk [tilespmem:v0+s20+$0x60 ss:$0x1], $0xffff  }
0x5d: {  	s0 =	sadd.s32 s0, s17;
	s26 =	smul.u32 $0x44, s18;
	[tilespmem:s23+$0x0 ss:$0x11] =	vst.msk $0xffff, v2;
	v2 =	vld.idx.msk [tilespmem:v0+s2+$0x70 ss:$0x1], $0xffff;
	s23 =	sshra.s32 s19, $0x2  }
.Ltmp3:
0x5e: {  	s1 =	sshra.s32 s22, $0x2;
	[tilespmem:s0+$0x0 ss:$0x11] =	vst.msk $0xffff, v3;
	s25 =	sadd.s32 s23, s17;
	(pc) =	sbr.rel @p1 .LBB1_4-.Ltmp3, $4  }
0x5f: {  	s28 =	sshra.s32 s24, $0x2;
	s27 =	sadd.s32 s1, s17;
	[tilespmem:s25+$0x0 ss:$0x11] =	vst.msk $0xffff, v62  }
0x60: {  	s29 =	sadd.s32 s28, s17;
	s30 =	sshra.s32 s26, $0x2;
	[tilespmem:s27+$0x0 ss:$0x11] =	vst.msk $0xffff, v63  }
0x61: {  	s31 =	sadd.s32 s30, s17;
	[tilespmem:s29+$0x0 ss:$0x11] =	vst.msk $0xffff, v1  }
0x62: {  	p0 =	por $0x0, $0x0;
	s18 =	simm.s32 $0x200;
	[tilespmem:s31+$0x0 ss:$0x11] =	vst.msk $0xffff, v2  }
0x63: {  	s16 =	sadd.s32 $0x1, s16  }
0x64: {  	p0 =	sne.s32 s16, $0x10  }
.Ltmp4:
0x65: {  	_ = 	snop;
	(pc) =	sbr.rel @p0 .LBB1_3-.Ltmp4, $1  }
0x66: {  	_ =	sdelay $0x3  }
0x67: {  	s0 =	rddreg [dreg:$0x9]  }
0x68: {  	s3 =	rddreg [dreg:$0x8]  }
0x69: {  	s29 =	rddreg [dreg:$0x4]  }
0x6a: {  	s31 =	simm.s32 $0x80;
	s6 =	rddreg [dreg:$0x2]  }
0x6b: {  	s7 =	rddreg [dreg:$0x3];
	s0 =	sshll.u32 s0, $0x7;
	s1 =	sshll.u32 s3, $0x3  }
0x6c: {  	s8 =	rddreg [dreg:$0x5];
	s2 =	sand.u32 $0xFFFFC00, s0;
	s1 =	sand.u32 $0xFFFFC00, s1  }
0x6d: {  	s9 =	rddreg [dreg:$0x6];
	s0 =	sand.u32 $0x380, s0;
	s1 =	sadd.s32 s1, s2  }
.Ltmp5:
0x6e: {  	s27 =	sshrl.u32 s3, $0x3;
	s0 =	sor.u32 s0, s1;
	(pc) =	sbr.rel .LBB1_7-.Ltmp5, $4  }
0x6f: {  	s28 =	sand.u32 $0x7, s3;
	s1 =	sand.u32 $0xF, s27;
	s0 =	sshrl.u32 s0, $0x3  }
0x70: {  	s2 =	sshll.u32 s28, $0x12;
	s1 =	sadd.s32 s29, s1;
	s0 =	sand.u32 $0x1FFFFF0, s0  }
0x71: {  	s12 =	rddreg [dreg:$0x7];
	s30 =	sor.u32 $0x10, s2;
	s0 =	sadd.s32 s0, s1  }
0x72: {  	[hbm4b:s0+s30] =	stream.strided.scatter [tilespmem:s14], [sflag:$0x2], $0x4000, s31, s30, $0x8;
	[tilespmem:$0x10800] =	vst v63  }
.LBB1_8:
0x73: {  	_ =	sfence.sel $0x180000  }
0x74: {  	s0 =	simm.s32 $0x1;
	[bflag:$0x0] =	sbarrier.arrive $0xFFFF  }
0x75: {  	s30 =	simm.s32 $0x2;
	[sflag:s0] =	ssyncpa.u1 $0x1  }
0x76: {  	[sflag:s30] =	ssyncpa.u1 $0x1  }
0x77: {  	_ =	strace $0x90000047  }
0x78: {  	s31 =	stileid.u32;
	[bflag:$0x2] =	sbarrier.arrive $0xFFFF  }
0x79: {  	p0 =	sne.s32 s31, $0x0;
	s0 =	rddreg [dreg:$0x1]  }
0x7a: {  	s0 =	sadd.s32 @!p0 $0x100000, s0  }
0x7b: {  	[sflag:s0] =	ssyncadd.tile.s32 @!p0 $0x1;
	_ =	shalt  }
.Lfunc_end1:
_tile_overlayer_lowered:
.L_overlay_start_2:
0x7c: {  	(tag) =	ssettag $0x2  }
0x7d: {  	s0 =	rddreg [dreg:$0x0];
	s2 =	stileid.u32  }
0x7e: {  	s1 =	rddreg [dreg:$0x1];
	p0 =	sne.s32 s2, $0x0  }
0x7f: {  	s3 =	rddreg [dreg:$0x2];
	[bflag:$0x3] =	sbarrier.arrive $0xFFFF;
	s2 =	simm.s32 @!p0 $0x1C01  }
0x80: {  	[timem:s3], [sflag:s2] =	dma.local @!p0 [hbm:s0], s1  }
0x81: {  	s0 =	simm.s32 @!p0 $0x1  }
0x82: {  	_ =	swait.ge @!p0 [sflag:s0], s1  }
0x83: {  	s1 =	ssub.s32 @!p0 $0x0, s1;
	[sflag:s0] =	ssyncset.done @!p0 $0x0  }
0x84: {  	[sflag:s0] =	ssyncadd.s32 @!p0 s1  }
0x85: {  	[bflag:$0x3] =	sbarrier.arrive $0xFFFF  }
0x86: {  	_ =	shalt  }

// kernel: sparse-core-data-format-call.cloned.1.call-start
scs
called_computation_lowered:
.L_overlay_start_0:
0x0: {  	s2 =	sld [smem:$0x3FD9]  }
0x1: {  	s3 =	sld [smem:$0x3FFE];
	_ =	sdelay $0x1  }
0x2: {  	s1 =	srdreg.scid  }
0x3: {  	s0 =	sand.u32 $0x1, s1  }
0x4: {  	s18 =	sshll.u32 s0, $0xA;
	s2 =	sadd.s32 s3, s2  }
0x5: {  	s2 =	sadd.s32 s2, s18  }
0x6: {  	[smem:$0x3FC3] =	sst s2  }
0x7: {  	_ = 	snop  }
0x8: {  	s2 =	sld [smem:$0x3FD0];
	(tm) =	ssettm $0x1  }
0x9: {  	s19 =	sld [smem:$0x3FFB];
	_ =	sdelay $0x3  }
0xa: {  	_ =	strace s19  }
0xb: {  	s3 =	sld [smem:$0x3FFC];
	_ =	sdelay $0x3  }
0xc: {  	_ =	strace s3  }
0xd: {  	s3 =	sld [smem:$0x3FFD];
	_ =	sdelay $0x3  }
0xe: {  	_ =	strace s3  }
0xf: {  	_ =	strace $0x8FFFFFFF  }
0x10: {  	s20 =	sld [smem:$0x3FDB];
	_ =	sdelay $0x1  }
0x11: {  	s4 =	simm.s32 $_scs_section_size  }
0x12: {  	s5 =	simm.s32 $_size__tile_overlayer_lowered;
	s6 =	simm.s32 $_tile_overlayer_lowered  }
0x13: {  	s23 =	simm.s32 $0x1BFF;
	s22 =	sshll.u32 s6, $0x1;
	s3 =	sadd.s32 s4, s20  }
0x14: {  	s7 =	simm.s32 $0x0;
	s21 =	sshll.u32 s5, $0x1;
	s5 =	sadd.s32 s22, s3  }
0x15: {  	[timem:s7], [sflag:s23] =	dma.local [hbm:s5], s21  }
0x16: {  	_ =	swait.ge [sflag:s23], s21  }
0x17: {  	s4 =	ssub.s32 $0x0, s21;
	[sflag:s23] =	ssyncset.done $0x0  }
0x18: {  	[sflag:s23] =	ssyncadd.s32 s4;
	_ =	sdelay $0x1  }
0x19: {  	s24 =	simm.s32 $0x1B8B  }
0x1a: {  	_ =	swait.ge [sflag:s24], $0x1  }
0x1b: {  	[sflag:s24] =	ssyncset.done $0x0  }
0x1c: {  	s26 =	simm.s32 $0x1B8E;
	s25 =	sld [smem:$0x3FFE];
	[sflag:s24] =	ssyncadd.s32 $0xFFFFFFFF  }
0x1d: {  	s27 =	simm.s32 $execute0_lowered;
	[smem:$0x3FD2] =	sst s26  }
0x1e: {  	s5 =	sshll.u32 s27, $0x1;
	_ =	strace $0x8000004C;
	[dreg:$0x1] =	wrdreg $0xFFFFFFFF  }
0x1f: {  	s28 =	simm.s32 $_size_execute0_lowered;
	s3 =	sadd.s32 s3, s5;
	[dreg:$0x0] =	wrdreg $0x0  }
0x20: {  	s5 =	sshll.u32 s28, $0x1;
	[dreg:$0x2] =	wrdreg s3  }
0x21: {  	[dreg:$0x3] =	wrdreg s5  }
0x22: {  	[dreg:$0x4] =	wrdreg $0xC0  }
0x23: {  	_ =	task [dreg:s7], $0x5FFFF  }
0x24: {  	[dreg:$0x1] =	wrdreg $0xFFFFFFFF  }
0x25: {  	[dreg:$0x0] =	wrdreg $0x60  }
0x26: {  	[dreg:$0x2] =	wrdreg s25  }
0x27: {  	[dreg:$0x3] =	wrdreg s2  }
0x28: {  	[dreg:$0x4] =	wrdreg $0x9  }
0x29: {  	_ =	task.clear_ibuf [dreg:s7], $0x5FFFF;
	_ =	strace $0x9000004C  }
0x2a: {  	s29 =	simm.s32 $0x9;
	_ =	strace $0x8000004E  }
0x2b: {  	_ =	swait.ge [sflag:s29], $0x1  }
0x2c: {  	[sflag:s29] =	ssyncadd.s32 $0xFFFFFFFF  }
0x2d: {  	_ =	strace $0x9000004E  }
0x2e: {  	_ =	sfence  }
0x2f: {  	s30 =	sld [smem:$0x0];
	_ =	sdelay $0x2  }
0x30: {  	s31 =	sshll.u32 s1, $0xD;
	s1 =	sshrl.u32 s1, $0x2  }
0x31: {  	s3 =	sand.u32 $0x4000, s31;
	s1 =	sadd.s32 s1, s30  }
0x32: {  	s0 =	sor.u32 s3, s0;
	s1 =	sshll.u32 s1, $0x11  }
0x33: {  	s0 =	sor.u32 s1, s0  }
0x34: {  	s0 =	sadd.s32 $0x8F2B, s0  }
0x35: {  	[sflag:s0] =	ssyncadd.remote.s32 $0x1  }
0x36: {  	_ =	sfence.sel $0xFFFF  }
0x37: {  	[dreg:$0x0] =	wrdreg $0xFFFFFFFF;
	(pc) =	sbr.abs _section_cstart, $3  }
0x38: {  	[dreg:$0x1] =	wrdreg $0xFFFFFFFF  }
0x39: {  	_ =	task.clear_ibuf [dreg:s7], $0x2FFFF;
	_ =	strace $0x9FFFFFFF  }
0x3a: {  	(tm) =	ssettm $0x7FFFFFFF  }
0x3b: {  	_ =	shalt  }
tec
execute0_lowered:
.L_overlay_start_1:
0x0: {  	(tag) =	ssettag $0x1  }
0x1: {  	s4 =	rddreg [dreg:$0x0]  }
0x2: {  	s0 =	srdreg.scid;
	s2 =	rddreg [dreg:$0x1]  }
0x3: {  	s1 =	stileid.u32;
	s5 =	simm.s32 $0x1;
	s0 =	sshll.u32 s0, $0x4  }
0x4: {  	s7 =	simm.s32 $0x2;
	s11 =	simm.s32 $0x0;
	s3 =	sand.u32 $0x10, s0  }
.Ltmp0:
0x5: {  	p0 =	por $0x0, $0x0;
	s3 =	sor.u32 s1, s3;
	(pc) =	sbr.rel .LBB1_1-.Ltmp0, $4  }
0x6: {  	s8 =	simm.s32 $0x3D0C00;
	s10 =	simm.s32 $0x0;
	s3 =	sshll.u32 s3, $0x7  }
0x7: {  	s0 =	rddreg [dreg:$0x2];
	_ =	strace $0x8000004D;
	s6 =	ssub.s32 $0x7A100, s3  }
0x8: {  	s4 =	sadd.s32 $0x3200, s4;
	[sflag:s5] =	ssyncpa.u1 $0x0;
	s6 =	sshrl.u32 s6, $0xC  }
0x9: {  	[sflag:s7] =	ssyncpa.u1 $0x0;
	s9 =	smov.u32 s3;
	s7 =	sadd.s32 $0x2, s6  }
.LBB1_5:
0xa: {  	s13 =	sadd.s32 $0x1000, s9  }
0xb: {  	p2 =	sgt.s32 s13, $0x7A11F  }
0xc: {  	s13 =	smov.u32 @p2 s3;
	p2 =	sne.s32 s10, s7  }
.Ltmp1:
0xd: {  	p1 =	slt.u32 s10, $0x2;
	(pc) =	sbr.rel @!p2 .LBB1_6-.Ltmp1, $4  }
0xe: {  	s12 =	simm.s32 @!p1 $0x2  }
0xf: {  	s14 =	sadd.s32 $0x1, s10;
	_ =	swait.ge @!p1 [sflag:s12], $0x1000  }
0x10: {  	s11 =	smov.u32 s9;
	p0 =	por !p0, !p0;
	[sflag:s12] =	ssyncset.done @!p1 $0x0  }
0x11: {  	s10 =	smov.u32 s14;
	s9 =	smov.u32 s13;
	[sflag:s12] =	ssyncadd.s32 @!p1 $0xFFFFF000  }
.LBB1_1:
0x12: {  	p1 =	sgt.u32 s10, s6  }
0x13: {  	s13 =	smov.u32 s9;
	p2 =	sgt.s32 @!p1 s9, $0x7A0A0  }
0x14: {  	s12 =	sand.u32 @!p1 $0x1FFFFFF, s9;
	s14 =	sshra.s32 @!p1 s9, $0x1F;
	p2 =	por !p2, p1  }
0x15: {  	s15 =	smulhi.u32 @!p1 $0x218DEF5, s12;
	s14 =	sand.u32 @!p1 s14, s9;
	s13 =	simm.s32 @p2 $0x7A0A0  }
0x16: {  	s13 =	ssub.s32 @!p1 s13, s14  }
0x17: {  	s14 =	sshrl.u32 @!p1 s15, $0xC;
	s13 =	sadd.s32 @!p1 $0xFFF85F60, s13  }
0x18: {  	s15 =	sxor.u32 @!p1 $0xFFFFFFFF, s10;
	s14 =	smul.u32 @!p1 $0x7A120, s14;
	s16 =	sshll.u32 @!p1 s13, $0x7  }
0x19: {  	s15 =	sshll.u32 @!p1 s15, $0xC;
	p2 =	sgt.s32 @!p1 s13, $0x7F;
	s13 =	ssub.s32 @!p1 $0x4000, s16  }
0x1a: {  	s12 =	ssub.s32 @!p1 s12, s14;
	p2 =	por !p2, p1;
	s14 =	sand.u32 @!p1 $0x1000, s15  }
0x1b: {  	s15 =	simm.s32 @!p1 $0x20;
	s13 =	sshrl.u32 @!p1 s13, $0x2;
	s12 =	sshll.u32 @!p1 s12, $0x4  }
0x1c: {  	s16 =	simm.s32 @!p1 $0x80;
	s13 =	simm.s32 @!p2 $0x0;
	s12 =	sadd.s32 @!p1 s4, s12  }
0x1d: {  	[tilespmem:s14], [sflag:$0x1] =	stream.strided.gather @!p1 [hbm4b:s12+s15], s13, s16, s15, $0x38;
	[tilespmem:$0x4040] =	vst v63  }
0x1e: {  	p1 =	seq.s32 s10, $0x0  }
0x1f: {  	p2 =	sge.u32 @!p1 s10, s7  }
0x20: {  	p1 =	por p1, p2  }
.Ltmp2:
0x21: {  	_ = 	snop;
	(pc) =	sbr.rel @p1 .LBB1_5-.Ltmp2, $1  }
0x22: {  	_ =	sdelay $0x3  }
0x23: {  	p1 =	sgt.s32 s11, $0x7A0A0;
	s12 =	smov.u32 s11;
	s13 =	sshra.s32 s11, $0x1F  }
0x24: {  	s12 =	simm.s32 @!p1 $0x7A0A0;
	s13 =	sand.u32 s13, s11  }
0x25: {  	s12 =	ssub.s32 s12, s13  }
0x26: {  	s12 =	sadd.s32 $0xFFF85F60, s12  }
0x27: {  	s28 =	sshll.u32 s12, $0x7  }
0x28: {  	s13 =	ssub.s32 $0x4000, s28  }
0x29: {  	p1 =	sgt.s32 s12, $0x7F;
	s12 =	sshrl.u32 s13, $0x2  }
0x2a: {  	s13 =	simm.s32 $0x1;
	s12 =	simm.s32 @p1 $0x0  }
0x2b: {  	s13 =	simm.s32 @!p0 $0x0;
	_ =	swait.ge [sflag:s5], s12  }
0x2c: {  	s14 =	sshll.u32 s13, $0xC;
	s12 =	ssub.s32 $0x0, s12;
	[sflag:s5] =	ssyncset.done $0x0  }
0x2d: {  	s16 =	sor.u32 $0x10, s14;
	[sflag:s5] =	ssyncadd.s32 s12  }
0x2e: {  	s29 =	smul.u32 $0x4080, s13;
	v1 =	vld [tilespmem:s16+$0x0]  }
0x2f: {  	s30 =	sand.u32 $0x1, s10;
	v0 =	vld [tilespmem:s16+$0xFFFFFFF0]  }
0x30: {  	s13 =	smul.u32 $0x4080, s30;
	s12 =	sshrl.u32 s29, $0x2  }
0x31: {  	s14 =	sor.u32 $0x2000, s12  }
0x32: {  	s31 =	sshrl.u32 s13, $0x2;
	s13 =	sadd.s32 $0x0, s14  }
0x33: {  	s15 =	simm.s32 $0x4;
	s12 =	sor.u32 $0x2000, s31;
	s16 =	sadd.s32 $0x20, s16;
	[tilespmem:s13+$0x810 ss:$0x81] =	vst.msk $0xffff, v1  }
.LBB1_3:
0x34: {  	v1 =	vld [tilespmem:s16+$0x0];
	p1 =	sne.s32 s15, $0x1FC;
	[tilespmem:s13+$0x0 ss:$0x81] =	vst.msk $0xffff, v0;
	s13 =	smov.u32 s15;
	s15 =	sadd.s32 $0x4, s15  }
.Ltmp3:
0x35: {  	v0 =	vld [tilespmem:s16+$0xFFFFFFF0];
	(pc) =	sbr.rel @p1 .LBB1_3-.Ltmp3, $4  }
0x36: {  	_ = 	snop  }
0x37: {  	s13 =	sshra.s32 s13, $0x2  }
0x38: {  	s13 =	sadd.s32 s13, s14  }
0x39: {  	s16 =	sadd.s32 $0x20, s16;
	[tilespmem:s13+$0x810 ss:$0x81] =	vst.msk $0xffff, v1  }
0x3a: {  	s14 =	sshll.u32 s11, $0x3  }
0x3b: {  	s14 =	sand.u32 $0xFFFFFC00, s14  }
0x3c: {  	s15 =	sshrl.u32 s14, $0x7  }
0x3d: {  	s15 =	smulhi.u32 $0x10C6249, s15;
	_ =	sdelay $0x1  }
0x3e: {  	s15 =	sshrl.u32 s15, $0x4  }
0x3f: {  	s28 =	sand.u32 $0x7F, s11;
	s16 =	smul.u32 $0x7A180, s15  }
0x40: {  	s11 =	sor.u32 s28, s14  }
.Ltmp4:
0x41: {  	s29 =	sand.u32 $0x1F, s15;
	s11 =	ssub.s32 s11, s16;
	(pc) =	sbr.rel .LBB1_5-.Ltmp4, $4  }
0x42: {  	s14 =	smul.u32 $0xF430, s29;
	s30 =	sshrl.u32 s11, $0x3;
	s11 =	sand.u32 $0x7, s11  }
0x43: {  	s15 =	sadd.s32 s2, s30;
	s11 =	sshll.u32 s11, $0x12  }
0x44: {  	[tilespmem:s13+$0x0 ss:$0x81] =	vst.msk $0xffff, v0;
	s31 =	sadd.s32 s14, s15;
	s11 =	sor.u32 $0x400, s11  }
0x45: {  	[hbm4b:s31+s11] =	stream.strided.scatter [tilespmem:s12], [sflag:$0x2], $0x1000, s8, s11, $0x20;
	[tilespmem:$0x4040] =	vst v63  }
.LBB1_6:
0x46: {  	_ =	sfence.sel $0x180000  }
0x47: {  	s2 =	simm.s32 $0x1;
	[bflag:$0x0] =	sbarrier.arrive $0xFFFF  }
0x48: {  	s31 =	simm.s32 $0x2;
	[sflag:s2] =	ssyncpa.u1 $0x1  }
0x49: {  	[sflag:s31] =	ssyncpa.u1 $0x1  }
0x4a: {  	p0 =	sne.s32 s1, $0x0;
	_ =	strace $0x9000004D  }
0x4b: {  	s0 =	sadd.s32 @!p0 $0x100000, s0;
	[bflag:$0x2] =	sbarrier.arrive $0xFFFF  }
0x4c: {  	[sflag:s0] =	ssyncadd.tile.s32 @!p0 $0x1;
	_ =	shalt  }
.Lfunc_end1:
_tile_overlayer_lowered:
.L_overlay_start_2:
0x4d: {  	(tag) =	ssettag $0x2  }
0x4e: {  	s0 =	rddreg [dreg:$0x0];
	s2 =	stileid.u32  }
0x4f: {  	s1 =	rddreg [dreg:$0x1];
	p0 =	sne.s32 s2, $0x0  }
0x50: {  	s3 =	rddreg [dreg:$0x2];
	[bflag:$0x3] =	sbarrier.arrive $0xFFFF;
	s2 =	simm.s32 @!p0 $0x1C01  }
0x51: {  	[timem:s3], [sflag:s2] =	dma.local @!p0 [hbm:s0], s1  }
0x52: {  	s0 =	simm.s32 @!p0 $0x1  }
0x53: {  	_ =	swait.ge @!p0 [sflag:s0], s1  }
0x54: {  	s1 =	ssub.s32 @!p0 $0x0, s1;
	[sflag:s0] =	ssyncset.done @!p0 $0x0  }
0x55: {  	[sflag:s0] =	ssyncadd.s32 @!p0 s1  }
0x56: {  	[bflag:$0x3] =	sbarrier.arrive $0xFFFF  }
0x57: {  	_ =	shalt  }

</sc_bundles>
